<compile_context>
chip_gen: v7x
topology: tpu7x:2x2x1
jax: 0.10.2.dev20260603
libtpu: 0.0.44.dev20260713+nightly
codegen_flags: <defaults>
</compile_context>

<pallas_src>
import functools

import jax
import jax.numpy as jnp
import numpy as np
from jax import lax
from jax.experimental import pallas as pl
from jax.experimental.pallas import tpu as pltpu
from jax.experimental.pallas import tpu_sc as plsc

_H = 125
_HC = 25
_LANES = 16
_U = 61
_US = 31
_SIZES = (61, 31, 15)
_SCALES = (4, 2, 1)
_PADS = (16, 8, 4)
_TYPES = ((0, 0, 61), (1, 0, 31), (2, 0, 15))
_STARTS = (0, 61, 92)
_NUNITS = 107


def _to_rows(x):
    B, C, H, W = x.shape
    y = x.reshape(B, 2, 128, H, W).transpose(3, 4, 1, 0, 2)
    return y.reshape(H * W, 8, 128)


def _from_rows(y, H, W):
    z = y.reshape(H, W, 2, 4, 128).transpose(3, 2, 4, 0, 1)
    return z.reshape(4, 256, H, W)


def _body(ffr, cor, anch, zin, q0, q1, q2, q3,
          av, bufa, bufb, zer, idxa, idxb,
          sem_ga, sem_gb, sem_o, sem_m, *, nsub, nworkers):
    outs = {0: q0, 1: q1, 2: q2}
    bufs = (bufa, bufb)
    idxs = (idxa, idxb)
    gsems = (sem_ga, sem_gb)

    wid = lax.axis_index("c") * nsub + lax.axis_index("s")

    pltpu.sync_copy(zin, zer)

    pltpu.sync_copy(anch, av)
    lane = lax.iota(jnp.int32, _LANES)
    r = jnp.max(plsc.load_gather(av, [lane]))
    c = jnp.max(plsc.load_gather(av, [_LANES + lane]))

    zero16 = jnp.broadcast_to(jnp.int32(0), (_LANES,))
    for ib, ulen in ((idxa, _U), (idxb, _US)):
        for j in range((ulen + _LANES - 1) // _LANES):
            off = _LANES * j + lane
            if _LANES * (j + 1) <= ulen:
                plsc.store_scatter(ib, [off], zero16)
            else:
                plsc.store_scatter(ib, [off], zero16, mask=off < ulen)

    tconst = []
    for (k, col0, npx) in _TYPES:
        size, scale, pad = _SIZES[k], _SCALES[k], _PADS[k]
        r0 = scale * r - pad
        c0 = scale * c - pad
        chunks = []
        for j in range((npx + _LANES - 1) // _LANES):
            oc = _LANES * j + lane
            chunks.append((oc, jnp.clip(c0 + col0 + oc, 0, _H - 1),
                           oc < npx))
        nlo = jnp.clip(-c0 - col0, 0, npx)
        nhi = jnp.clip(c0 + col0 + npx - _H, 0, npx)
        tconst.append((k, col0, npx, r0, chunks, nlo, nhi))

    def unit_u(rid, t):
        return rid - _STARTS[t]

    def build_idx(slot_rid, par):
        for t, (k, col0, npx, r0, chunks, nlo, nhi) in enumerate(tconst):
            if (par == 0) != (t == 0):
                continue
            lo = _STARTS[t]
            hi = _STARTS[t + 1] if t + 1 < len(_STARTS) else _NUNITS
            u = unit_u(slot_rid, t)
            srow = r0 + u
            valid = jnp.logical_and(srow >= 0, srow < _H)
            on = jnp.logical_and(
                jnp.logical_and(slot_rid >= lo, slot_rid < hi), valid)

            @pl.when(on)
            def _():
                rbase = srow * _H
                for (oc, ccl, m) in chunks:
                    plsc.store_scatter(idxs[par], [oc], rbase + ccl, mask=m)

    def finish_unit(slot_rid, par):
        for t, (k, col0, npx, r0, chunks, nlo, nhi) in enumerate(tconst):
            if (par == 0) != (t == 0):
                continue
            lo = _STARTS[t]
            hi = _STARTS[t + 1] if t + 1 < len(_STARTS) else _NUNITS
            u = unit_u(slot_rid, t)
            srow = r0 + u
            valid = jnp.logical_and(srow >= 0, srow < _H)
            on = jnp.logical_and(slot_rid >= lo, slot_rid < hi)
            base = _SIZES[k] * u + col0
            buf = bufs[par]

            @pl.when(jnp.logical_and(on, valid))
            def _():
                def zlo(p, carry):
                    pltpu.sync_copy(zin.at[pl.ds(0, 1)],
                                    buf.at[pl.ds(p, 1)])
                    return carry

                def zhi(p, carry):
                    pltpu.sync_copy(zin.at[pl.ds(0, 1)],
                                    buf.at[pl.ds(npx - 1 - p, 1)])
                    return carry

                lax.fori_loop(0, nlo, zlo, jnp.int32(0))
                lax.fori_loop(0, nhi, zhi, jnp.int32(0))
                pltpu.async_copy(buf.at[pl.ds(0, npx)],
                                 outs[k].at[pl.ds(base, npx)], sem_o).wait()

            @pl.when(jnp.logical_and(on, jnp.logical_not(valid)))
            def _():
                off = 0
                while off < npx:
                    n = min(_LANES, npx - off)
                    pltpu.sync_copy(zer.at[pl.ds(0, n)],
                                    outs[k].at[pl.ds(base + off, n)])
                    off += n

    nslots = 4
    rids = [jnp.minimum(wid, _STARTS[1] - 1),
            _STARTS[1] + wid,
            jnp.minimum(nworkers + wid, _STARTS[1] - 1),
            jnp.minimum(_STARTS[1] + nworkers + wid, _NUNITS - 1)]

    build_idx(rids[0], 0)
    g = pltpu.async_copy(ffr.at[idxs[0]], bufs[0], gsems[0])
    for s in range(nslots):
        par = s % 2
        nxt = (s + 1) % 2
        g.wait()
        if s + 1 < nslots:
            build_idx(rids[s + 1], nxt)
            g = pltpu.async_copy(ffr.at[idxs[nxt]], bufs[nxt], gsems[nxt])
        finish_unit(rids[s], par)

    @pl.when(wid == nworkers - 1)
    def _():
        s25 = _HC * r + c
        pltpu.sync_copy(cor.at[pl.ds(s25, 1)], bufa.at[pl.ds(0, 1)])
        pltpu.sync_copy(bufa.at[pl.ds(0, 1)], q3)


def kernel(full_feature, corr_feature, anchor):
    B, C, H, W = full_feature.shape
    ffr = _to_rows(full_feature)
    cor = _to_rows(corr_feature)
    a32 = anchor.astype(jnp.int32)
    anch = jnp.concatenate([
        jnp.broadcast_to(a32[0], (_LANES,)),
        jnp.broadcast_to(a32[1], (_LANES,)),
    ])
    f32 = jnp.float32
    zin = jnp.asarray(np.zeros((_LANES, 8, 128), np.float32))

    mesh = plsc.VectorSubcoreMesh(core_axis_name="c", subcore_axis_name="s")
    nworkers = mesh.num_cores * mesh.num_subcores

    run = pl.kernel(
        functools.partial(_body, nsub=mesh.num_subcores, nworkers=nworkers),
        out_type=(
            jax.ShapeDtypeStruct((61 * 61, 8, 128), f32),
            jax.ShapeDtypeStruct((31 * 31, 8, 128), f32),
            jax.ShapeDtypeStruct((15 * 15, 8, 128), f32),
            jax.ShapeDtypeStruct((1, 8, 128), f32),
        ),
        mesh=mesh,
        compiler_params=pltpu.CompilerParams(use_tc_tiling_on_sc=True,
                                             needs_layout_passes=False),
        scratch_types=[
            pltpu.VMEM((2 * _LANES,), jnp.int32),
            pltpu.VMEM((_U, 8, 128), f32),
            pltpu.VMEM((_US, 8, 128), f32),
            pltpu.VMEM((_LANES, 8, 128), f32),
            pltpu.VMEM((_U,), jnp.int32),
            pltpu.VMEM((_US,), jnp.int32),
            pltpu.SemaphoreType.DMA,
            pltpu.SemaphoreType.DMA,
            pltpu.SemaphoreType.DMA,
            pltpu.SemaphoreType.DMA,
        ],
    )
    q0, q1, q2, q3 = run(ffr, cor, anch, zin)

    return (_from_rows(q0, 61, 61), _from_rows(q1, 31, 31),
            _from_rows(q2, 15, 15), _from_rows(q3, 1, 1))

# --- scband reference (transcript-rebuilt; emitter-appended) ---
"""Pipeline reference for scband-anchor-patches-61486751810033 (READ-ONLY COPY).

The authoritative reference and input builder live on the scoring server;
editing this copy changes nothing except your own understanding.
"""

import jax, jax.numpy as jnp
import numpy as np


def setup_inputs(seed: int = 0) -> dict:
    key = jax.random.key(seed)
    k1, k2, k3 = jax.random.split(key, 3)
    full_feature = jax.random.normal(k1, (4, 256, 125, 125), dtype=jnp.float32)
    corr_feature = jax.random.normal(k2, (4, 256, 25, 25), dtype=jnp.float32)
    anchor = jax.random.randint(k3, (2,), 0, 25, dtype=jnp.int64)
    return {"full_feature": full_feature, "corr_feature": corr_feature, "anchor": anchor}


def reference(full_feature, corr_feature, anchor):
    # SiamMask-style anchor patch extraction: multi-scale crops from the full
    # feature map centered at the best anchor position, plus a 1x1 crop from
    # the correlation feature map.
    B, C, H, W = full_feature.shape
    Bc, Cc, Hc, Wc = corr_feature.shape
    pos_r = anchor[0].astype(jnp.int32)
    pos_c = anchor[1].astype(jnp.int32)
    zero = jnp.int32(0)

    ff0 = jnp.pad(full_feature, ((0, 0), (0, 0), (16, 16), (16, 16)))
    p0 = jax.lax.dynamic_slice(ff0, (zero, zero, 4 * pos_r, 4 * pos_c), (B, C, 61, 61))

    ff1 = jnp.pad(full_feature, ((0, 0), (0, 0), (8, 8), (8, 8)))
    p1 = jax.lax.dynamic_slice(ff1, (zero, zero, 2 * pos_r, 2 * pos_c), (B, C, 31, 31))

    ff2 = jnp.pad(full_feature, ((0, 0), (0, 0), (4, 4), (4, 4)))
    p2 = jax.lax.dynamic_slice(ff2, (zero, zero, pos_r, pos_c), (B, C, 15, 15))

    p3 = jax.lax.dynamic_slice(corr_feature, (zero, zero, pos_r, pos_c), (Bc, Cc, 1, 1))
    return (p0, p1, p2, p3)

if __name__ == "__main__":
    import jax
    _d = setup_inputs()
    print(jax.jit(kernel)(*tuple(_d.values())))

</pallas_src>

<mosaic_0001>
#map = affine_map<(d0, d1) -> (0, 0, 0)>
#map1 = affine_map<(d0, d1) -> (0)>
module attributes {stable_mosaic.version = 14 : i64} {
  func.func @_body(%arg0: i32, %arg1: i32, %arg2: memref<15625x8x128xf32, #tpu.memory_space<hbm>>, %arg3: memref<625x8x128xf32, #tpu.memory_space<hbm>>, %arg4: memref<32xi32, #tpu.memory_space<hbm>>, %arg5: memref<16x8x128xf32, #tpu.memory_space<hbm>>, %arg6: memref<3721x8x128xf32, #tpu.memory_space<hbm>>, %arg7: memref<961x8x128xf32, #tpu.memory_space<hbm>>, %arg8: memref<225x8x128xf32, #tpu.memory_space<hbm>>, %arg9: memref<1x8x128xf32, #tpu.memory_space<hbm>>, %arg10: memref<32xi32, #tpu.memory_space<vmem>>, %arg11: memref<61x8x128xf32, #tpu.memory_space<vmem>>, %arg12: memref<31x8x128xf32, #tpu.memory_space<vmem>>, %arg13: memref<16x8x128xf32, #tpu.memory_space<vmem>>, %arg14: memref<61xi32, #tpu.memory_space<vmem>>, %arg15: memref<31xi32, #tpu.memory_space<vmem>>, %arg16: memref<!tpu.dma_semaphore, #tpu.memory_space<semaphore_mem>>, %arg17: memref<!tpu.dma_semaphore, #tpu.memory_space<semaphore_mem>>, %arg18: memref<!tpu.dma_semaphore, #tpu.memory_space<semaphore_mem>>, %arg19: memref<!tpu.dma_semaphore, #tpu.memory_space<semaphore_mem>>) attributes {dimension_semantics = [#tpu.dimension_semantics<core_parallel>, #tpu.dimension_semantics<subcore_parallel>], iteration_bounds = array<i64: 2, 16>, scalar_prefetch = 0 : i64, scratch_operands = 10 : i64, tpu.core_type = #tpu.core_type<sc_vector_subcore>, window_params = [{transform_indices = #map}, {transform_indices = #map}, {transform_indices = #map1}, {transform_indices = #map}, {transform_indices = #map}, {transform_indices = #map}, {transform_indices = #map}, {transform_indices = #map}]} {
    %mul3A = arith.constant 16 : i32
    %mul3A_0 = arith.muli %arg0, %mul3A : i32
    %add3A = arith.addi %mul3A_0, %arg1 : i32
    "tpu.region"() ({
      %run_scoped3A = tpu.sem_alloc : memref<!tpu.dma_semaphore, #tpu.memory_space<semaphore_mem>>
      tpu.enqueue_dma source(%arg5 : memref<16x8x128xf32, #tpu.memory_space<hbm>>) target(%arg13 : memref<16x8x128xf32, #tpu.memory_space<vmem>>) target_semaphore(%run_scoped3A : memref<!tpu.dma_semaphore, #tpu.memory_space<semaphore_mem>>)
      tpu.wait_dma2 semaphore(%run_scoped3A : memref<!tpu.dma_semaphore, #tpu.memory_space<semaphore_mem>>) src(%arg5 : memref<16x8x128xf32, #tpu.memory_space<hbm>>) dst(%arg13 : memref<16x8x128xf32, #tpu.memory_space<vmem>>)
      tpu.yield
    }) : () -> ()
    "tpu.region"() ({
      %run_scoped3A = tpu.sem_alloc : memref<!tpu.dma_semaphore, #tpu.memory_space<semaphore_mem>>
      tpu.enqueue_dma source(%arg4 : memref<32xi32, #tpu.memory_space<hbm>>) target(%arg10 : memref<32xi32, #tpu.memory_space<vmem>>) target_semaphore(%run_scoped3A : memref<!tpu.dma_semaphore, #tpu.memory_space<semaphore_mem>>)
      tpu.wait_dma2 semaphore(%run_scoped3A : memref<!tpu.dma_semaphore, #tpu.memory_space<semaphore_mem>>) src(%arg4 : memref<32xi32, #tpu.memory_space<hbm>>) dst(%arg10 : memref<32xi32, #tpu.memory_space<vmem>>)
      tpu.yield
    }) : () -> ()
    %iota3A = tpu.iota {dimensions = array<i32: 0>} : vector<16xi32>
    %gather3A = tpu.vector_load_idx %arg10[%iota3A] : memref<32xi32, #tpu.memory_space<vmem>>[vector<16xi32>], vector<16xi32>,
    %reduce_max3A = arith.constant true
    %reduce_max3A_1 = vector.broadcast %reduce_max3A : i1 to vector<16xi1>
    %reduce_max3A_2 = arith.constant -2147483648 : i32
    %reduce_max3A_3 = vector.broadcast %reduce_max3A_2 : i32 to vector<16xi32>
    %reduce_max3A_4 = arith.xori %gather3A, %reduce_max3A_3 : vector<16xi32>
    %reduce_max3A_5 = tpu.scan <max>, %reduce_max3A_4 masked %reduce_max3A_1 : vector<16xi32>, vector<16xi1> -> vector<16xi32>
    %reduce_max3A_6 = arith.xori %reduce_max3A_5, %reduce_max3A_3 : vector<16xi32>
    %reduce_max3A_7 = vector.extract %reduce_max3A_6[15] : i32 from vector<16xi32>
    %add3A_8 = arith.constant 16 : i32
    %add3A_9 = vector.broadcast %add3A_8 : i32 to vector<16xi32>
    %add3A_10 = arith.addi %add3A_9, %iota3A : vector<16xi32>
    %gather3A_11 = tpu.vector_load_idx %arg10[%add3A_10] : memref<32xi32, #tpu.memory_space<vmem>>[vector<16xi32>], vector<16xi32>,
    %reduce_max3A_12 = arith.constant true
    %reduce_max3A_13 = vector.broadcast %reduce_max3A_12 : i1 to vector<16xi1>
    %reduce_max3A_14 = arith.constant -2147483648 : i32
    %reduce_max3A_15 = vector.broadcast %reduce_max3A_14 : i32 to vector<16xi32>
    %reduce_max3A_16 = arith.xori %gather3A_11, %reduce_max3A_15 : vector<16xi32>
    %reduce_max3A_17 = tpu.scan <max>, %reduce_max3A_16 masked %reduce_max3A_13 : vector<16xi32>, vector<16xi1> -> vector<16xi32>
    %reduce_max3A_18 = arith.xori %reduce_max3A_17, %reduce_max3A_15 : vector<16xi32>
    %reduce_max3A_19 = vector.extract %reduce_max3A_18[15] : i32 from vector<16xi32>
    %broadcast_in_dim3A = arith.constant 0 : i32
    %broadcast_in_dim3A_20 = vector.broadcast %broadcast_in_dim3A : i32 to vector<16xi32>
    %add3A_21 = arith.constant 0 : i32
    %add3A_22 = vector.broadcast %add3A_21 : i32 to vector<16xi32>
    %add3A_23 = arith.addi %add3A_22, %iota3A : vector<16xi32>
    tpu.vector_store_idx %arg14[%add3A_23], %broadcast_in_dim3A_20 : memref<61xi32, #tpu.memory_space<vmem>>[vector<16xi32>], vector<16xi32>,
    %add3A_24 = arith.constant 16 : i32
    %add3A_25 = vector.broadcast %add3A_24 : i32 to vector<16xi32>
    %add3A_26 = arith.addi %add3A_25, %iota3A : vector<16xi32>
    tpu.vector_store_idx %arg14[%add3A_26], %broadcast_in_dim3A_20 : memref<61xi32, #tpu.memory_space<vmem>>[vector<16xi32>], vector<16xi32>,
    %add3A_27 = arith.constant 32 : i32
    %add3A_28 = vector.broadcast %add3A_27 : i32 to vector<16xi32>
    %add3A_29 = arith.addi %add3A_28, %iota3A : vector<16xi32>
    tpu.vector_store_idx %arg14[%add3A_29], %broadcast_in_dim3A_20 : memref<61xi32, #tpu.memory_space<vmem>>[vector<16xi32>], vector<16xi32>,
    %add3A_30 = arith.constant 48 : i32
    %add3A_31 = vector.broadcast %add3A_30 : i32 to vector<16xi32>
    %add3A_32 = arith.addi %add3A_31, %iota3A : vector<16xi32>
    %lt3A = arith.constant 61 : i32
    %lt3A_33 = vector.broadcast %lt3A : i32 to vector<16xi32>
    %lt3A_34 = arith.cmpi slt, %add3A_32, %lt3A_33 : vector<16xi32>
    tpu.vector_store_idx %arg14[%add3A_32], %broadcast_in_dim3A_20 masked %lt3A_34 : memref<61xi32, #tpu.memory_space<vmem>>[vector<16xi32>], vector<16xi32>, vector<16xi1>
    %add3A_35 = arith.constant 0 : i32
    %add3A_36 = vector.broadcast %add3A_35 : i32 to vector<16xi32>
    %add3A_37 = arith.addi %add3A_36, %iota3A : vector<16xi32>
    tpu.vector_store_idx %arg15[%add3A_37], %broadcast_in_dim3A_20 : memref<31xi32, #tpu.memory_space<vmem>>[vector<16xi32>], vector<16xi32>,
    %add3A_38 = arith.constant 16 : i32
    %add3A_39 = vector.broadcast %add3A_38 : i32 to vector<16xi32>
    %add3A_40 = arith.addi %add3A_39, %iota3A : vector<16xi32>
    %lt3A_41 = arith.constant 31 : i32
    %lt3A_42 = vector.broadcast %lt3A_41 : i32 to vector<16xi32>
    %lt3A_43 = arith.cmpi slt, %add3A_40, %lt3A_42 : vector<16xi32>
    tpu.vector_store_idx %arg15[%add3A_40], %broadcast_in_dim3A_20 masked %lt3A_43 : memref<31xi32, #tpu.memory_space<vmem>>[vector<16xi32>], vector<16xi32>, vector<16xi1>
    %mul3A_44 = arith.constant 4 : i32
    %mul3A_45 = arith.muli %mul3A_44, %reduce_max3A_7 : i32
    %sub3A = arith.constant 16 : i32
    %sub3A_46 = arith.subi %mul3A_45, %sub3A : i32
    %mul3A_47 = arith.constant 4 : i32
    %mul3A_48 = arith.muli %mul3A_47, %reduce_max3A_19 : i32
    %sub3A_49 = arith.constant 16 : i32
    %sub3A_50 = arith.subi %mul3A_48, %sub3A_49 : i32
    %add3A_51 = arith.constant 0 : i32
    %add3A_52 = vector.broadcast %add3A_51 : i32 to vector<16xi32>
    %add3A_53 = arith.addi %add3A_52, %iota3A : vector<16xi32>
    %add3A_54 = arith.constant 0 : i32
    %add3A_55 = arith.addi %sub3A_50, %add3A_54 : i32
    %add3A_56 = vector.broadcast %add3A_55 : i32 to vector<16xi32>
    %add3A_57 = arith.addi %add3A_56, %add3A_53 : vector<16xi32>
    %jit3A = arith.constant 0 : i32
    %jit3A_58 = arith.constant 124 : i32
    %max3A = vector.broadcast %jit3A : i32 to vector<16xi32>
    %max3A_59 = arith.maxsi %max3A, %add3A_57 : vector<16xi32>
    %min3A = vector.broadcast %jit3A_58 : i32 to vector<16xi32>
    %min3A_60 = arith.minsi %min3A, %max3A_59 : vector<16xi32>
    %lt3A_61 = arith.constant 61 : i32
    %lt3A_62 = vector.broadcast %lt3A_61 : i32 to vector<16xi32>
    %lt3A_63 = arith.cmpi slt, %add3A_53, %lt3A_62 : vector<16xi32>
    %add3A_64 = arith.constant 16 : i32
    %add3A_65 = vector.broadcast %add3A_64 : i32 to vector<16xi32>
    %add3A_66 = arith.addi %add3A_65, %iota3A : vector<16xi32>
    %add3A_67 = arith.constant 0 : i32
    %add3A_68 = arith.addi %sub3A_50, %add3A_67 : i32
    %add3A_69 = vector.broadcast %add3A_68 : i32 to vector<16xi32>
    %add3A_70 = arith.addi %add3A_69, %add3A_66 : vector<16xi32>
    %jit3A_71 = arith.constant 0 : i32
    %jit3A_72 = arith.constant 124 : i32
    %max3A_73 = vector.broadcast %jit3A_71 : i32 to vector<16xi32>
    %max3A_74 = arith.maxsi %max3A_73, %add3A_70 : vector<16xi32>
    %min3A_75 = vector.broadcast %jit3A_72 : i32 to vector<16xi32>
    %min3A_76 = arith.minsi %min3A_75, %max3A_74 : vector<16xi32>
    %lt3A_77 = arith.constant 61 : i32
    %lt3A_78 = vector.broadcast %lt3A_77 : i32 to vector<16xi32>
    %lt3A_79 = arith.cmpi slt, %add3A_66, %lt3A_78 : vector<16xi32>
    %add3A_80 = arith.constant 32 : i32
    %add3A_81 = vector.broadcast %add3A_80 : i32 to vector<16xi32>
    %add3A_82 = arith.addi %add3A_81, %iota3A : vector<16xi32>
    %add3A_83 = arith.constant 0 : i32
    %add3A_84 = arith.addi %sub3A_50, %add3A_83 : i32
    %add3A_85 = vector.broadcast %add3A_84 : i32 to vector<16xi32>
    %add3A_86 = arith.addi %add3A_85, %add3A_82 : vector<16xi32>
    %jit3A_87 = arith.constant 0 : i32
    %jit3A_88 = arith.constant 124 : i32
    %max3A_89 = vector.broadcast %jit3A_87 : i32 to vector<16xi32>
    %max3A_90 = arith.maxsi %max3A_89, %add3A_86 : vector<16xi32>
    %min3A_91 = vector.broadcast %jit3A_88 : i32 to vector<16xi32>
    %min3A_92 = arith.minsi %min3A_91, %max3A_90 : vector<16xi32>
    %lt3A_93 = arith.constant 61 : i32
    %lt3A_94 = vector.broadcast %lt3A_93 : i32 to vector<16xi32>
    %lt3A_95 = arith.cmpi slt, %add3A_82, %lt3A_94 : vector<16xi32>
    %add3A_96 = arith.constant 48 : i32
    %add3A_97 = vector.broadcast %add3A_96 : i32 to vector<16xi32>
    %add3A_98 = arith.addi %add3A_97, %iota3A : vector<16xi32>
    %add3A_99 = arith.constant 0 : i32
    %add3A_100 = arith.addi %sub3A_50, %add3A_99 : i32
    %add3A_101 = vector.broadcast %add3A_100 : i32 to vector<16xi32>
    %add3A_102 = arith.addi %add3A_101, %add3A_98 : vector<16xi32>
    %jit3A_103 = arith.constant 0 : i32
    %jit3A_104 = arith.constant 124 : i32
    %max3A_105 = vector.broadcast %jit3A_103 : i32 to vector<16xi32>
    %max3A_106 = arith.maxsi %max3A_105, %add3A_102 : vector<16xi32>
    %min3A_107 = vector.broadcast %jit3A_104 : i32 to vector<16xi32>
    %min3A_108 = arith.minsi %min3A_107, %max3A_106 : vector<16xi32>
    %lt3A_109 = arith.constant 61 : i32
    %lt3A_110 = vector.broadcast %lt3A_109 : i32 to vector<16xi32>
    %lt3A_111 = arith.cmpi slt, %add3A_98, %lt3A_110 : vector<16xi32>
    %neg3A = arith.constant 0 : i32
    %neg3A_112 = arith.subi %neg3A, %sub3A_50 : i32
    %sub3A_113 = arith.constant 0 : i32
    %sub3A_114 = arith.subi %neg3A_112, %sub3A_113 : i32
    %jit3A_115 = arith.constant 0 : i32
    %jit3A_116 = arith.constant 61 : i32
    %max3A_117 = arith.maxsi %jit3A_115, %sub3A_114 : i32
    %min3A_118 = arith.minsi %jit3A_116, %max3A_117 : i32
    %add3A_119 = arith.constant 0 : i32
    %add3A_120 = arith.addi %sub3A_50, %add3A_119 : i32
    %add3A_121 = arith.constant 61 : i32
    %add3A_122 = arith.addi %add3A_120, %add3A_121 : i32
    %sub3A_123 = arith.constant 125 : i32
    %sub3A_124 = arith.subi %add3A_122, %sub3A_123 : i32
    %jit3A_125 = arith.constant 0 : i32
    %jit3A_126 = arith.constant 61 : i32
    %max3A_127 = arith.maxsi %jit3A_125, %sub3A_124 : i32
    %min3A_128 = arith.minsi %jit3A_126, %max3A_127 : i32
    %mul3A_129 = arith.constant 2 : i32
    %mul3A_130 = arith.muli %mul3A_129, %reduce_max3A_7 : i32
    %sub3A_131 = arith.constant 8 : i32
    %sub3A_132 = arith.subi %mul3A_130, %sub3A_131 : i32
    %mul3A_133 = arith.constant 2 : i32
    %mul3A_134 = arith.muli %mul3A_133, %reduce_max3A_19 : i32
    %sub3A_135 = arith.constant 8 : i32
    %sub3A_136 = arith.subi %mul3A_134, %sub3A_135 : i32
    %add3A_137 = arith.constant 0 : i32
    %add3A_138 = vector.broadcast %add3A_137 : i32 to vector<16xi32>
    %add3A_139 = arith.addi %add3A_138, %iota3A : vector<16xi32>
    %add3A_140 = arith.constant 0 : i32
    %add3A_141 = arith.addi %sub3A_136, %add3A_140 : i32
    %add3A_142 = vector.broadcast %add3A_141 : i32 to vector<16xi32>
    %add3A_143 = arith.addi %add3A_142, %add3A_139 : vector<16xi32>
    %jit3A_144 = arith.constant 0 : i32
    %jit3A_145 = arith.constant 124 : i32
    %max3A_146 = vector.broadcast %jit3A_144 : i32 to vector<16xi32>
    %max3A_147 = arith.maxsi %max3A_146, %add3A_143 : vector<16xi32>
    %min3A_148 = vector.broadcast %jit3A_145 : i32 to vector<16xi32>
    %min3A_149 = arith.minsi %min3A_148, %max3A_147 : vector<16xi32>
    %lt3A_150 = arith.constant 31 : i32
    %lt3A_151 = vector.broadcast %lt3A_150 : i32 to vector<16xi32>
    %lt3A_152 = arith.cmpi slt, %add3A_139, %lt3A_151 : vector<16xi32>
    %add3A_153 = arith.constant 16 : i32
    %add3A_154 = vector.broadcast %add3A_153 : i32 to vector<16xi32>
    %add3A_155 = arith.addi %add3A_154, %iota3A : vector<16xi32>
    %add3A_156 = arith.constant 0 : i32
    %add3A_157 = arith.addi %sub3A_136, %add3A_156 : i32
    %add3A_158 = vector.broadcast %add3A_157 : i32 to vector<16xi32>
    %add3A_159 = arith.addi %add3A_158, %add3A_155 : vector<16xi32>
    %jit3A_160 = arith.constant 0 : i32
    %jit3A_161 = arith.constant 124 : i32
    %max3A_162 = vector.broadcast %jit3A_160 : i32 to vector<16xi32>
    %max3A_163 = arith.maxsi %max3A_162, %add3A_159 : vector<16xi32>
    %min3A_164 = vector.broadcast %jit3A_161 : i32 to vector<16xi32>
    %min3A_165 = arith.minsi %min3A_164, %max3A_163 : vector<16xi32>
    %lt3A_166 = arith.constant 31 : i32
    %lt3A_167 = vector.broadcast %lt3A_166 : i32 to vector<16xi32>
    %lt3A_168 = arith.cmpi slt, %add3A_155, %lt3A_167 : vector<16xi32>
    %neg3A_169 = arith.constant 0 : i32
    %neg3A_170 = arith.subi %neg3A_169, %sub3A_136 : i32
    %sub3A_171 = arith.constant 0 : i32
    %sub3A_172 = arith.subi %neg3A_170, %sub3A_171 : i32
    %jit3A_173 = arith.constant 0 : i32
    %jit3A_174 = arith.constant 31 : i32
    %max3A_175 = arith.maxsi %jit3A_173, %sub3A_172 : i32
    %min3A_176 = arith.minsi %jit3A_174, %max3A_175 : i32
    %add3A_177 = arith.constant 0 : i32
    %add3A_178 = arith.addi %sub3A_136, %add3A_177 : i32
    %add3A_179 = arith.constant 31 : i32
    %add3A_180 = arith.addi %add3A_178, %add3A_179 : i32
    %sub3A_181 = arith.constant 125 : i32
    %sub3A_182 = arith.subi %add3A_180, %sub3A_181 : i32
    %jit3A_183 = arith.constant 0 : i32
    %jit3A_184 = arith.constant 31 : i32
    %max3A_185 = arith.maxsi %jit3A_183, %sub3A_182 : i32
    %min3A_186 = arith.minsi %jit3A_184, %max3A_185 : i32
    %mul3A_187 = arith.constant 1 : i32
    %mul3A_188 = arith.muli %mul3A_187, %reduce_max3A_7 : i32
    %sub3A_189 = arith.constant 4 : i32
    %sub3A_190 = arith.subi %mul3A_188, %sub3A_189 : i32
    %mul3A_191 = arith.constant 1 : i32
    %mul3A_192 = arith.muli %mul3A_191, %reduce_max3A_19 : i32
    %sub3A_193 = arith.constant 4 : i32
    %sub3A_194 = arith.subi %mul3A_192, %sub3A_193 : i32
    %add3A_195 = arith.constant 0 : i32
    %add3A_196 = vector.broadcast %add3A_195 : i32 to vector<16xi32>
    %add3A_197 = arith.addi %add3A_196, %iota3A : vector<16xi32>
    %add3A_198 = arith.constant 0 : i32
    %add3A_199 = arith.addi %sub3A_194, %add3A_198 : i32
    %add3A_200 = vector.broadcast %add3A_199 : i32 to vector<16xi32>
    %add3A_201 = arith.addi %add3A_200, %add3A_197 : vector<16xi32>
    %jit3A_202 = arith.constant 0 : i32
    %jit3A_203 = arith.constant 124 : i32
    %max3A_204 = vector.broadcast %jit3A_202 : i32 to vector<16xi32>
    %max3A_205 = arith.maxsi %max3A_204, %add3A_201 : vector<16xi32>
    %min3A_206 = vector.broadcast %jit3A_203 : i32 to vector<16xi32>
    %min3A_207 = arith.minsi %min3A_206, %max3A_205 : vector<16xi32>
    %lt3A_208 = arith.constant 15 : i32
    %lt3A_209 = vector.broadcast %lt3A_208 : i32 to vector<16xi32>
    %lt3A_210 = arith.cmpi slt, %add3A_197, %lt3A_209 : vector<16xi32>
    %neg3A_211 = arith.constant 0 : i32
    %neg3A_212 = arith.subi %neg3A_211, %sub3A_194 : i32
    %sub3A_213 = arith.constant 0 : i32
    %sub3A_214 = arith.subi %neg3A_212, %sub3A_213 : i32
    %jit3A_215 = arith.constant 0 : i32
    %jit3A_216 = arith.constant 15 : i32
    %max3A_217 = arith.maxsi %jit3A_215, %sub3A_214 : i32
    %min3A_218 = arith.minsi %jit3A_216, %max3A_217 : i32
    %add3A_219 = arith.constant 0 : i32
    %add3A_220 = arith.addi %sub3A_194, %add3A_219 : i32
    %add3A_221 = arith.constant 15 : i32
    %add3A_222 = arith.addi %add3A_220, %add3A_221 : i32
    %sub3A_223 = arith.constant 125 : i32
    %sub3A_224 = arith.subi %add3A_222, %sub3A_223 : i32
    %jit3A_225 = arith.constant 0 : i32
    %jit3A_226 = arith.constant 15 : i32
    %max3A_227 = arith.maxsi %jit3A_225, %sub3A_224 : i32
    %min3A_228 = arith.minsi %jit3A_226, %max3A_227 : i32
    %min3A_229 = arith.constant 60 : i32
    %min3A_230 = arith.minsi %add3A, %min3A_229 : i32
    %add3A_231 = arith.constant 61 : i32
    %add3A_232 = arith.addi %add3A_231, %add3A : i32
    %add3A_233 = arith.constant 32 : i32
    %add3A_234 = arith.addi %add3A_233, %add3A : i32
    %min3A_235 = arith.constant 60 : i32
    %min3A_236 = arith.minsi %add3A_234, %min3A_235 : i32
    %add3A_237 = arith.constant 93 : i32
    %add3A_238 = arith.addi %add3A_237, %add3A : i32
    %min3A_239 = arith.constant 106 : i32
    %min3A_240 = arith.minsi %add3A_238, %min3A_239 : i32
    %sub3A_241 = arith.constant 0 : i32
    %sub3A_242 = arith.subi %min3A_230, %sub3A_241 : i32
    %add3A_243 = arith.addi %sub3A_46, %sub3A_242 : i32
    %ge3A = arith.constant 0 : i32
    %ge3A_244 = arith.cmpi sge, %add3A_243, %ge3A : i32
    %lt3A_245 = arith.constant 125 : i32
    %lt3A_246 = arith.cmpi slt, %add3A_243, %lt3A_245 : i32
    %and3A = arith.andi %ge3A_244, %lt3A_246 : i1
    %ge3A_247 = arith.constant 0 : i32
    %ge3A_248 = arith.cmpi sge, %min3A_230, %ge3A_247 : i32
    %lt3A_249 = arith.constant 61 : i32
    %lt3A_250 = arith.cmpi slt, %min3A_230, %lt3A_249 : i32
    %and3A_251 = arith.andi %ge3A_248, %lt3A_250 : i1
    %and3A_252 = arith.andi %and3A_251, %and3A : i1
    %convert_element_type3A = arith.extui %and3A_252 : i1 to i32
    %cond3A = arith.constant 0 : i32
    %cond3A_253 = arith.cmpi ne, %convert_element_type3A, %cond3A : i32
    scf.if %cond3A_253 {
      %mul3A_534 = arith.constant 125 : i32
      %mul3A_535 = arith.muli %add3A_243, %mul3A_534 : i32
      %add3A_536 = vector.broadcast %mul3A_535 : i32 to vector<16xi32>
      %add3A_537 = arith.addi %add3A_536, %min3A_60 : vector<16xi32>
      tpu.vector_store_idx %arg14[%add3A_53], %add3A_537 masked %lt3A_63 : memref<61xi32, #tpu.memory_space<vmem>>[vector<16xi32>], vector<16xi32>, vector<16xi1>
      %add3A_538 = vector.broadcast %mul3A_535 : i32 to vector<16xi32>
      %add3A_539 = arith.addi %add3A_538, %min3A_76 : vector<16xi32>
      tpu.vector_store_idx %arg14[%add3A_66], %add3A_539 masked %lt3A_79 : memref<61xi32, #tpu.memory_space<vmem>>[vector<16xi32>], vector<16xi32>, vector<16xi1>
      %add3A_540 = vector.broadcast %mul3A_535 : i32 to vector<16xi32>
      %add3A_541 = arith.addi %add3A_540, %min3A_92 : vector<16xi32>
      tpu.vector_store_idx %arg14[%add3A_82], %add3A_541 masked %lt3A_95 : memref<61xi32, #tpu.memory_space<vmem>>[vector<16xi32>], vector<16xi32>, vector<16xi1>
      %add3A_542 = vector.broadcast %mul3A_535 : i32 to vector<16xi32>
      %add3A_543 = arith.addi %add3A_542, %min3A_108 : vector<16xi32>
      tpu.vector_store_idx %arg14[%add3A_98], %add3A_543 masked %lt3A_111 : memref<61xi32, #tpu.memory_space<vmem>>[vector<16xi32>], vector<16xi32>, vector<16xi1>
    } else {
    }
    %dma_start3A = arith.constant 0 : i32
    %dma_start3A_254 = arith.constant 0 : i32
    %dma_start3A_255 = arith.constant 0 : i32
    %dma_start3A_256 = tpu.memref_slice %arg2[%dma_start3A, %dma_start3A_254, %dma_start3A_255] : memref<15625x8x128xf32, #tpu.memory_space<hbm>> -> memref<15625x8x128xf32, #tpu.memory_space<hbm>>
    tpu.enqueue_indirect_dma source(%dma_start3A_256 : memref<15625x8x128xf32, #tpu.memory_space<hbm>>) target(%arg11 : memref<61x8x128xf32, #tpu.memory_space<vmem>>) offsets(%arg14 : memref<61xi32, #tpu.memory_space<vmem>>) semaphore(%arg16 : memref<!tpu.dma_semaphore, #tpu.memory_space<semaphore_mem>>)
    %dma_wait3A = arith.constant 0 : i32
    %dma_wait3A_257 = arith.constant 0 : i32
    %dma_wait3A_258 = arith.constant 0 : i32
    %dma_wait3A_259 = tpu.memref_slice %arg2[%dma_wait3A, %dma_wait3A_257, %dma_wait3A_258] : memref<15625x8x128xf32, #tpu.memory_space<hbm>> -> memref<15625x8x128xf32, #tpu.memory_space<hbm>>
    tpu.wait_indirect_dma semaphore(%arg16 : memref<!tpu.dma_semaphore, #tpu.memory_space<semaphore_mem>>) src(%dma_wait3A_259 : memref<15625x8x128xf32, #tpu.memory_space<hbm>>) dst(%arg11 : memref<61x8x128xf32, #tpu.memory_space<vmem>>)
    %sub3A_260 = arith.constant 61 : i32
    %sub3A_261 = arith.subi %add3A_232, %sub3A_260 : i32
    %add3A_262 = arith.addi %sub3A_132, %sub3A_261 : i32
    %ge3A_263 = arith.constant 0 : i32
    %ge3A_264 = arith.cmpi sge, %add3A_262, %ge3A_263 : i32
    %lt3A_265 = arith.constant 125 : i32
    %lt3A_266 = arith.cmpi slt, %add3A_262, %lt3A_265 : i32
    %and3A_267 = arith.andi %ge3A_264, %lt3A_266 : i1
    %ge3A_268 = arith.constant 61 : i32
    %ge3A_269 = arith.cmpi sge, %add3A_232, %ge3A_268 : i32
    %lt3A_270 = arith.constant 92 : i32
    %lt3A_271 = arith.cmpi slt, %add3A_232, %lt3A_270 : i32
    %and3A_272 = arith.andi %ge3A_269, %lt3A_271 : i1
    %and3A_273 = arith.andi %and3A_272, %and3A_267 : i1
    %convert_element_type3A_274 = arith.extui %and3A_273 : i1 to i32
    %cond3A_275 = arith.constant 0 : i32
    %cond3A_276 = arith.cmpi ne, %convert_element_type3A_274, %cond3A_275 : i32
    scf.if %cond3A_276 {
      %mul3A_534 = arith.constant 125 : i32
      %mul3A_535 = arith.muli %add3A_262, %mul3A_534 : i32
      %add3A_536 = vector.broadcast %mul3A_535 : i32 to vector<16xi32>
      %add3A_537 = arith.addi %add3A_536, %min3A_149 : vector<16xi32>
      tpu.vector_store_idx %arg15[%add3A_139], %add3A_537 masked %lt3A_152 : memref<31xi32, #tpu.memory_space<vmem>>[vector<16xi32>], vector<16xi32>, vector<16xi1>
      %add3A_538 = vector.broadcast %mul3A_535 : i32 to vector<16xi32>
      %add3A_539 = arith.addi %add3A_538, %min3A_165 : vector<16xi32>
      tpu.vector_store_idx %arg15[%add3A_155], %add3A_539 masked %lt3A_168 : memref<31xi32, #tpu.memory_space<vmem>>[vector<16xi32>], vector<16xi32>, vector<16xi1>
    } else {
    }
    %sub3A_277 = arith.constant 92 : i32
    %sub3A_278 = arith.subi %add3A_232, %sub3A_277 : i32
    %add3A_279 = arith.addi %sub3A_190, %sub3A_278 : i32
    %ge3A_280 = arith.constant 0 : i32
    %ge3A_281 = arith.cmpi sge, %add3A_279, %ge3A_280 : i32
    %lt3A_282 = arith.constant 125 : i32
    %lt3A_283 = arith.cmpi slt, %add3A_279, %lt3A_282 : i32
    %and3A_284 = arith.andi %ge3A_281, %lt3A_283 : i1
    %ge3A_285 = arith.constant 92 : i32
    %ge3A_286 = arith.cmpi sge, %add3A_232, %ge3A_285 : i32
    %lt3A_287 = arith.constant 107 : i32
    %lt3A_288 = arith.cmpi slt, %add3A_232, %lt3A_287 : i32
    %and3A_289 = arith.andi %ge3A_286, %lt3A_288 : i1
    %and3A_290 = arith.andi %and3A_289, %and3A_284 : i1
    %convert_element_type3A_291 = arith.extui %and3A_290 : i1 to i32
    %cond3A_292 = arith.constant 0 : i32
    %cond3A_293 = arith.cmpi ne, %convert_element_type3A_291, %cond3A_292 : i32
    scf.if %cond3A_293 {
      %mul3A_534 = arith.constant 125 : i32
      %mul3A_535 = arith.muli %add3A_279, %mul3A_534 : i32
      %add3A_536 = vector.broadcast %mul3A_535 : i32 to vector<16xi32>
      %add3A_537 = arith.addi %add3A_536, %min3A_207 : vector<16xi32>
      tpu.vector_store_idx %arg15[%add3A_197], %add3A_537 masked %lt3A_210 : memref<31xi32, #tpu.memory_space<vmem>>[vector<16xi32>], vector<16xi32>, vector<16xi1>
    } else {
    }
    %dma_start3A_294 = arith.constant 0 : i32
    %dma_start3A_295 = arith.constant 0 : i32
    %dma_start3A_296 = arith.constant 0 : i32
    %dma_start3A_297 = tpu.memref_slice %arg2[%dma_start3A_294, %dma_start3A_295, %dma_start3A_296] : memref<15625x8x128xf32, #tpu.memory_space<hbm>> -> memref<15625x8x128xf32, #tpu.memory_space<hbm>>
    tpu.enqueue_indirect_dma source(%dma_start3A_297 : memref<15625x8x128xf32, #tpu.memory_space<hbm>>) target(%arg12 : memref<31x8x128xf32, #tpu.memory_space<vmem>>) offsets(%arg15 : memref<31xi32, #tpu.memory_space<vmem>>) semaphore(%arg17 : memref<!tpu.dma_semaphore, #tpu.memory_space<semaphore_mem>>)
    %sub3A_298 = arith.constant 0 : i32
    %sub3A_299 = arith.subi %min3A_230, %sub3A_298 : i32
    %add3A_300 = arith.addi %sub3A_46, %sub3A_299 : i32
    %ge3A_301 = arith.constant 0 : i32
    %ge3A_302 = arith.cmpi sge, %add3A_300, %ge3A_301 : i32
    %lt3A_303 = arith.constant 125 : i32
    %lt3A_304 = arith.cmpi slt, %add3A_300, %lt3A_303 : i32
    %and3A_305 = arith.andi %ge3A_302, %lt3A_304 : i1
    %ge3A_306 = arith.constant 0 : i32
    %ge3A_307 = arith.cmpi sge, %min3A_230, %ge3A_306 : i32
    %lt3A_308 = arith.constant 61 : i32
    %lt3A_309 = arith.cmpi slt, %min3A_230, %lt3A_308 : i32
    %and3A_310 = arith.andi %ge3A_307, %lt3A_309 : i1
    %mul3A_311 = arith.constant 61 : i32
    %mul3A_312 = arith.muli %mul3A_311, %sub3A_299 : i32
    %add3A_313 = arith.constant 0 : i32
    %add3A_314 = arith.addi %mul3A_312, %add3A_313 : i32
    %and3A_315 = arith.andi %and3A_310, %and3A_305 : i1
    %convert_element_type3A_316 = arith.extui %and3A_315 : i1 to i32
    %cond3A_317 = arith.constant 0 : i32
    %cond3A_318 = arith.cmpi ne, %convert_element_type3A_316, %cond3A_317 : i32
    scf.if %cond3A_318 {
      %while3A = arith.constant 0 : i32
      %while3A_534 = arith.constant 0 : i32
      %while3A_535 = arith.subi %min3A_118, %while3A_534 : i32
      %while3A_536 = arith.addi %while3A_534, %while3A_535 : i32
      %while3A_537 = arith.constant 1 : i32
      %while3A_538 = arith.divsi %while3A_535, %while3A_537 : i32
      %while3A_539 = arith.muli %while3A_538, %while3A_537 : i32
      %while3A_540 = arith.addi %while3A_534, %while3A_539 : i32
      %while3A_541 = arith.constant 1 : i32
      scf.for %while3A_581 = %while3A_534 to %while3A_540 step %while3A_541  : i32 {
        "tpu.region"() ({
          %run_scoped3A = tpu.sem_alloc : memref<!tpu.dma_semaphore, #tpu.memory_space<semaphore_mem>>
          %dma_start3A_582 = arith.constant 0 : i32
          %dma_start3A_583 = arith.constant 0 : i32
          %dma_start3A_584 = tpu.memref_slice %arg11[%while3A_581, %dma_start3A_582, %dma_start3A_583] : memref<61x8x128xf32, #tpu.memory_space<vmem>> -> memref<1x8x128xf32, #tpu.memory_space<vmem>>
          %dma_start3A_585 = arith.constant 0 : i32
          %dma_start3A_586 = arith.constant 0 : i32
          %dma_start3A_587 = arith.constant 0 : i32
          %dma_start3A_588 = tpu.memref_slice %arg5[%dma_start3A_585, %dma_start3A_586, %dma_start3A_587] : memref<16x8x128xf32, #tpu.memory_space<hbm>> -> memref<1x8x128xf32, #tpu.memory_space<hbm>>
          %dma_start3A_589 = arith.constant 0 : i32
          %dma_start3A_590 = arith.constant 0 : i32
          %dma_start3A_591 = tpu.memref_slice %arg11[%while3A_581, %dma_start3A_589, %dma_start3A_590] : memref<61x8x128xf32, #tpu.memory_space<vmem>> -> memref<1x8x128xf32, #tpu.memory_space<vmem>>
          %dma_start3A_592 = arith.constant 0 : i32
          %dma_start3A_593 = arith.constant 0 : i32
          %dma_start3A_594 = arith.constant 0 : i32
          %dma_start3A_595 = tpu.memref_slice %arg5[%dma_start3A_592, %dma_start3A_593, %dma_start3A_594] : memref<16x8x128xf32, #tpu.memory_space<hbm>> -> memref<1x8x128xf32, #tpu.memory_space<hbm>>
          tpu.enqueue_dma source(%dma_start3A_595 : memref<1x8x128xf32, #tpu.memory_space<hbm>>) target(%dma_start3A_591 : memref<1x8x128xf32, #tpu.memory_space<vmem>>) target_semaphore(%run_scoped3A : memref<!tpu.dma_semaphore, #tpu.memory_space<semaphore_mem>>)
          %dma_wait3A_596 = arith.constant 0 : i32
          %dma_wait3A_597 = arith.constant 0 : i32
          %dma_wait3A_598 = tpu.memref_slice %arg11[%while3A_581, %dma_wait3A_596, %dma_wait3A_597] : memref<61x8x128xf32, #tpu.memory_space<vmem>> -> memref<1x8x128xf32, #tpu.memory_space<vmem>>
          %dma_wait3A_599 = arith.constant 0 : i32
          %dma_wait3A_600 = arith.constant 0 : i32
          %dma_wait3A_601 = arith.constant 0 : i32
          %dma_wait3A_602 = tpu.memref_slice %arg5[%dma_wait3A_599, %dma_wait3A_600, %dma_wait3A_601] : memref<16x8x128xf32, #tpu.memory_space<hbm>> -> memref<1x8x128xf32, #tpu.memory_space<hbm>>
          %dma_wait3A_603 = arith.constant 0 : i32
          %dma_wait3A_604 = arith.constant 0 : i32
          %dma_wait3A_605 = tpu.memref_slice %arg11[%while3A_581, %dma_wait3A_603, %dma_wait3A_604] : memref<61x8x128xf32, #tpu.memory_space<vmem>> -> memref<1x8x128xf32, #tpu.memory_space<vmem>>
          %dma_wait3A_606 = arith.constant 0 : i32
          %dma_wait3A_607 = arith.constant 0 : i32
          %dma_wait3A_608 = arith.constant 0 : i32
          %dma_wait3A_609 = tpu.memref_slice %arg5[%dma_wait3A_606, %dma_wait3A_607, %dma_wait3A_608] : memref<16x8x128xf32, #tpu.memory_space<hbm>> -> memref<1x8x128xf32, #tpu.memory_space<hbm>>
          tpu.wait_dma2 semaphore(%run_scoped3A : memref<!tpu.dma_semaphore, #tpu.memory_space<semaphore_mem>>) src(%dma_wait3A_609 : memref<1x8x128xf32, #tpu.memory_space<hbm>>) dst(%dma_wait3A_605 : memref<1x8x128xf32, #tpu.memory_space<vmem>>)
          tpu.yield
        }) : () -> ()
      }
      %while3A_542 = arith.constant 1 : i32
      scf.for %while3A_581 = %while3A_540 to %while3A_536 step %while3A_542  : i32 {
        "tpu.region"() ({
          %run_scoped3A = tpu.sem_alloc : memref<!tpu.dma_semaphore, #tpu.memory_space<semaphore_mem>>
          %dma_start3A_582 = arith.constant 0 : i32
          %dma_start3A_583 = arith.constant 0 : i32
          %dma_start3A_584 = tpu.memref_slice %arg11[%while3A_581, %dma_start3A_582, %dma_start3A_583] : memref<61x8x128xf32, #tpu.memory_space<vmem>> -> memref<1x8x128xf32, #tpu.memory_space<vmem>>
          %dma_start3A_585 = arith.constant 0 : i32
          %dma_start3A_586 = arith.constant 0 : i32
          %dma_start3A_587 = arith.constant 0 : i32
          %dma_start3A_588 = tpu.memref_slice %arg5[%dma_start3A_585, %dma_start3A_586, %dma_start3A_587] : memref<16x8x128xf32, #tpu.memory_space<hbm>> -> memref<1x8x128xf32, #tpu.memory_space<hbm>>
          %dma_start3A_589 = arith.constant 0 : i32
          %dma_start3A_590 = arith.constant 0 : i32
          %dma_start3A_591 = tpu.memref_slice %arg11[%while3A_581, %dma_start3A_589, %dma_start3A_590] : memref<61x8x128xf32, #tpu.memory_space<vmem>> -> memref<1x8x128xf32, #tpu.memory_space<vmem>>
          %dma_start3A_592 = arith.constant 0 : i32
          %dma_start3A_593 = arith.constant 0 : i32
          %dma_start3A_594 = arith.constant 0 : i32
          %dma_start3A_595 = tpu.memref_slice %arg5[%dma_start3A_592, %dma_start3A_593, %dma_start3A_594] : memref<16x8x128xf32, #tpu.memory_space<hbm>> -> memref<1x8x128xf32, #tpu.memory_space<hbm>>
          tpu.enqueue_dma source(%dma_start3A_595 : memref<1x8x128xf32, #tpu.memory_space<hbm>>) target(%dma_start3A_591 : memref<1x8x128xf32, #tpu.memory_space<vmem>>) target_semaphore(%run_scoped3A : memref<!tpu.dma_semaphore, #tpu.memory_space<semaphore_mem>>)
          %dma_wait3A_596 = arith.constant 0 : i32
          %dma_wait3A_597 = arith.constant 0 : i32
          %dma_wait3A_598 = tpu.memref_slice %arg11[%while3A_581, %dma_wait3A_596, %dma_wait3A_597] : memref<61x8x128xf32, #tpu.memory_space<vmem>> -> memref<1x8x128xf32, #tpu.memory_space<vmem>>
          %dma_wait3A_599 = arith.constant 0 : i32
          %dma_wait3A_600 = arith.constant 0 : i32
          %dma_wait3A_601 = arith.constant 0 : i32
          %dma_wait3A_602 = tpu.memref_slice %arg5[%dma_wait3A_599, %dma_wait3A_600, %dma_wait3A_601] : memref<16x8x128xf32, #tpu.memory_space<hbm>> -> memref<1x8x128xf32, #tpu.memory_space<hbm>>
          %dma_wait3A_603 = arith.constant 0 : i32
          %dma_wait3A_604 = arith.constant 0 : i32
          %dma_wait3A_605 = tpu.memref_slice %arg11[%while3A_581, %dma_wait3A_603, %dma_wait3A_604] : memref<61x8x128xf32, #tpu.memory_space<vmem>> -> memref<1x8x128xf32, #tpu.memory_space<vmem>>
          %dma_wait3A_606 = arith.constant 0 : i32
          %dma_wait3A_607 = arith.constant 0 : i32
          %dma_wait3A_608 = arith.constant 0 : i32
          %dma_wait3A_609 = tpu.memref_slice %arg5[%dma_wait3A_606, %dma_wait3A_607, %dma_wait3A_608] : memref<16x8x128xf32, #tpu.memory_space<hbm>> -> memref<1x8x128xf32, #tpu.memory_space<hbm>>
          tpu.wait_dma2 semaphore(%run_scoped3A : memref<!tpu.dma_semaphore, #tpu.memory_space<semaphore_mem>>) src(%dma_wait3A_609 : memref<1x8x128xf32, #tpu.memory_space<hbm>>) dst(%dma_wait3A_605 : memref<1x8x128xf32, #tpu.memory_space<vmem>>)
          tpu.yield
        }) : () -> ()
      }
      %while3A_543 = arith.constant 0 : i32
      %while3A_544 = arith.constant 0 : i32
      %while3A_545 = arith.subi %min3A_128, %while3A_544 : i32
      %while3A_546 = arith.addi %while3A_544, %while3A_545 : i32
      %while3A_547 = arith.constant 1 : i32
      %while3A_548 = arith.divsi %while3A_545, %while3A_547 : i32
      %while3A_549 = arith.muli %while3A_548, %while3A_547 : i32
      %while3A_550 = arith.addi %while3A_544, %while3A_549 : i32
      %while3A_551 = arith.constant 1 : i32
      scf.for %while3A_581 = %while3A_544 to %while3A_550 step %while3A_551  : i32 {
        %sub3A_582 = arith.constant 60 : i32
        %sub3A_583 = arith.subi %sub3A_582, %while3A_581 : i32
        "tpu.region"() ({
          %run_scoped3A = tpu.sem_alloc : memref<!tpu.dma_semaphore, #tpu.memory_space<semaphore_mem>>
          %dma_start3A_584 = arith.constant 0 : i32
          %dma_start3A_585 = arith.constant 0 : i32
          %dma_start3A_586 = tpu.memref_slice %arg11[%sub3A_583, %dma_start3A_584, %dma_start3A_585] : memref<61x8x128xf32, #tpu.memory_space<vmem>> -> memref<1x8x128xf32, #tpu.memory_space<vmem>>
          %dma_start3A_587 = arith.constant 0 : i32
          %dma_start3A_588 = arith.constant 0 : i32
          %dma_start3A_589 = arith.constant 0 : i32
          %dma_start3A_590 = tpu.memref_slice %arg5[%dma_start3A_587, %dma_start3A_588, %dma_start3A_589] : memref<16x8x128xf32, #tpu.memory_space<hbm>> -> memref<1x8x128xf32, #tpu.memory_space<hbm>>
          %dma_start3A_591 = arith.constant 0 : i32
          %dma_start3A_592 = arith.constant 0 : i32
          %dma_start3A_593 = tpu.memref_slice %arg11[%sub3A_583, %dma_start3A_591, %dma_start3A_592] : memref<61x8x128xf32, #tpu.memory_space<vmem>> -> memref<1x8x128xf32, #tpu.memory_space<vmem>>
          %dma_start3A_594 = arith.constant 0 : i32
          %dma_start3A_595 = arith.constant 0 : i32
          %dma_start3A_596 = arith.constant 0 : i32
          %dma_start3A_597 = tpu.memref_slice %arg5[%dma_start3A_594, %dma_start3A_595, %dma_start3A_596] : memref<16x8x128xf32, #tpu.memory_space<hbm>> -> memref<1x8x128xf32, #tpu.memory_space<hbm>>
          tpu.enqueue_dma source(%dma_start3A_597 : memref<1x8x128xf32, #tpu.memory_space<hbm>>) target(%dma_start3A_593 : memref<1x8x128xf32, #tpu.memory_space<vmem>>) target_semaphore(%run_scoped3A : memref<!tpu.dma_semaphore, #tpu.memory_space<semaphore_mem>>)
          %dma_wait3A_598 = arith.constant 0 : i32
          %dma_wait3A_599 = arith.constant 0 : i32
          %dma_wait3A_600 = tpu.memref_slice %arg11[%sub3A_583, %dma_wait3A_598, %dma_wait3A_599] : memref<61x8x128xf32, #tpu.memory_space<vmem>> -> memref<1x8x128xf32, #tpu.memory_space<vmem>>
          %dma_wait3A_601 = arith.constant 0 : i32
          %dma_wait3A_602 = arith.constant 0 : i32
          %dma_wait3A_603 = arith.constant 0 : i32
          %dma_wait3A_604 = tpu.memref_slice %arg5[%dma_wait3A_601, %dma_wait3A_602, %dma_wait3A_603] : memref<16x8x128xf32, #tpu.memory_space<hbm>> -> memref<1x8x128xf32, #tpu.memory_space<hbm>>
          %dma_wait3A_605 = arith.constant 0 : i32
          %dma_wait3A_606 = arith.constant 0 : i32
          %dma_wait3A_607 = tpu.memref_slice %arg11[%sub3A_583, %dma_wait3A_605, %dma_wait3A_606] : memref<61x8x128xf32, #tpu.memory_space<vmem>> -> memref<1x8x128xf32, #tpu.memory_space<vmem>>
          %dma_wait3A_608 = arith.constant 0 : i32
          %dma_wait3A_609 = arith.constant 0 : i32
          %dma_wait3A_610 = arith.constant 0 : i32
          %dma_wait3A_611 = tpu.memref_slice %arg5[%dma_wait3A_608, %dma_wait3A_609, %dma_wait3A_610] : memref<16x8x128xf32, #tpu.memory_space<hbm>> -> memref<1x8x128xf32, #tpu.memory_space<hbm>>
          tpu.wait_dma2 semaphore(%run_scoped3A : memref<!tpu.dma_semaphore, #tpu.memory_space<semaphore_mem>>) src(%dma_wait3A_611 : memref<1x8x128xf32, #tpu.memory_space<hbm>>) dst(%dma_wait3A_607 : memref<1x8x128xf32, #tpu.memory_space<vmem>>)
          tpu.yield
        }) : () -> ()
      }
      %while3A_552 = arith.constant 1 : i32
      scf.for %while3A_581 = %while3A_550 to %while3A_546 step %while3A_552  : i32 {
        %sub3A_582 = arith.constant 60 : i32
        %sub3A_583 = arith.subi %sub3A_582, %while3A_581 : i32
        "tpu.region"() ({
          %run_scoped3A = tpu.sem_alloc : memref<!tpu.dma_semaphore, #tpu.memory_space<semaphore_mem>>
          %dma_start3A_584 = arith.constant 0 : i32
          %dma_start3A_585 = arith.constant 0 : i32
          %dma_start3A_586 = tpu.memref_slice %arg11[%sub3A_583, %dma_start3A_584, %dma_start3A_585] : memref<61x8x128xf32, #tpu.memory_space<vmem>> -> memref<1x8x128xf32, #tpu.memory_space<vmem>>
          %dma_start3A_587 = arith.constant 0 : i32
          %dma_start3A_588 = arith.constant 0 : i32
          %dma_start3A_589 = arith.constant 0 : i32
          %dma_start3A_590 = tpu.memref_slice %arg5[%dma_start3A_587, %dma_start3A_588, %dma_start3A_589] : memref<16x8x128xf32, #tpu.memory_space<hbm>> -> memref<1x8x128xf32, #tpu.memory_space<hbm>>
          %dma_start3A_591 = arith.constant 0 : i32
          %dma_start3A_592 = arith.constant 0 : i32
          %dma_start3A_593 = tpu.memref_slice %arg11[%sub3A_583, %dma_start3A_591, %dma_start3A_592] : memref<61x8x128xf32, #tpu.memory_space<vmem>> -> memref<1x8x128xf32, #tpu.memory_space<vmem>>
          %dma_start3A_594 = arith.constant 0 : i32
          %dma_start3A_595 = arith.constant 0 : i32
          %dma_start3A_596 = arith.constant 0 : i32
          %dma_start3A_597 = tpu.memref_slice %arg5[%dma_start3A_594, %dma_start3A_595, %dma_start3A_596] : memref<16x8x128xf32, #tpu.memory_space<hbm>> -> memref<1x8x128xf32, #tpu.memory_space<hbm>>
          tpu.enqueue_dma source(%dma_start3A_597 : memref<1x8x128xf32, #tpu.memory_space<hbm>>) target(%dma_start3A_593 : memref<1x8x128xf32, #tpu.memory_space<vmem>>) target_semaphore(%run_scoped3A : memref<!tpu.dma_semaphore, #tpu.memory_space<semaphore_mem>>)
          %dma_wait3A_598 = arith.constant 0 : i32
          %dma_wait3A_599 = arith.constant 0 : i32
          %dma_wait3A_600 = tpu.memref_slice %arg11[%sub3A_583, %dma_wait3A_598, %dma_wait3A_599] : memref<61x8x128xf32, #tpu.memory_space<vmem>> -> memref<1x8x128xf32, #tpu.memory_space<vmem>>
          %dma_wait3A_601 = arith.constant 0 : i32
          %dma_wait3A_602 = arith.constant 0 : i32
          %dma_wait3A_603 = arith.constant 0 : i32
          %dma_wait3A_604 = tpu.memref_slice %arg5[%dma_wait3A_601, %dma_wait3A_602, %dma_wait3A_603] : memref<16x8x128xf32, #tpu.memory_space<hbm>> -> memref<1x8x128xf32, #tpu.memory_space<hbm>>
          %dma_wait3A_605 = arith.constant 0 : i32
          %dma_wait3A_606 = arith.constant 0 : i32
          %dma_wait3A_607 = tpu.memref_slice %arg11[%sub3A_583, %dma_wait3A_605, %dma_wait3A_606] : memref<61x8x128xf32, #tpu.memory_space<vmem>> -> memref<1x8x128xf32, #tpu.memory_space<vmem>>
          %dma_wait3A_608 = arith.constant 0 : i32
          %dma_wait3A_609 = arith.constant 0 : i32
          %dma_wait3A_610 = arith.constant 0 : i32
          %dma_wait3A_611 = tpu.memref_slice %arg5[%dma_wait3A_608, %dma_wait3A_609, %dma_wait3A_610] : memref<16x8x128xf32, #tpu.memory_space<hbm>> -> memref<1x8x128xf32, #tpu.memory_space<hbm>>
          tpu.wait_dma2 semaphore(%run_scoped3A : memref<!tpu.dma_semaphore, #tpu.memory_space<semaphore_mem>>) src(%dma_wait3A_611 : memref<1x8x128xf32, #tpu.memory_space<hbm>>) dst(%dma_wait3A_607 : memref<1x8x128xf32, #tpu.memory_space<vmem>>)
          tpu.yield
        }) : () -> ()
      }
      %dma_start3A_553 = arith.constant 0 : i32
      %dma_start3A_554 = arith.constant 0 : i32
      %dma_start3A_555 = arith.constant 0 : i32
      %dma_start3A_556 = tpu.memref_slice %arg11[%dma_start3A_553, %dma_start3A_554, %dma_start3A_555] : memref<61x8x128xf32, #tpu.memory_space<vmem>> -> memref<61x8x128xf32, #tpu.memory_space<vmem>>
      %dma_start3A_557 = arith.constant 0 : i32
      %dma_start3A_558 = arith.constant 0 : i32
      %dma_start3A_559 = tpu.memref_slice %arg6[%add3A_314, %dma_start3A_557, %dma_start3A_558] : memref<3721x8x128xf32, #tpu.memory_space<hbm>> -> memref<61x8x128xf32, #tpu.memory_space<hbm>>
      %dma_start3A_560 = arith.constant 0 : i32
      %dma_start3A_561 = arith.constant 0 : i32
      %dma_start3A_562 = tpu.memref_slice %arg6[%add3A_314, %dma_start3A_560, %dma_start3A_561] : memref<3721x8x128xf32, #tpu.memory_space<hbm>> -> memref<61x8x128xf32, #tpu.memory_space<hbm>>
      %dma_start3A_563 = arith.constant 0 : i32
      %dma_start3A_564 = arith.constant 0 : i32
      %dma_start3A_565 = arith.constant 0 : i32
      %dma_start3A_566 = tpu.memref_slice %arg11[%dma_start3A_563, %dma_start3A_564, %dma_start3A_565] : memref<61x8x128xf32, #tpu.memory_space<vmem>> -> memref<61x8x128xf32, #tpu.memory_space<vmem>>
      tpu.enqueue_dma source(%dma_start3A_566 : memref<61x8x128xf32, #tpu.memory_space<vmem>>) target(%dma_start3A_562 : memref<61x8x128xf32, #tpu.memory_space<hbm>>) target_semaphore(%arg18 : memref<!tpu.dma_semaphore, #tpu.memory_space<semaphore_mem>>)
      %dma_wait3A_567 = arith.constant 0 : i32
      %dma_wait3A_568 = arith.constant 0 : i32
      %dma_wait3A_569 = arith.constant 0 : i32
      %dma_wait3A_570 = tpu.memref_slice %arg11[%dma_wait3A_567, %dma_wait3A_568, %dma_wait3A_569] : memref<61x8x128xf32, #tpu.memory_space<vmem>> -> memref<61x8x128xf32, #tpu.memory_space<vmem>>
      %dma_wait3A_571 = arith.constant 0 : i32
      %dma_wait3A_572 = arith.constant 0 : i32
      %dma_wait3A_573 = tpu.memref_slice %arg6[%add3A_314, %dma_wait3A_571, %dma_wait3A_572] : memref<3721x8x128xf32, #tpu.memory_space<hbm>> -> memref<61x8x128xf32, #tpu.memory_space<hbm>>
      %dma_wait3A_574 = arith.constant 0 : i32
      %dma_wait3A_575 = arith.constant 0 : i32
      %dma_wait3A_576 = tpu.memref_slice %arg6[%add3A_314, %dma_wait3A_574, %dma_wait3A_575] : memref<3721x8x128xf32, #tpu.memory_space<hbm>> -> memref<61x8x128xf32, #tpu.memory_space<hbm>>
      %dma_wait3A_577 = arith.constant 0 : i32
      %dma_wait3A_578 = arith.constant 0 : i32
      %dma_wait3A_579 = arith.constant 0 : i32
      %dma_wait3A_580 = tpu.memref_slice %arg11[%dma_wait3A_577, %dma_wait3A_578, %dma_wait3A_579] : memref<61x8x128xf32, #tpu.memory_space<vmem>> -> memref<61x8x128xf32, #tpu.memory_space<vmem>>
      tpu.wait_dma2 semaphore(%arg18 : memref<!tpu.dma_semaphore, #tpu.memory_space<semaphore_mem>>) src(%dma_wait3A_580 : memref<61x8x128xf32, #tpu.memory_space<vmem>>) dst(%dma_wait3A_576 : memref<61x8x128xf32, #tpu.memory_space<hbm>>)
    } else {
    }
    %not3A = arith.constant true
    %not3A_319 = arith.xori %and3A_305, %not3A : i1
    %and3A_320 = arith.andi %and3A_310, %not3A_319 : i1
    %convert_element_type3A_321 = arith.extui %and3A_320 : i1 to i32
    %cond3A_322 = arith.constant 0 : i32
    %cond3A_323 = arith.cmpi ne, %convert_element_type3A_321, %cond3A_322 : i32
    scf.if %cond3A_323 {
      %add3A_534 = arith.constant 0 : i32
      %add3A_535 = arith.addi %add3A_314, %add3A_534 : i32
      "tpu.region"() ({
        %run_scoped3A = tpu.sem_alloc : memref<!tpu.dma_semaphore, #tpu.memory_space<semaphore_mem>>
        %dma_start3A_542 = arith.constant 0 : i32
        %dma_start3A_543 = arith.constant 0 : i32
        %dma_start3A_544 = arith.constant 0 : i32
        %dma_start3A_545 = tpu.memref_slice %arg13[%dma_start3A_542, %dma_start3A_543, %dma_start3A_544] : memref<16x8x128xf32, #tpu.memory_space<vmem>> -> memref<16x8x128xf32, #tpu.memory_space<vmem>>
        %dma_start3A_546 = arith.constant 0 : i32
        %dma_start3A_547 = arith.constant 0 : i32
        %dma_start3A_548 = tpu.memref_slice %arg6[%add3A_535, %dma_start3A_546, %dma_start3A_547] : memref<3721x8x128xf32, #tpu.memory_space<hbm>> -> memref<16x8x128xf32, #tpu.memory_space<hbm>>
        %dma_start3A_549 = arith.constant 0 : i32
        %dma_start3A_550 = arith.constant 0 : i32
        %dma_start3A_551 = tpu.memref_slice %arg6[%add3A_535, %dma_start3A_549, %dma_start3A_550] : memref<3721x8x128xf32, #tpu.memory_space<hbm>> -> memref<16x8x128xf32, #tpu.memory_space<hbm>>
        %dma_start3A_552 = arith.constant 0 : i32
        %dma_start3A_553 = arith.constant 0 : i32
        %dma_start3A_554 = arith.constant 0 : i32
        %dma_start3A_555 = tpu.memref_slice %arg13[%dma_start3A_552, %dma_start3A_553, %dma_start3A_554] : memref<16x8x128xf32, #tpu.memory_space<vmem>> -> memref<16x8x128xf32, #tpu.memory_space<vmem>>
        tpu.enqueue_dma source(%dma_start3A_555 : memref<16x8x128xf32, #tpu.memory_space<vmem>>) target(%dma_start3A_551 : memref<16x8x128xf32, #tpu.memory_space<hbm>>) target_semaphore(%run_scoped3A : memref<!tpu.dma_semaphore, #tpu.memory_space<semaphore_mem>>)
        %dma_wait3A_556 = arith.constant 0 : i32
        %dma_wait3A_557 = arith.constant 0 : i32
        %dma_wait3A_558 = arith.constant 0 : i32
        %dma_wait3A_559 = tpu.memref_slice %arg13[%dma_wait3A_556, %dma_wait3A_557, %dma_wait3A_558] : memref<16x8x128xf32, #tpu.memory_space<vmem>> -> memref<16x8x128xf32, #tpu.memory_space<vmem>>
        %dma_wait3A_560 = arith.constant 0 : i32
        %dma_wait3A_561 = arith.constant 0 : i32
        %dma_wait3A_562 = tpu.memref_slice %arg6[%add3A_535, %dma_wait3A_560, %dma_wait3A_561] : memref<3721x8x128xf32, #tpu.memory_space<hbm>> -> memref<16x8x128xf32, #tpu.memory_space<hbm>>
        %dma_wait3A_563 = arith.constant 0 : i32
        %dma_wait3A_564 = arith.constant 0 : i32
        %dma_wait3A_565 = tpu.memref_slice %arg6[%add3A_535, %dma_wait3A_563, %dma_wait3A_564] : memref<3721x8x128xf32, #tpu.memory_space<hbm>> -> memref<16x8x128xf32, #tpu.memory_space<hbm>>
        %dma_wait3A_566 = arith.constant 0 : i32
        %dma_wait3A_567 = arith.constant 0 : i32
        %dma_wait3A_568 = arith.constant 0 : i32
        %dma_wait3A_569 = tpu.memref_slice %arg13[%dma_wait3A_566, %dma_wait3A_567, %dma_wait3A_568] : memref<16x8x128xf32, #tpu.memory_space<vmem>> -> memref<16x8x128xf32, #tpu.memory_space<vmem>>
        tpu.wait_dma2 semaphore(%run_scoped3A : memref<!tpu.dma_semaphore, #tpu.memory_space<semaphore_mem>>) src(%dma_wait3A_569 : memref<16x8x128xf32, #tpu.memory_space<vmem>>) dst(%dma_wait3A_565 : memref<16x8x128xf32, #tpu.memory_space<hbm>>)
        tpu.yield
      }) : () -> ()
      %add3A_536 = arith.constant 16 : i32
      %add3A_537 = arith.addi %add3A_314, %add3A_536 : i32
      "tpu.region"() ({
        %run_scoped3A = tpu.sem_alloc : memref<!tpu.dma_semaphore, #tpu.memory_space<semaphore_mem>>
        %dma_start3A_542 = arith.constant 0 : i32
        %dma_start3A_543 = arith.constant 0 : i32
        %dma_start3A_544 = arith.constant 0 : i32
        %dma_start3A_545 = tpu.memref_slice %arg13[%dma_start3A_542, %dma_start3A_543, %dma_start3A_544] : memref<16x8x128xf32, #tpu.memory_space<vmem>> -> memref<16x8x128xf32, #tpu.memory_space<vmem>>
        %dma_start3A_546 = arith.constant 0 : i32
        %dma_start3A_547 = arith.constant 0 : i32
        %dma_start3A_548 = tpu.memref_slice %arg6[%add3A_537, %dma_start3A_546, %dma_start3A_547] : memref<3721x8x128xf32, #tpu.memory_space<hbm>> -> memref<16x8x128xf32, #tpu.memory_space<hbm>>
        %dma_start3A_549 = arith.constant 0 : i32
        %dma_start3A_550 = arith.constant 0 : i32
        %dma_start3A_551 = tpu.memref_slice %arg6[%add3A_537, %dma_start3A_549, %dma_start3A_550] : memref<3721x8x128xf32, #tpu.memory_space<hbm>> -> memref<16x8x128xf32, #tpu.memory_space<hbm>>
        %dma_start3A_552 = arith.constant 0 : i32
        %dma_start3A_553 = arith.constant 0 : i32
        %dma_start3A_554 = arith.constant 0 : i32
        %dma_start3A_555 = tpu.memref_slice %arg13[%dma_start3A_552, %dma_start3A_553, %dma_start3A_554] : memref<16x8x128xf32, #tpu.memory_space<vmem>> -> memref<16x8x128xf32, #tpu.memory_space<vmem>>
        tpu.enqueue_dma source(%dma_start3A_555 : memref<16x8x128xf32, #tpu.memory_space<vmem>>) target(%dma_start3A_551 : memref<16x8x128xf32, #tpu.memory_space<hbm>>) target_semaphore(%run_scoped3A : memref<!tpu.dma_semaphore, #tpu.memory_space<semaphore_mem>>)
        %dma_wait3A_556 = arith.constant 0 : i32
        %dma_wait3A_557 = arith.constant 0 : i32
        %dma_wait3A_558 = arith.constant 0 : i32
        %dma_wait3A_559 = tpu.memref_slice %arg13[%dma_wait3A_556, %dma_wait3A_557, %dma_wait3A_558] : memref<16x8x128xf32, #tpu.memory_space<vmem>> -> memref<16x8x128xf32, #tpu.memory_space<vmem>>
        %dma_wait3A_560 = arith.constant 0 : i32
        %dma_wait3A_561 = arith.constant 0 : i32
        %dma_wait3A_562 = tpu.memref_slice %arg6[%add3A_537, %dma_wait3A_560, %dma_wait3A_561] : memref<3721x8x128xf32, #tpu.memory_space<hbm>> -> memref<16x8x128xf32, #tpu.memory_space<hbm>>
        %dma_wait3A_563 = arith.constant 0 : i32
        %dma_wait3A_564 = arith.constant 0 : i32
        %dma_wait3A_565 = tpu.memref_slice %arg6[%add3A_537, %dma_wait3A_563, %dma_wait3A_564] : memref<3721x8x128xf32, #tpu.memory_space<hbm>> -> memref<16x8x128xf32, #tpu.memory_space<hbm>>
        %dma_wait3A_566 = arith.constant 0 : i32
        %dma_wait3A_567 = arith.constant 0 : i32
        %dma_wait3A_568 = arith.constant 0 : i32
        %dma_wait3A_569 = tpu.memref_slice %arg13[%dma_wait3A_566, %dma_wait3A_567, %dma_wait3A_568] : memref<16x8x128xf32, #tpu.memory_space<vmem>> -> memref<16x8x128xf32, #tpu.memory_space<vmem>>
        tpu.wait_dma2 semaphore(%run_scoped3A : memref<!tpu.dma_semaphore, #tpu.memory_space<semaphore_mem>>) src(%dma_wait3A_569 : memref<16x8x128xf32, #tpu.memory_space<vmem>>) dst(%dma_wait3A_565 : memref<16x8x128xf32, #tpu.memory_space<hbm>>)
        tpu.yield
      }) : () -> ()
      %add3A_538 = arith.constant 32 : i32
      %add3A_539 = arith.addi %add3A_314, %add3A_538 : i32
      "tpu.region"() ({
        %run_scoped3A = tpu.sem_alloc : memref<!tpu.dma_semaphore, #tpu.memory_space<semaphore_mem>>
        %dma_start3A_542 = arith.constant 0 : i32
        %dma_start3A_543 = arith.constant 0 : i32
        %dma_start3A_544 = arith.constant 0 : i32
        %dma_start3A_545 = tpu.memref_slice %arg13[%dma_start3A_542, %dma_start3A_543, %dma_start3A_544] : memref<16x8x128xf32, #tpu.memory_space<vmem>> -> memref<16x8x128xf32, #tpu.memory_space<vmem>>
        %dma_start3A_546 = arith.constant 0 : i32
        %dma_start3A_547 = arith.constant 0 : i32
        %dma_start3A_548 = tpu.memref_slice %arg6[%add3A_539, %dma_start3A_546, %dma_start3A_547] : memref<3721x8x128xf32, #tpu.memory_space<hbm>> -> memref<16x8x128xf32, #tpu.memory_space<hbm>>
        %dma_start3A_549 = arith.constant 0 : i32
        %dma_start3A_550 = arith.constant 0 : i32
        %dma_start3A_551 = tpu.memref_slice %arg6[%add3A_539, %dma_start3A_549, %dma_start3A_550] : memref<3721x8x128xf32, #tpu.memory_space<hbm>> -> memref<16x8x128xf32, #tpu.memory_space<hbm>>
        %dma_start3A_552 = arith.constant 0 : i32
        %dma_start3A_553 = arith.constant 0 : i32
        %dma_start3A_554 = arith.constant 0 : i32
        %dma_start3A_555 = tpu.memref_slice %arg13[%dma_start3A_552, %dma_start3A_553, %dma_start3A_554] : memref<16x8x128xf32, #tpu.memory_space<vmem>> -> memref<16x8x128xf32, #tpu.memory_space<vmem>>
        tpu.enqueue_dma source(%dma_start3A_555 : memref<16x8x128xf32, #tpu.memory_space<vmem>>) target(%dma_start3A_551 : memref<16x8x128xf32, #tpu.memory_space<hbm>>) target_semaphore(%run_scoped3A : memref<!tpu.dma_semaphore, #tpu.memory_space<semaphore_mem>>)
        %dma_wait3A_556 = arith.constant 0 : i32
        %dma_wait3A_557 = arith.constant 0 : i32
        %dma_wait3A_558 = arith.constant 0 : i32
        %dma_wait3A_559 = tpu.memref_slice %arg13[%dma_wait3A_556, %dma_wait3A_557, %dma_wait3A_558] : memref<16x8x128xf32, #tpu.memory_space<vmem>> -> memref<16x8x128xf32, #tpu.memory_space<vmem>>
        %dma_wait3A_560 = arith.constant 0 : i32
        %dma_wait3A_561 = arith.constant 0 : i32
        %dma_wait3A_562 = tpu.memref_slice %arg6[%add3A_539, %dma_wait3A_560, %dma_wait3A_561] : memref<3721x8x128xf32, #tpu.memory_space<hbm>> -> memref<16x8x128xf32, #tpu.memory_space<hbm>>
        %dma_wait3A_563 = arith.constant 0 : i32
        %dma_wait3A_564 = arith.constant 0 : i32
        %dma_wait3A_565 = tpu.memref_slice %arg6[%add3A_539, %dma_wait3A_563, %dma_wait3A_564] : memref<3721x8x128xf32, #tpu.memory_space<hbm>> -> memref<16x8x128xf32, #tpu.memory_space<hbm>>
        %dma_wait3A_566 = arith.constant 0 : i32
        %dma_wait3A_567 = arith.constant 0 : i32
        %dma_wait3A_568 = arith.constant 0 : i32
        %dma_wait3A_569 = tpu.memref_slice %arg13[%dma_wait3A_566, %dma_wait3A_567, %dma_wait3A_568] : memref<16x8x128xf32, #tpu.memory_space<vmem>> -> memref<16x8x128xf32, #tpu.memory_space<vmem>>
        tpu.wait_dma2 semaphore(%run_scoped3A : memref<!tpu.dma_semaphore, #tpu.memory_space<semaphore_mem>>) src(%dma_wait3A_569 : memref<16x8x128xf32, #tpu.memory_space<vmem>>) dst(%dma_wait3A_565 : memref<16x8x128xf32, #tpu.memory_space<hbm>>)
        tpu.yield
      }) : () -> ()
      %add3A_540 = arith.constant 48 : i32
      %add3A_541 = arith.addi %add3A_314, %add3A_540 : i32
      "tpu.region"() ({
        %run_scoped3A = tpu.sem_alloc : memref<!tpu.dma_semaphore, #tpu.memory_space<semaphore_mem>>
        %dma_start3A_542 = arith.constant 0 : i32
        %dma_start3A_543 = arith.constant 0 : i32
        %dma_start3A_544 = arith.constant 0 : i32
        %dma_start3A_545 = tpu.memref_slice %arg13[%dma_start3A_542, %dma_start3A_543, %dma_start3A_544] : memref<16x8x128xf32, #tpu.memory_space<vmem>> -> memref<13x8x128xf32, #tpu.memory_space<vmem>>
        %dma_start3A_546 = arith.constant 0 : i32
        %dma_start3A_547 = arith.constant 0 : i32
        %dma_start3A_548 = tpu.memref_slice %arg6[%add3A_541, %dma_start3A_546, %dma_start3A_547] : memref<3721x8x128xf32, #tpu.memory_space<hbm>> -> memref<13x8x128xf32, #tpu.memory_space<hbm>>
        %dma_start3A_549 = arith.constant 0 : i32
        %dma_start3A_550 = arith.constant 0 : i32
        %dma_start3A_551 = tpu.memref_slice %arg6[%add3A_541, %dma_start3A_549, %dma_start3A_550] : memref<3721x8x128xf32, #tpu.memory_space<hbm>> -> memref<13x8x128xf32, #tpu.memory_space<hbm>>
        %dma_start3A_552 = arith.constant 0 : i32
        %dma_start3A_553 = arith.constant 0 : i32
        %dma_start3A_554 = arith.constant 0 : i32
        %dma_start3A_555 = tpu.memref_slice %arg13[%dma_start3A_552, %dma_start3A_553, %dma_start3A_554] : memref<16x8x128xf32, #tpu.memory_space<vmem>> -> memref<13x8x128xf32, #tpu.memory_space<vmem>>
        tpu.enqueue_dma source(%dma_start3A_555 : memref<13x8x128xf32, #tpu.memory_space<vmem>>) target(%dma_start3A_551 : memref<13x8x128xf32, #tpu.memory_space<hbm>>) target_semaphore(%run_scoped3A : memref<!tpu.dma_semaphore, #tpu.memory_space<semaphore_mem>>)
        %dma_wait3A_556 = arith.constant 0 : i32
        %dma_wait3A_557 = arith.constant 0 : i32
        %dma_wait3A_558 = arith.constant 0 : i32
        %dma_wait3A_559 = tpu.memref_slice %arg13[%dma_wait3A_556, %dma_wait3A_557, %dma_wait3A_558] : memref<16x8x128xf32, #tpu.memory_space<vmem>> -> memref<13x8x128xf32, #tpu.memory_space<vmem>>
        %dma_wait3A_560 = arith.constant 0 : i32
        %dma_wait3A_561 = arith.constant 0 : i32
        %dma_wait3A_562 = tpu.memref_slice %arg6[%add3A_541, %dma_wait3A_560, %dma_wait3A_561] : memref<3721x8x128xf32, #tpu.memory_space<hbm>> -> memref<13x8x128xf32, #tpu.memory_space<hbm>>
        %dma_wait3A_563 = arith.constant 0 : i32
        %dma_wait3A_564 = arith.constant 0 : i32
        %dma_wait3A_565 = tpu.memref_slice %arg6[%add3A_541, %dma_wait3A_563, %dma_wait3A_564] : memref<3721x8x128xf32, #tpu.memory_space<hbm>> -> memref<13x8x128xf32, #tpu.memory_space<hbm>>
        %dma_wait3A_566 = arith.constant 0 : i32
        %dma_wait3A_567 = arith.constant 0 : i32
        %dma_wait3A_568 = arith.constant 0 : i32
        %dma_wait3A_569 = tpu.memref_slice %arg13[%dma_wait3A_566, %dma_wait3A_567, %dma_wait3A_568] : memref<16x8x128xf32, #tpu.memory_space<vmem>> -> memref<13x8x128xf32, #tpu.memory_space<vmem>>
        tpu.wait_dma2 semaphore(%run_scoped3A : memref<!tpu.dma_semaphore, #tpu.memory_space<semaphore_mem>>) src(%dma_wait3A_569 : memref<13x8x128xf32, #tpu.memory_space<vmem>>) dst(%dma_wait3A_565 : memref<13x8x128xf32, #tpu.memory_space<hbm>>)
        tpu.yield
      }) : () -> ()
    } else {
    }
    %dma_wait3A_324 = arith.constant 0 : i32
    %dma_wait3A_325 = arith.constant 0 : i32
    %dma_wait3A_326 = arith.constant 0 : i32
    %dma_wait3A_327 = tpu.memref_slice %arg2[%dma_wait3A_324, %dma_wait3A_325, %dma_wait3A_326] : memref<15625x8x128xf32, #tpu.memory_space<hbm>> -> memref<15625x8x128xf32, #tpu.memory_space<hbm>>
    tpu.wait_indirect_dma semaphore(%arg17 : memref<!tpu.dma_semaphore, #tpu.memory_space<semaphore_mem>>) src(%dma_wait3A_327 : memref<15625x8x128xf32, #tpu.memory_space<hbm>>) dst(%arg12 : memref<31x8x128xf32, #tpu.memory_space<vmem>>)
    %sub3A_328 = arith.constant 0 : i32
    %sub3A_329 = arith.subi %min3A_236, %sub3A_328 : i32
    %add3A_330 = arith.addi %sub3A_46, %sub3A_329 : i32
    %ge3A_331 = arith.constant 0 : i32
    %ge3A_332 = arith.cmpi sge, %add3A_330, %ge3A_331 : i32
    %lt3A_333 = arith.constant 125 : i32
    %lt3A_334 = arith.cmpi slt, %add3A_330, %lt3A_333 : i32
    %and3A_335 = arith.andi %ge3A_332, %lt3A_334 : i1
    %ge3A_336 = arith.constant 0 : i32
    %ge3A_337 = arith.cmpi sge, %min3A_236, %ge3A_336 : i32
    %lt3A_338 = arith.constant 61 : i32
    %lt3A_339 = arith.cmpi slt, %min3A_236, %lt3A_338 : i32
    %and3A_340 = arith.andi %ge3A_337, %lt3A_339 : i1
    %and3A_341 = arith.andi %and3A_340, %and3A_335 : i1
    %convert_element_type3A_342 = arith.extui %and3A_341 : i1 to i32
    %cond3A_343 = arith.constant 0 : i32
    %cond3A_344 = arith.cmpi ne, %convert_element_type3A_342, %cond3A_343 : i32
    scf.if %cond3A_344 {
      %mul3A_534 = arith.constant 125 : i32
      %mul3A_535 = arith.muli %add3A_330, %mul3A_534 : i32
      %add3A_536 = vector.broadcast %mul3A_535 : i32 to vector<16xi32>
      %add3A_537 = arith.addi %add3A_536, %min3A_60 : vector<16xi32>
      tpu.vector_store_idx %arg14[%add3A_53], %add3A_537 masked %lt3A_63 : memref<61xi32, #tpu.memory_space<vmem>>[vector<16xi32>], vector<16xi32>, vector<16xi1>
      %add3A_538 = vector.broadcast %mul3A_535 : i32 to vector<16xi32>
      %add3A_539 = arith.addi %add3A_538, %min3A_76 : vector<16xi32>
      tpu.vector_store_idx %arg14[%add3A_66], %add3A_539 masked %lt3A_79 : memref<61xi32, #tpu.memory_space<vmem>>[vector<16xi32>], vector<16xi32>, vector<16xi1>
      %add3A_540 = vector.broadcast %mul3A_535 : i32 to vector<16xi32>
      %add3A_541 = arith.addi %add3A_540, %min3A_92 : vector<16xi32>
      tpu.vector_store_idx %arg14[%add3A_82], %add3A_541 masked %lt3A_95 : memref<61xi32, #tpu.memory_space<vmem>>[vector<16xi32>], vector<16xi32>, vector<16xi1>
      %add3A_542 = vector.broadcast %mul3A_535 : i32 to vector<16xi32>
      %add3A_543 = arith.addi %add3A_542, %min3A_108 : vector<16xi32>
      tpu.vector_store_idx %arg14[%add3A_98], %add3A_543 masked %lt3A_111 : memref<61xi32, #tpu.memory_space<vmem>>[vector<16xi32>], vector<16xi32>, vector<16xi1>
    } else {
    }
    %dma_start3A_345 = arith.constant 0 : i32
    %dma_start3A_346 = arith.constant 0 : i32
    %dma_start3A_347 = arith.constant 0 : i32
    %dma_start3A_348 = tpu.memref_slice %arg2[%dma_start3A_345, %dma_start3A_346, %dma_start3A_347] : memref<15625x8x128xf32, #tpu.memory_space<hbm>> -> memref<15625x8x128xf32, #tpu.memory_space<hbm>>
    tpu.enqueue_indirect_dma source(%dma_start3A_348 : memref<15625x8x128xf32, #tpu.memory_space<hbm>>) target(%arg11 : memref<61x8x128xf32, #tpu.memory_space<vmem>>) offsets(%arg14 : memref<61xi32, #tpu.memory_space<vmem>>) semaphore(%arg16 : memref<!tpu.dma_semaphore, #tpu.memory_space<semaphore_mem>>)
    %sub3A_349 = arith.constant 61 : i32
    %sub3A_350 = arith.subi %add3A_232, %sub3A_349 : i32
    %add3A_351 = arith.addi %sub3A_132, %sub3A_350 : i32
    %ge3A_352 = arith.constant 0 : i32
    %ge3A_353 = arith.cmpi sge, %add3A_351, %ge3A_352 : i32
    %lt3A_354 = arith.constant 125 : i32
    %lt3A_355 = arith.cmpi slt, %add3A_351, %lt3A_354 : i32
    %and3A_356 = arith.andi %ge3A_353, %lt3A_355 : i1
    %ge3A_357 = arith.constant 61 : i32
    %ge3A_358 = arith.cmpi sge, %add3A_232, %ge3A_357 : i32
    %lt3A_359 = arith.constant 92 : i32
    %lt3A_360 = arith.cmpi slt, %add3A_232, %lt3A_359 : i32
    %and3A_361 = arith.andi %ge3A_358, %lt3A_360 : i1
    %mul3A_362 = arith.constant 31 : i32
    %mul3A_363 = arith.muli %mul3A_362, %sub3A_350 : i32
    %add3A_364 = arith.constant 0 : i32
    %add3A_365 = arith.addi %mul3A_363, %add3A_364 : i32
    %and3A_366 = arith.andi %and3A_361, %and3A_356 : i1
    %convert_element_type3A_367 = arith.extui %and3A_366 : i1 to i32
    %cond3A_368 = arith.constant 0 : i32
    %cond3A_369 = arith.cmpi ne, %convert_element_type3A_367, %cond3A_368 : i32
    scf.if %cond3A_369 {
      %while3A = arith.constant 0 : i32
      %while3A_534 = arith.constant 0 : i32
      %while3A_535 = arith.subi %min3A_176, %while3A_534 : i32
      %while3A_536 = arith.addi %while3A_534, %while3A_535 : i32
      %while3A_537 = arith.constant 1 : i32
      %while3A_538 = arith.divsi %while3A_535, %while3A_537 : i32
      %while3A_539 = arith.muli %while3A_538, %while3A_537 : i32
      %while3A_540 = arith.addi %while3A_534, %while3A_539 : i32
      %while3A_541 = arith.constant 1 : i32
      scf.for %while3A_581 = %while3A_534 to %while3A_540 step %while3A_541  : i32 {
        "tpu.region"() ({
          %run_scoped3A = tpu.sem_alloc : memref<!tpu.dma_semaphore, #tpu.memory_space<semaphore_mem>>
          %dma_start3A_582 = arith.constant 0 : i32
          %dma_start3A_583 = arith.constant 0 : i32
          %dma_start3A_584 = tpu.memref_slice %arg12[%while3A_581, %dma_start3A_582, %dma_start3A_583] : memref<31x8x128xf32, #tpu.memory_space<vmem>> -> memref<1x8x128xf32, #tpu.memory_space<vmem>>
          %dma_start3A_585 = arith.constant 0 : i32
          %dma_start3A_586 = arith.constant 0 : i32
          %dma_start3A_587 = arith.constant 0 : i32
          %dma_start3A_588 = tpu.memref_slice %arg5[%dma_start3A_585, %dma_start3A_586, %dma_start3A_587] : memref<16x8x128xf32, #tpu.memory_space<hbm>> -> memref<1x8x128xf32, #tpu.memory_space<hbm>>
          %dma_start3A_589 = arith.constant 0 : i32
          %dma_start3A_590 = arith.constant 0 : i32
          %dma_start3A_591 = tpu.memref_slice %arg12[%while3A_581, %dma_start3A_589, %dma_start3A_590] : memref<31x8x128xf32, #tpu.memory_space<vmem>> -> memref<1x8x128xf32, #tpu.memory_space<vmem>>
          %dma_start3A_592 = arith.constant 0 : i32
          %dma_start3A_593 = arith.constant 0 : i32
          %dma_start3A_594 = arith.constant 0 : i32
          %dma_start3A_595 = tpu.memref_slice %arg5[%dma_start3A_592, %dma_start3A_593, %dma_start3A_594] : memref<16x8x128xf32, #tpu.memory_space<hbm>> -> memref<1x8x128xf32, #tpu.memory_space<hbm>>
          tpu.enqueue_dma source(%dma_start3A_595 : memref<1x8x128xf32, #tpu.memory_space<hbm>>) target(%dma_start3A_591 : memref<1x8x128xf32, #tpu.memory_space<vmem>>) target_semaphore(%run_scoped3A : memref<!tpu.dma_semaphore, #tpu.memory_space<semaphore_mem>>)
          %dma_wait3A_596 = arith.constant 0 : i32
          %dma_wait3A_597 = arith.constant 0 : i32
          %dma_wait3A_598 = tpu.memref_slice %arg12[%while3A_581, %dma_wait3A_596, %dma_wait3A_597] : memref<31x8x128xf32, #tpu.memory_space<vmem>> -> memref<1x8x128xf32, #tpu.memory_space<vmem>>
          %dma_wait3A_599 = arith.constant 0 : i32
          %dma_wait3A_600 = arith.constant 0 : i32
          %dma_wait3A_601 = arith.constant 0 : i32
          %dma_wait3A_602 = tpu.memref_slice %arg5[%dma_wait3A_599, %dma_wait3A_600, %dma_wait3A_601] : memref<16x8x128xf32, #tpu.memory_space<hbm>> -> memref<1x8x128xf32, #tpu.memory_space<hbm>>
          %dma_wait3A_603 = arith.constant 0 : i32
          %dma_wait3A_604 = arith.constant 0 : i32
          %dma_wait3A_605 = tpu.memref_slice %arg12[%while3A_581, %dma_wait3A_603, %dma_wait3A_604] : memref<31x8x128xf32, #tpu.memory_space<vmem>> -> memref<1x8x128xf32, #tpu.memory_space<vmem>>
          %dma_wait3A_606 = arith.constant 0 : i32
          %dma_wait3A_607 = arith.constant 0 : i32
          %dma_wait3A_608 = arith.constant 0 : i32
          %dma_wait3A_609 = tpu.memref_slice %arg5[%dma_wait3A_606, %dma_wait3A_607, %dma_wait3A_608] : memref<16x8x128xf32, #tpu.memory_space<hbm>> -> memref<1x8x128xf32, #tpu.memory_space<hbm>>
          tpu.wait_dma2 semaphore(%run_scoped3A : memref<!tpu.dma_semaphore, #tpu.memory_space<semaphore_mem>>) src(%dma_wait3A_609 : memref<1x8x128xf32, #tpu.memory_space<hbm>>) dst(%dma_wait3A_605 : memref<1x8x128xf32, #tpu.memory_space<vmem>>)
          tpu.yield
        }) : () -> ()
      }
      %while3A_542 = arith.constant 1 : i32
      scf.for %while3A_581 = %while3A_540 to %while3A_536 step %while3A_542  : i32 {
        "tpu.region"() ({
          %run_scoped3A = tpu.sem_alloc : memref<!tpu.dma_semaphore, #tpu.memory_space<semaphore_mem>>
          %dma_start3A_582 = arith.constant 0 : i32
          %dma_start3A_583 = arith.constant 0 : i32
          %dma_start3A_584 = tpu.memref_slice %arg12[%while3A_581, %dma_start3A_582, %dma_start3A_583] : memref<31x8x128xf32, #tpu.memory_space<vmem>> -> memref<1x8x128xf32, #tpu.memory_space<vmem>>
          %dma_start3A_585 = arith.constant 0 : i32
          %dma_start3A_586 = arith.constant 0 : i32
          %dma_start3A_587 = arith.constant 0 : i32
          %dma_start3A_588 = tpu.memref_slice %arg5[%dma_start3A_585, %dma_start3A_586, %dma_start3A_587] : memref<16x8x128xf32, #tpu.memory_space<hbm>> -> memref<1x8x128xf32, #tpu.memory_space<hbm>>
          %dma_start3A_589 = arith.constant 0 : i32
          %dma_start3A_590 = arith.constant 0 : i32
          %dma_start3A_591 = tpu.memref_slice %arg12[%while3A_581, %dma_start3A_589, %dma_start3A_590] : memref<31x8x128xf32, #tpu.memory_space<vmem>> -> memref<1x8x128xf32, #tpu.memory_space<vmem>>
          %dma_start3A_592 = arith.constant 0 : i32
          %dma_start3A_593 = arith.constant 0 : i32
          %dma_start3A_594 = arith.constant 0 : i32
          %dma_start3A_595 = tpu.memref_slice %arg5[%dma_start3A_592, %dma_start3A_593, %dma_start3A_594] : memref<16x8x128xf32, #tpu.memory_space<hbm>> -> memref<1x8x128xf32, #tpu.memory_space<hbm>>
          tpu.enqueue_dma source(%dma_start3A_595 : memref<1x8x128xf32, #tpu.memory_space<hbm>>) target(%dma_start3A_591 : memref<1x8x128xf32, #tpu.memory_space<vmem>>) target_semaphore(%run_scoped3A : memref<!tpu.dma_semaphore, #tpu.memory_space<semaphore_mem>>)
          %dma_wait3A_596 = arith.constant 0 : i32
          %dma_wait3A_597 = arith.constant 0 : i32
          %dma_wait3A_598 = tpu.memref_slice %arg12[%while3A_581, %dma_wait3A_596, %dma_wait3A_597] : memref<31x8x128xf32, #tpu.memory_space<vmem>> -> memref<1x8x128xf32, #tpu.memory_space<vmem>>
          %dma_wait3A_599 = arith.constant 0 : i32
          %dma_wait3A_600 = arith.constant 0 : i32
          %dma_wait3A_601 = arith.constant 0 : i32
          %dma_wait3A_602 = tpu.memref_slice %arg5[%dma_wait3A_599, %dma_wait3A_600, %dma_wait3A_601] : memref<16x8x128xf32, #tpu.memory_space<hbm>> -> memref<1x8x128xf32, #tpu.memory_space<hbm>>
          %dma_wait3A_603 = arith.constant 0 : i32
          %dma_wait3A_604 = arith.constant 0 : i32
          %dma_wait3A_605 = tpu.memref_slice %arg12[%while3A_581, %dma_wait3A_603, %dma_wait3A_604] : memref<31x8x128xf32, #tpu.memory_space<vmem>> -> memref<1x8x128xf32, #tpu.memory_space<vmem>>
          %dma_wait3A_606 = arith.constant 0 : i32
          %dma_wait3A_607 = arith.constant 0 : i32
          %dma_wait3A_608 = arith.constant 0 : i32
          %dma_wait3A_609 = tpu.memref_slice %arg5[%dma_wait3A_606, %dma_wait3A_607, %dma_wait3A_608] : memref<16x8x128xf32, #tpu.memory_space<hbm>> -> memref<1x8x128xf32, #tpu.memory_space<hbm>>
          tpu.wait_dma2 semaphore(%run_scoped3A : memref<!tpu.dma_semaphore, #tpu.memory_space<semaphore_mem>>) src(%dma_wait3A_609 : memref<1x8x128xf32, #tpu.memory_space<hbm>>) dst(%dma_wait3A_605 : memref<1x8x128xf32, #tpu.memory_space<vmem>>)
          tpu.yield
        }) : () -> ()
      }
      %while3A_543 = arith.constant 0 : i32
      %while3A_544 = arith.constant 0 : i32
      %while3A_545 = arith.subi %min3A_186, %while3A_544 : i32
      %while3A_546 = arith.addi %while3A_544, %while3A_545 : i32
      %while3A_547 = arith.constant 1 : i32
      %while3A_548 = arith.divsi %while3A_545, %while3A_547 : i32
      %while3A_549 = arith.muli %while3A_548, %while3A_547 : i32
      %while3A_550 = arith.addi %while3A_544, %while3A_549 : i32
      %while3A_551 = arith.constant 1 : i32
      scf.for %while3A_581 = %while3A_544 to %while3A_550 step %while3A_551  : i32 {
        %sub3A_582 = arith.constant 30 : i32
        %sub3A_583 = arith.subi %sub3A_582, %while3A_581 : i32
        "tpu.region"() ({
          %run_scoped3A = tpu.sem_alloc : memref<!tpu.dma_semaphore, #tpu.memory_space<semaphore_mem>>
          %dma_start3A_584 = arith.constant 0 : i32
          %dma_start3A_585 = arith.constant 0 : i32
          %dma_start3A_586 = tpu.memref_slice %arg12[%sub3A_583, %dma_start3A_584, %dma_start3A_585] : memref<31x8x128xf32, #tpu.memory_space<vmem>> -> memref<1x8x128xf32, #tpu.memory_space<vmem>>
          %dma_start3A_587 = arith.constant 0 : i32
          %dma_start3A_588 = arith.constant 0 : i32
          %dma_start3A_589 = arith.constant 0 : i32
          %dma_start3A_590 = tpu.memref_slice %arg5[%dma_start3A_587, %dma_start3A_588, %dma_start3A_589] : memref<16x8x128xf32, #tpu.memory_space<hbm>> -> memref<1x8x128xf32, #tpu.memory_space<hbm>>
          %dma_start3A_591 = arith.constant 0 : i32
          %dma_start3A_592 = arith.constant 0 : i32
          %dma_start3A_593 = tpu.memref_slice %arg12[%sub3A_583, %dma_start3A_591, %dma_start3A_592] : memref<31x8x128xf32, #tpu.memory_space<vmem>> -> memref<1x8x128xf32, #tpu.memory_space<vmem>>
          %dma_start3A_594 = arith.constant 0 : i32
          %dma_start3A_595 = arith.constant 0 : i32
          %dma_start3A_596 = arith.constant 0 : i32
          %dma_start3A_597 = tpu.memref_slice %arg5[%dma_start3A_594, %dma_start3A_595, %dma_start3A_596] : memref<16x8x128xf32, #tpu.memory_space<hbm>> -> memref<1x8x128xf32, #tpu.memory_space<hbm>>
          tpu.enqueue_dma source(%dma_start3A_597 : memref<1x8x128xf32, #tpu.memory_space<hbm>>) target(%dma_start3A_593 : memref<1x8x128xf32, #tpu.memory_space<vmem>>) target_semaphore(%run_scoped3A : memref<!tpu.dma_semaphore, #tpu.memory_space<semaphore_mem>>)
          %dma_wait3A_598 = arith.constant 0 : i32
          %dma_wait3A_599 = arith.constant 0 : i32
          %dma_wait3A_600 = tpu.memref_slice %arg12[%sub3A_583, %dma_wait3A_598, %dma_wait3A_599] : memref<31x8x128xf32, #tpu.memory_space<vmem>> -> memref<1x8x128xf32, #tpu.memory_space<vmem>>
          %dma_wait3A_601 = arith.constant 0 : i32
          %dma_wait3A_602 = arith.constant 0 : i32
          %dma_wait3A_603 = arith.constant 0 : i32
          %dma_wait3A_604 = tpu.memref_slice %arg5[%dma_wait3A_601, %dma_wait3A_602, %dma_wait3A_603] : memref<16x8x128xf32, #tpu.memory_space<hbm>> -> memref<1x8x128xf32, #tpu.memory_space<hbm>>
          %dma_wait3A_605 = arith.constant 0 : i32
          %dma_wait3A_606 = arith.constant 0 : i32
          %dma_wait3A_607 = tpu.memref_slice %arg12[%sub3A_583, %dma_wait3A_605, %dma_wait3A_606] : memref<31x8x128xf32, #tpu.memory_space<vmem>> -> memref<1x8x128xf32, #tpu.memory_space<vmem>>
          %dma_wait3A_608 = arith.constant 0 : i32
          %dma_wait3A_609 = arith.constant 0 : i32
          %dma_wait3A_610 = arith.constant 0 : i32
          %dma_wait3A_611 = tpu.memref_slice %arg5[%dma_wait3A_608, %dma_wait3A_609, %dma_wait3A_610] : memref<16x8x128xf32, #tpu.memory_space<hbm>> -> memref<1x8x128xf32, #tpu.memory_space<hbm>>
          tpu.wait_dma2 semaphore(%run_scoped3A : memref<!tpu.dma_semaphore, #tpu.memory_space<semaphore_mem>>) src(%dma_wait3A_611 : memref<1x8x128xf32, #tpu.memory_space<hbm>>) dst(%dma_wait3A_607 : memref<1x8x128xf32, #tpu.memory_space<vmem>>)
          tpu.yield
        }) : () -> ()
      }
      %while3A_552 = arith.constant 1 : i32
      scf.for %while3A_581 = %while3A_550 to %while3A_546 step %while3A_552  : i32 {
        %sub3A_582 = arith.constant 30 : i32
        %sub3A_583 = arith.subi %sub3A_582, %while3A_581 : i32
        "tpu.region"() ({
          %run_scoped3A = tpu.sem_alloc : memref<!tpu.dma_semaphore, #tpu.memory_space<semaphore_mem>>
          %dma_start3A_584 = arith.constant 0 : i32
          %dma_start3A_585 = arith.constant 0 : i32
          %dma_start3A_586 = tpu.memref_slice %arg12[%sub3A_583, %dma_start3A_584, %dma_start3A_585] : memref<31x8x128xf32, #tpu.memory_space<vmem>> -> memref<1x8x128xf32, #tpu.memory_space<vmem>>
          %dma_start3A_587 = arith.constant 0 : i32
          %dma_start3A_588 = arith.constant 0 : i32
          %dma_start3A_589 = arith.constant 0 : i32
          %dma_start3A_590 = tpu.memref_slice %arg5[%dma_start3A_587, %dma_start3A_588, %dma_start3A_589] : memref<16x8x128xf32, #tpu.memory_space<hbm>> -> memref<1x8x128xf32, #tpu.memory_space<hbm>>
          %dma_start3A_591 = arith.constant 0 : i32
          %dma_start3A_592 = arith.constant 0 : i32
          %dma_start3A_593 = tpu.memref_slice %arg12[%sub3A_583, %dma_start3A_591, %dma_start3A_592] : memref<31x8x128xf32, #tpu.memory_space<vmem>> -> memref<1x8x128xf32, #tpu.memory_space<vmem>>
          %dma_start3A_594 = arith.constant 0 : i32
          %dma_start3A_595 = arith.constant 0 : i32
          %dma_start3A_596 = arith.constant 0 : i32
          %dma_start3A_597 = tpu.memref_slice %arg5[%dma_start3A_594, %dma_start3A_595, %dma_start3A_596] : memref<16x8x128xf32, #tpu.memory_space<hbm>> -> memref<1x8x128xf32, #tpu.memory_space<hbm>>
          tpu.enqueue_dma source(%dma_start3A_597 : memref<1x8x128xf32, #tpu.memory_space<hbm>>) target(%dma_start3A_593 : memref<1x8x128xf32, #tpu.memory_space<vmem>>) target_semaphore(%run_scoped3A : memref<!tpu.dma_semaphore, #tpu.memory_space<semaphore_mem>>)
          %dma_wait3A_598 = arith.constant 0 : i32
          %dma_wait3A_599 = arith.constant 0 : i32
          %dma_wait3A_600 = tpu.memref_slice %arg12[%sub3A_583, %dma_wait3A_598, %dma_wait3A_599] : memref<31x8x128xf32, #tpu.memory_space<vmem>> -> memref<1x8x128xf32, #tpu.memory_space<vmem>>
          %dma_wait3A_601 = arith.constant 0 : i32
          %dma_wait3A_602 = arith.constant 0 : i32
          %dma_wait3A_603 = arith.constant 0 : i32
          %dma_wait3A_604 = tpu.memref_slice %arg5[%dma_wait3A_601, %dma_wait3A_602, %dma_wait3A_603] : memref<16x8x128xf32, #tpu.memory_space<hbm>> -> memref<1x8x128xf32, #tpu.memory_space<hbm>>
          %dma_wait3A_605 = arith.constant 0 : i32
          %dma_wait3A_606 = arith.constant 0 : i32
          %dma_wait3A_607 = tpu.memref_slice %arg12[%sub3A_583, %dma_wait3A_605, %dma_wait3A_606] : memref<31x8x128xf32, #tpu.memory_space<vmem>> -> memref<1x8x128xf32, #tpu.memory_space<vmem>>
          %dma_wait3A_608 = arith.constant 0 : i32
          %dma_wait3A_609 = arith.constant 0 : i32
          %dma_wait3A_610 = arith.constant 0 : i32
          %dma_wait3A_611 = tpu.memref_slice %arg5[%dma_wait3A_608, %dma_wait3A_609, %dma_wait3A_610] : memref<16x8x128xf32, #tpu.memory_space<hbm>> -> memref<1x8x128xf32, #tpu.memory_space<hbm>>
          tpu.wait_dma2 semaphore(%run_scoped3A : memref<!tpu.dma_semaphore, #tpu.memory_space<semaphore_mem>>) src(%dma_wait3A_611 : memref<1x8x128xf32, #tpu.memory_space<hbm>>) dst(%dma_wait3A_607 : memref<1x8x128xf32, #tpu.memory_space<vmem>>)
          tpu.yield
        }) : () -> ()
      }
      %dma_start3A_553 = arith.constant 0 : i32
      %dma_start3A_554 = arith.constant 0 : i32
      %dma_start3A_555 = arith.constant 0 : i32
      %dma_start3A_556 = tpu.memref_slice %arg12[%dma_start3A_553, %dma_start3A_554, %dma_start3A_555] : memref<31x8x128xf32, #tpu.memory_space<vmem>> -> memref<31x8x128xf32, #tpu.memory_space<vmem>>
      %dma_start3A_557 = arith.constant 0 : i32
      %dma_start3A_558 = arith.constant 0 : i32
      %dma_start3A_559 = tpu.memref_slice %arg7[%add3A_365, %dma_start3A_557, %dma_start3A_558] : memref<961x8x128xf32, #tpu.memory_space<hbm>> -> memref<31x8x128xf32, #tpu.memory_space<hbm>>
      %dma_start3A_560 = arith.constant 0 : i32
      %dma_start3A_561 = arith.constant 0 : i32
      %dma_start3A_562 = tpu.memref_slice %arg7[%add3A_365, %dma_start3A_560, %dma_start3A_561] : memref<961x8x128xf32, #tpu.memory_space<hbm>> -> memref<31x8x128xf32, #tpu.memory_space<hbm>>
      %dma_start3A_563 = arith.constant 0 : i32
      %dma_start3A_564 = arith.constant 0 : i32
      %dma_start3A_565 = arith.constant 0 : i32
      %dma_start3A_566 = tpu.memref_slice %arg12[%dma_start3A_563, %dma_start3A_564, %dma_start3A_565] : memref<31x8x128xf32, #tpu.memory_space<vmem>> -> memref<31x8x128xf32, #tpu.memory_space<vmem>>
      tpu.enqueue_dma source(%dma_start3A_566 : memref<31x8x128xf32, #tpu.memory_space<vmem>>) target(%dma_start3A_562 : memref<31x8x128xf32, #tpu.memory_space<hbm>>) target_semaphore(%arg18 : memref<!tpu.dma_semaphore, #tpu.memory_space<semaphore_mem>>)
      %dma_wait3A_567 = arith.constant 0 : i32
      %dma_wait3A_568 = arith.constant 0 : i32
      %dma_wait3A_569 = arith.constant 0 : i32
      %dma_wait3A_570 = tpu.memref_slice %arg12[%dma_wait3A_567, %dma_wait3A_568, %dma_wait3A_569] : memref<31x8x128xf32, #tpu.memory_space<vmem>> -> memref<31x8x128xf32, #tpu.memory_space<vmem>>
      %dma_wait3A_571 = arith.constant 0 : i32
      %dma_wait3A_572 = arith.constant 0 : i32
      %dma_wait3A_573 = tpu.memref_slice %arg7[%add3A_365, %dma_wait3A_571, %dma_wait3A_572] : memref<961x8x128xf32, #tpu.memory_space<hbm>> -> memref<31x8x128xf32, #tpu.memory_space<hbm>>
      %dma_wait3A_574 = arith.constant 0 : i32
      %dma_wait3A_575 = arith.constant 0 : i32
      %dma_wait3A_576 = tpu.memref_slice %arg7[%add3A_365, %dma_wait3A_574, %dma_wait3A_575] : memref<961x8x128xf32, #tpu.memory_space<hbm>> -> memref<31x8x128xf32, #tpu.memory_space<hbm>>
      %dma_wait3A_577 = arith.constant 0 : i32
      %dma_wait3A_578 = arith.constant 0 : i32
      %dma_wait3A_579 = arith.constant 0 : i32
      %dma_wait3A_580 = tpu.memref_slice %arg12[%dma_wait3A_577, %dma_wait3A_578, %dma_wait3A_579] : memref<31x8x128xf32, #tpu.memory_space<vmem>> -> memref<31x8x128xf32, #tpu.memory_space<vmem>>
      tpu.wait_dma2 semaphore(%arg18 : memref<!tpu.dma_semaphore, #tpu.memory_space<semaphore_mem>>) src(%dma_wait3A_580 : memref<31x8x128xf32, #tpu.memory_space<vmem>>) dst(%dma_wait3A_576 : memref<31x8x128xf32, #tpu.memory_space<hbm>>)
    } else {
    }
    %not3A_370 = arith.constant true
    %not3A_371 = arith.xori %and3A_356, %not3A_370 : i1
    %and3A_372 = arith.andi %and3A_361, %not3A_371 : i1
    %convert_element_type3A_373 = arith.extui %and3A_372 : i1 to i32
    %cond3A_374 = arith.constant 0 : i32
    %cond3A_375 = arith.cmpi ne, %convert_element_type3A_373, %cond3A_374 : i32
    scf.if %cond3A_375 {
      %add3A_534 = arith.constant 0 : i32
      %add3A_535 = arith.addi %add3A_365, %add3A_534 : i32
      "tpu.region"() ({
        %run_scoped3A = tpu.sem_alloc : memref<!tpu.dma_semaphore, #tpu.memory_space<semaphore_mem>>
        %dma_start3A_538 = arith.constant 0 : i32
        %dma_start3A_539 = arith.constant 0 : i32
        %dma_start3A_540 = arith.constant 0 : i32
        %dma_start3A_541 = tpu.memref_slice %arg13[%dma_start3A_538, %dma_start3A_539, %dma_start3A_540] : memref<16x8x128xf32, #tpu.memory_space<vmem>> -> memref<16x8x128xf32, #tpu.memory_space<vmem>>
        %dma_start3A_542 = arith.constant 0 : i32
        %dma_start3A_543 = arith.constant 0 : i32
        %dma_start3A_544 = tpu.memref_slice %arg7[%add3A_535, %dma_start3A_542, %dma_start3A_543] : memref<961x8x128xf32, #tpu.memory_space<hbm>> -> memref<16x8x128xf32, #tpu.memory_space<hbm>>
        %dma_start3A_545 = arith.constant 0 : i32
        %dma_start3A_546 = arith.constant 0 : i32
        %dma_start3A_547 = tpu.memref_slice %arg7[%add3A_535, %dma_start3A_545, %dma_start3A_546] : memref<961x8x128xf32, #tpu.memory_space<hbm>> -> memref<16x8x128xf32, #tpu.memory_space<hbm>>
        %dma_start3A_548 = arith.constant 0 : i32
        %dma_start3A_549 = arith.constant 0 : i32
        %dma_start3A_550 = arith.constant 0 : i32
        %dma_start3A_551 = tpu.memref_slice %arg13[%dma_start3A_548, %dma_start3A_549, %dma_start3A_550] : memref<16x8x128xf32, #tpu.memory_space<vmem>> -> memref<16x8x128xf32, #tpu.memory_space<vmem>>
        tpu.enqueue_dma source(%dma_start3A_551 : memref<16x8x128xf32, #tpu.memory_space<vmem>>) target(%dma_start3A_547 : memref<16x8x128xf32, #tpu.memory_space<hbm>>) target_semaphore(%run_scoped3A : memref<!tpu.dma_semaphore, #tpu.memory_space<semaphore_mem>>)
        %dma_wait3A_552 = arith.constant 0 : i32
        %dma_wait3A_553 = arith.constant 0 : i32
        %dma_wait3A_554 = arith.constant 0 : i32
        %dma_wait3A_555 = tpu.memref_slice %arg13[%dma_wait3A_552, %dma_wait3A_553, %dma_wait3A_554] : memref<16x8x128xf32, #tpu.memory_space<vmem>> -> memref<16x8x128xf32, #tpu.memory_space<vmem>>
        %dma_wait3A_556 = arith.constant 0 : i32
        %dma_wait3A_557 = arith.constant 0 : i32
        %dma_wait3A_558 = tpu.memref_slice %arg7[%add3A_535, %dma_wait3A_556, %dma_wait3A_557] : memref<961x8x128xf32, #tpu.memory_space<hbm>> -> memref<16x8x128xf32, #tpu.memory_space<hbm>>
        %dma_wait3A_559 = arith.constant 0 : i32
        %dma_wait3A_560 = arith.constant 0 : i32
        %dma_wait3A_561 = tpu.memref_slice %arg7[%add3A_535, %dma_wait3A_559, %dma_wait3A_560] : memref<961x8x128xf32, #tpu.memory_space<hbm>> -> memref<16x8x128xf32, #tpu.memory_space<hbm>>
        %dma_wait3A_562 = arith.constant 0 : i32
        %dma_wait3A_563 = arith.constant 0 : i32
        %dma_wait3A_564 = arith.constant 0 : i32
        %dma_wait3A_565 = tpu.memref_slice %arg13[%dma_wait3A_562, %dma_wait3A_563, %dma_wait3A_564] : memref<16x8x128xf32, #tpu.memory_space<vmem>> -> memref<16x8x128xf32, #tpu.memory_space<vmem>>
        tpu.wait_dma2 semaphore(%run_scoped3A : memref<!tpu.dma_semaphore, #tpu.memory_space<semaphore_mem>>) src(%dma_wait3A_565 : memref<16x8x128xf32, #tpu.memory_space<vmem>>) dst(%dma_wait3A_561 : memref<16x8x128xf32, #tpu.memory_space<hbm>>)
        tpu.yield
      }) : () -> ()
      %add3A_536 = arith.constant 16 : i32
      %add3A_537 = arith.addi %add3A_365, %add3A_536 : i32
      "tpu.region"() ({
        %run_scoped3A = tpu.sem_alloc : memref<!tpu.dma_semaphore, #tpu.memory_space<semaphore_mem>>
        %dma_start3A_538 = arith.constant 0 : i32
        %dma_start3A_539 = arith.constant 0 : i32
        %dma_start3A_540 = arith.constant 0 : i32
        %dma_start3A_541 = tpu.memref_slice %arg13[%dma_start3A_538, %dma_start3A_539, %dma_start3A_540] : memref<16x8x128xf32, #tpu.memory_space<vmem>> -> memref<15x8x128xf32, #tpu.memory_space<vmem>>
        %dma_start3A_542 = arith.constant 0 : i32
        %dma_start3A_543 = arith.constant 0 : i32
        %dma_start3A_544 = tpu.memref_slice %arg7[%add3A_537, %dma_start3A_542, %dma_start3A_543] : memref<961x8x128xf32, #tpu.memory_space<hbm>> -> memref<15x8x128xf32, #tpu.memory_space<hbm>>
        %dma_start3A_545 = arith.constant 0 : i32
        %dma_start3A_546 = arith.constant 0 : i32
        %dma_start3A_547 = tpu.memref_slice %arg7[%add3A_537, %dma_start3A_545, %dma_start3A_546] : memref<961x8x128xf32, #tpu.memory_space<hbm>> -> memref<15x8x128xf32, #tpu.memory_space<hbm>>
        %dma_start3A_548 = arith.constant 0 : i32
        %dma_start3A_549 = arith.constant 0 : i32
        %dma_start3A_550 = arith.constant 0 : i32
        %dma_start3A_551 = tpu.memref_slice %arg13[%dma_start3A_548, %dma_start3A_549, %dma_start3A_550] : memref<16x8x128xf32, #tpu.memory_space<vmem>> -> memref<15x8x128xf32, #tpu.memory_space<vmem>>
        tpu.enqueue_dma source(%dma_start3A_551 : memref<15x8x128xf32, #tpu.memory_space<vmem>>) target(%dma_start3A_547 : memref<15x8x128xf32, #tpu.memory_space<hbm>>) target_semaphore(%run_scoped3A : memref<!tpu.dma_semaphore, #tpu.memory_space<semaphore_mem>>)
        %dma_wait3A_552 = arith.constant 0 : i32
        %dma_wait3A_553 = arith.constant 0 : i32
        %dma_wait3A_554 = arith.constant 0 : i32
        %dma_wait3A_555 = tpu.memref_slice %arg13[%dma_wait3A_552, %dma_wait3A_553, %dma_wait3A_554] : memref<16x8x128xf32, #tpu.memory_space<vmem>> -> memref<15x8x128xf32, #tpu.memory_space<vmem>>
        %dma_wait3A_556 = arith.constant 0 : i32
        %dma_wait3A_557 = arith.constant 0 : i32
        %dma_wait3A_558 = tpu.memref_slice %arg7[%add3A_537, %dma_wait3A_556, %dma_wait3A_557] : memref<961x8x128xf32, #tpu.memory_space<hbm>> -> memref<15x8x128xf32, #tpu.memory_space<hbm>>
        %dma_wait3A_559 = arith.constant 0 : i32
        %dma_wait3A_560 = arith.constant 0 : i32
        %dma_wait3A_561 = tpu.memref_slice %arg7[%add3A_537, %dma_wait3A_559, %dma_wait3A_560] : memref<961x8x128xf32, #tpu.memory_space<hbm>> -> memref<15x8x128xf32, #tpu.memory_space<hbm>>
        %dma_wait3A_562 = arith.constant 0 : i32
        %dma_wait3A_563 = arith.constant 0 : i32
        %dma_wait3A_564 = arith.constant 0 : i32
        %dma_wait3A_565 = tpu.memref_slice %arg13[%dma_wait3A_562, %dma_wait3A_563, %dma_wait3A_564] : memref<16x8x128xf32, #tpu.memory_space<vmem>> -> memref<15x8x128xf32, #tpu.memory_space<vmem>>
        tpu.wait_dma2 semaphore(%run_scoped3A : memref<!tpu.dma_semaphore, #tpu.memory_space<semaphore_mem>>) src(%dma_wait3A_565 : memref<15x8x128xf32, #tpu.memory_space<vmem>>) dst(%dma_wait3A_561 : memref<15x8x128xf32, #tpu.memory_space<hbm>>)
        tpu.yield
      }) : () -> ()
    } else {
    }
    %sub3A_376 = arith.constant 92 : i32
    %sub3A_377 = arith.subi %add3A_232, %sub3A_376 : i32
    %add3A_378 = arith.addi %sub3A_190, %sub3A_377 : i32
    %ge3A_379 = arith.constant 0 : i32
    %ge3A_380 = arith.cmpi sge, %add3A_378, %ge3A_379 : i32
    %lt3A_381 = arith.constant 125 : i32
    %lt3A_382 = arith.cmpi slt, %add3A_378, %lt3A_381 : i32
    %and3A_383 = arith.andi %ge3A_380, %lt3A_382 : i1
    %ge3A_384 = arith.constant 92 : i32
    %ge3A_385 = arith.cmpi sge, %add3A_232, %ge3A_384 : i32
    %lt3A_386 = arith.constant 107 : i32
    %lt3A_387 = arith.cmpi slt, %add3A_232, %lt3A_386 : i32
    %and3A_388 = arith.andi %ge3A_385, %lt3A_387 : i1
    %mul3A_389 = arith.constant 15 : i32
    %mul3A_390 = arith.muli %mul3A_389, %sub3A_377 : i32
    %add3A_391 = arith.constant 0 : i32
    %add3A_392 = arith.addi %mul3A_390, %add3A_391 : i32
    %and3A_393 = arith.andi %and3A_388, %and3A_383 : i1
    %convert_element_type3A_394 = arith.extui %and3A_393 : i1 to i32
    %cond3A_395 = arith.constant 0 : i32
    %cond3A_396 = arith.cmpi ne, %convert_element_type3A_394, %cond3A_395 : i32
    scf.if %cond3A_396 {
      %while3A = arith.constant 0 : i32
      %while3A_534 = arith.constant 0 : i32
      %while3A_535 = arith.subi %min3A_218, %while3A_534 : i32
      %while3A_536 = arith.addi %while3A_534, %while3A_535 : i32
      %while3A_537 = arith.constant 1 : i32
      %while3A_538 = arith.divsi %while3A_535, %while3A_537 : i32
      %while3A_539 = arith.muli %while3A_538, %while3A_537 : i32
      %while3A_540 = arith.addi %while3A_534, %while3A_539 : i32
      %while3A_541 = arith.constant 1 : i32
      scf.for %while3A_581 = %while3A_534 to %while3A_540 step %while3A_541  : i32 {
        "tpu.region"() ({
          %run_scoped3A = tpu.sem_alloc : memref<!tpu.dma_semaphore, #tpu.memory_space<semaphore_mem>>
          %dma_start3A_582 = arith.constant 0 : i32
          %dma_start3A_583 = arith.constant 0 : i32
          %dma_start3A_584 = tpu.memref_slice %arg12[%while3A_581, %dma_start3A_582, %dma_start3A_583] : memref<31x8x128xf32, #tpu.memory_space<vmem>> -> memref<1x8x128xf32, #tpu.memory_space<vmem>>
          %dma_start3A_585 = arith.constant 0 : i32
          %dma_start3A_586 = arith.constant 0 : i32
          %dma_start3A_587 = arith.constant 0 : i32
          %dma_start3A_588 = tpu.memref_slice %arg5[%dma_start3A_585, %dma_start3A_586, %dma_start3A_587] : memref<16x8x128xf32, #tpu.memory_space<hbm>> -> memref<1x8x128xf32, #tpu.memory_space<hbm>>
          %dma_start3A_589 = arith.constant 0 : i32
          %dma_start3A_590 = arith.constant 0 : i32
          %dma_start3A_591 = tpu.memref_slice %arg12[%while3A_581, %dma_start3A_589, %dma_start3A_590] : memref<31x8x128xf32, #tpu.memory_space<vmem>> -> memref<1x8x128xf32, #tpu.memory_space<vmem>>
          %dma_start3A_592 = arith.constant 0 : i32
          %dma_start3A_593 = arith.constant 0 : i32
          %dma_start3A_594 = arith.constant 0 : i32
          %dma_start3A_595 = tpu.memref_slice %arg5[%dma_start3A_592, %dma_start3A_593, %dma_start3A_594] : memref<16x8x128xf32, #tpu.memory_space<hbm>> -> memref<1x8x128xf32, #tpu.memory_space<hbm>>
          tpu.enqueue_dma source(%dma_start3A_595 : memref<1x8x128xf32, #tpu.memory_space<hbm>>) target(%dma_start3A_591 : memref<1x8x128xf32, #tpu.memory_space<vmem>>) target_semaphore(%run_scoped3A : memref<!tpu.dma_semaphore, #tpu.memory_space<semaphore_mem>>)
          %dma_wait3A_596 = arith.constant 0 : i32
          %dma_wait3A_597 = arith.constant 0 : i32
          %dma_wait3A_598 = tpu.memref_slice %arg12[%while3A_581, %dma_wait3A_596, %dma_wait3A_597] : memref<31x8x128xf32, #tpu.memory_space<vmem>> -> memref<1x8x128xf32, #tpu.memory_space<vmem>>
          %dma_wait3A_599 = arith.constant 0 : i32
          %dma_wait3A_600 = arith.constant 0 : i32
          %dma_wait3A_601 = arith.constant 0 : i32
          %dma_wait3A_602 = tpu.memref_slice %arg5[%dma_wait3A_599, %dma_wait3A_600, %dma_wait3A_601] : memref<16x8x128xf32, #tpu.memory_space<hbm>> -> memref<1x8x128xf32, #tpu.memory_space<hbm>>
          %dma_wait3A_603 = arith.constant 0 : i32
          %dma_wait3A_604 = arith.constant 0 : i32
          %dma_wait3A_605 = tpu.memref_slice %arg12[%while3A_581, %dma_wait3A_603, %dma_wait3A_604] : memref<31x8x128xf32, #tpu.memory_space<vmem>> -> memref<1x8x128xf32, #tpu.memory_space<vmem>>
          %dma_wait3A_606 = arith.constant 0 : i32
          %dma_wait3A_607 = arith.constant 0 : i32
          %dma_wait3A_608 = arith.constant 0 : i32
          %dma_wait3A_609 = tpu.memref_slice %arg5[%dma_wait3A_606, %dma_wait3A_607, %dma_wait3A_608] : memref<16x8x128xf32, #tpu.memory_space<hbm>> -> memref<1x8x128xf32, #tpu.memory_space<hbm>>
          tpu.wait_dma2 semaphore(%run_scoped3A : memref<!tpu.dma_semaphore, #tpu.memory_space<semaphore_mem>>) src(%dma_wait3A_609 : memref<1x8x128xf32, #tpu.memory_space<hbm>>) dst(%dma_wait3A_605 : memref<1x8x128xf32, #tpu.memory_space<vmem>>)
          tpu.yield
        }) : () -> ()
      }
      %while3A_542 = arith.constant 1 : i32
      scf.for %while3A_581 = %while3A_540 to %while3A_536 step %while3A_542  : i32 {
        "tpu.region"() ({
          %run_scoped3A = tpu.sem_alloc : memref<!tpu.dma_semaphore, #tpu.memory_space<semaphore_mem>>
          %dma_start3A_582 = arith.constant 0 : i32
          %dma_start3A_583 = arith.constant 0 : i32
          %dma_start3A_584 = tpu.memref_slice %arg12[%while3A_581, %dma_start3A_582, %dma_start3A_583] : memref<31x8x128xf32, #tpu.memory_space<vmem>> -> memref<1x8x128xf32, #tpu.memory_space<vmem>>
          %dma_start3A_585 = arith.constant 0 : i32
          %dma_start3A_586 = arith.constant 0 : i32
          %dma_start3A_587 = arith.constant 0 : i32
          %dma_start3A_588 = tpu.memref_slice %arg5[%dma_start3A_585, %dma_start3A_586, %dma_start3A_587] : memref<16x8x128xf32, #tpu.memory_space<hbm>> -> memref<1x8x128xf32, #tpu.memory_space<hbm>>
          %dma_start3A_589 = arith.constant 0 : i32
          %dma_start3A_590 = arith.constant 0 : i32
          %dma_start3A_591 = tpu.memref_slice %arg12[%while3A_581, %dma_start3A_589, %dma_start3A_590] : memref<31x8x128xf32, #tpu.memory_space<vmem>> -> memref<1x8x128xf32, #tpu.memory_space<vmem>>
          %dma_start3A_592 = arith.constant 0 : i32
          %dma_start3A_593 = arith.constant 0 : i32
          %dma_start3A_594 = arith.constant 0 : i32
          %dma_start3A_595 = tpu.memref_slice %arg5[%dma_start3A_592, %dma_start3A_593, %dma_start3A_594] : memref<16x8x128xf32, #tpu.memory_space<hbm>> -> memref<1x8x128xf32, #tpu.memory_space<hbm>>
          tpu.enqueue_dma source(%dma_start3A_595 : memref<1x8x128xf32, #tpu.memory_space<hbm>>) target(%dma_start3A_591 : memref<1x8x128xf32, #tpu.memory_space<vmem>>) target_semaphore(%run_scoped3A : memref<!tpu.dma_semaphore, #tpu.memory_space<semaphore_mem>>)
          %dma_wait3A_596 = arith.constant 0 : i32
          %dma_wait3A_597 = arith.constant 0 : i32
          %dma_wait3A_598 = tpu.memref_slice %arg12[%while3A_581, %dma_wait3A_596, %dma_wait3A_597] : memref<31x8x128xf32, #tpu.memory_space<vmem>> -> memref<1x8x128xf32, #tpu.memory_space<vmem>>
          %dma_wait3A_599 = arith.constant 0 : i32
          %dma_wait3A_600 = arith.constant 0 : i32
          %dma_wait3A_601 = arith.constant 0 : i32
          %dma_wait3A_602 = tpu.memref_slice %arg5[%dma_wait3A_599, %dma_wait3A_600, %dma_wait3A_601] : memref<16x8x128xf32, #tpu.memory_space<hbm>> -> memref<1x8x128xf32, #tpu.memory_space<hbm>>
          %dma_wait3A_603 = arith.constant 0 : i32
          %dma_wait3A_604 = arith.constant 0 : i32
          %dma_wait3A_605 = tpu.memref_slice %arg12[%while3A_581, %dma_wait3A_603, %dma_wait3A_604] : memref<31x8x128xf32, #tpu.memory_space<vmem>> -> memref<1x8x128xf32, #tpu.memory_space<vmem>>
          %dma_wait3A_606 = arith.constant 0 : i32
          %dma_wait3A_607 = arith.constant 0 : i32
          %dma_wait3A_608 = arith.constant 0 : i32
          %dma_wait3A_609 = tpu.memref_slice %arg5[%dma_wait3A_606, %dma_wait3A_607, %dma_wait3A_608] : memref<16x8x128xf32, #tpu.memory_space<hbm>> -> memref<1x8x128xf32, #tpu.memory_space<hbm>>
          tpu.wait_dma2 semaphore(%run_scoped3A : memref<!tpu.dma_semaphore, #tpu.memory_space<semaphore_mem>>) src(%dma_wait3A_609 : memref<1x8x128xf32, #tpu.memory_space<hbm>>) dst(%dma_wait3A_605 : memref<1x8x128xf32, #tpu.memory_space<vmem>>)
          tpu.yield
        }) : () -> ()
      }
      %while3A_543 = arith.constant 0 : i32
      %while3A_544 = arith.constant 0 : i32
      %while3A_545 = arith.subi %min3A_228, %while3A_544 : i32
      %while3A_546 = arith.addi %while3A_544, %while3A_545 : i32
      %while3A_547 = arith.constant 1 : i32
      %while3A_548 = arith.divsi %while3A_545, %while3A_547 : i32
      %while3A_549 = arith.muli %while3A_548, %while3A_547 : i32
      %while3A_550 = arith.addi %while3A_544, %while3A_549 : i32
      %while3A_551 = arith.constant 1 : i32
      scf.for %while3A_581 = %while3A_544 to %while3A_550 step %while3A_551  : i32 {
        %sub3A_582 = arith.constant 14 : i32
        %sub3A_583 = arith.subi %sub3A_582, %while3A_581 : i32
        "tpu.region"() ({
          %run_scoped3A = tpu.sem_alloc : memref<!tpu.dma_semaphore, #tpu.memory_space<semaphore_mem>>
          %dma_start3A_584 = arith.constant 0 : i32
          %dma_start3A_585 = arith.constant 0 : i32
          %dma_start3A_586 = tpu.memref_slice %arg12[%sub3A_583, %dma_start3A_584, %dma_start3A_585] : memref<31x8x128xf32, #tpu.memory_space<vmem>> -> memref<1x8x128xf32, #tpu.memory_space<vmem>>
          %dma_start3A_587 = arith.constant 0 : i32
          %dma_start3A_588 = arith.constant 0 : i32
          %dma_start3A_589 = arith.constant 0 : i32
          %dma_start3A_590 = tpu.memref_slice %arg5[%dma_start3A_587, %dma_start3A_588, %dma_start3A_589] : memref<16x8x128xf32, #tpu.memory_space<hbm>> -> memref<1x8x128xf32, #tpu.memory_space<hbm>>
          %dma_start3A_591 = arith.constant 0 : i32
          %dma_start3A_592 = arith.constant 0 : i32
          %dma_start3A_593 = tpu.memref_slice %arg12[%sub3A_583, %dma_start3A_591, %dma_start3A_592] : memref<31x8x128xf32, #tpu.memory_space<vmem>> -> memref<1x8x128xf32, #tpu.memory_space<vmem>>
          %dma_start3A_594 = arith.constant 0 : i32
          %dma_start3A_595 = arith.constant 0 : i32
          %dma_start3A_596 = arith.constant 0 : i32
          %dma_start3A_597 = tpu.memref_slice %arg5[%dma_start3A_594, %dma_start3A_595, %dma_start3A_596] : memref<16x8x128xf32, #tpu.memory_space<hbm>> -> memref<1x8x128xf32, #tpu.memory_space<hbm>>
          tpu.enqueue_dma source(%dma_start3A_597 : memref<1x8x128xf32, #tpu.memory_space<hbm>>) target(%dma_start3A_593 : memref<1x8x128xf32, #tpu.memory_space<vmem>>) target_semaphore(%run_scoped3A : memref<!tpu.dma_semaphore, #tpu.memory_space<semaphore_mem>>)
          %dma_wait3A_598 = arith.constant 0 : i32
          %dma_wait3A_599 = arith.constant 0 : i32
          %dma_wait3A_600 = tpu.memref_slice %arg12[%sub3A_583, %dma_wait3A_598, %dma_wait3A_599] : memref<31x8x128xf32, #tpu.memory_space<vmem>> -> memref<1x8x128xf32, #tpu.memory_space<vmem>>
          %dma_wait3A_601 = arith.constant 0 : i32
          %dma_wait3A_602 = arith.constant 0 : i32
          %dma_wait3A_603 = arith.constant 0 : i32
          %dma_wait3A_604 = tpu.memref_slice %arg5[%dma_wait3A_601, %dma_wait3A_602, %dma_wait3A_603] : memref<16x8x128xf32, #tpu.memory_space<hbm>> -> memref<1x8x128xf32, #tpu.memory_space<hbm>>
          %dma_wait3A_605 = arith.constant 0 : i32
          %dma_wait3A_606 = arith.constant 0 : i32
          %dma_wait3A_607 = tpu.memref_slice %arg12[%sub3A_583, %dma_wait3A_605, %dma_wait3A_606] : memref<31x8x128xf32, #tpu.memory_space<vmem>> -> memref<1x8x128xf32, #tpu.memory_space<vmem>>
          %dma_wait3A_608 = arith.constant 0 : i32
          %dma_wait3A_609 = arith.constant 0 : i32
          %dma_wait3A_610 = arith.constant 0 : i32
          %dma_wait3A_611 = tpu.memref_slice %arg5[%dma_wait3A_608, %dma_wait3A_609, %dma_wait3A_610] : memref<16x8x128xf32, #tpu.memory_space<hbm>> -> memref<1x8x128xf32, #tpu.memory_space<hbm>>
          tpu.wait_dma2 semaphore(%run_scoped3A : memref<!tpu.dma_semaphore, #tpu.memory_space<semaphore_mem>>) src(%dma_wait3A_611 : memref<1x8x128xf32, #tpu.memory_space<hbm>>) dst(%dma_wait3A_607 : memref<1x8x128xf32, #tpu.memory_space<vmem>>)
          tpu.yield
        }) : () -> ()
      }
      %while3A_552 = arith.constant 1 : i32
      scf.for %while3A_581 = %while3A_550 to %while3A_546 step %while3A_552  : i32 {
        %sub3A_582 = arith.constant 14 : i32
        %sub3A_583 = arith.subi %sub3A_582, %while3A_581 : i32
        "tpu.region"() ({
          %run_scoped3A = tpu.sem_alloc : memref<!tpu.dma_semaphore, #tpu.memory_space<semaphore_mem>>
          %dma_start3A_584 = arith.constant 0 : i32
          %dma_start3A_585 = arith.constant 0 : i32
          %dma_start3A_586 = tpu.memref_slice %arg12[%sub3A_583, %dma_start3A_584, %dma_start3A_585] : memref<31x8x128xf32, #tpu.memory_space<vmem>> -> memref<1x8x128xf32, #tpu.memory_space<vmem>>
          %dma_start3A_587 = arith.constant 0 : i32
          %dma_start3A_588 = arith.constant 0 : i32
          %dma_start3A_589 = arith.constant 0 : i32
          %dma_start3A_590 = tpu.memref_slice %arg5[%dma_start3A_587, %dma_start3A_588, %dma_start3A_589] : memref<16x8x128xf32, #tpu.memory_space<hbm>> -> memref<1x8x128xf32, #tpu.memory_space<hbm>>
          %dma_start3A_591 = arith.constant 0 : i32
          %dma_start3A_592 = arith.constant 0 : i32
          %dma_start3A_593 = tpu.memref_slice %arg12[%sub3A_583, %dma_start3A_591, %dma_start3A_592] : memref<31x8x128xf32, #tpu.memory_space<vmem>> -> memref<1x8x128xf32, #tpu.memory_space<vmem>>
          %dma_start3A_594 = arith.constant 0 : i32
          %dma_start3A_595 = arith.constant 0 : i32
          %dma_start3A_596 = arith.constant 0 : i32
          %dma_start3A_597 = tpu.memref_slice %arg5[%dma_start3A_594, %dma_start3A_595, %dma_start3A_596] : memref<16x8x128xf32, #tpu.memory_space<hbm>> -> memref<1x8x128xf32, #tpu.memory_space<hbm>>
          tpu.enqueue_dma source(%dma_start3A_597 : memref<1x8x128xf32, #tpu.memory_space<hbm>>) target(%dma_start3A_593 : memref<1x8x128xf32, #tpu.memory_space<vmem>>) target_semaphore(%run_scoped3A : memref<!tpu.dma_semaphore, #tpu.memory_space<semaphore_mem>>)
          %dma_wait3A_598 = arith.constant 0 : i32
          %dma_wait3A_599 = arith.constant 0 : i32
          %dma_wait3A_600 = tpu.memref_slice %arg12[%sub3A_583, %dma_wait3A_598, %dma_wait3A_599] : memref<31x8x128xf32, #tpu.memory_space<vmem>> -> memref<1x8x128xf32, #tpu.memory_space<vmem>>
          %dma_wait3A_601 = arith.constant 0 : i32
          %dma_wait3A_602 = arith.constant 0 : i32
          %dma_wait3A_603 = arith.constant 0 : i32
          %dma_wait3A_604 = tpu.memref_slice %arg5[%dma_wait3A_601, %dma_wait3A_602, %dma_wait3A_603] : memref<16x8x128xf32, #tpu.memory_space<hbm>> -> memref<1x8x128xf32, #tpu.memory_space<hbm>>
          %dma_wait3A_605 = arith.constant 0 : i32
          %dma_wait3A_606 = arith.constant 0 : i32
          %dma_wait3A_607 = tpu.memref_slice %arg12[%sub3A_583, %dma_wait3A_605, %dma_wait3A_606] : memref<31x8x128xf32, #tpu.memory_space<vmem>> -> memref<1x8x128xf32, #tpu.memory_space<vmem>>
          %dma_wait3A_608 = arith.constant 0 : i32
          %dma_wait3A_609 = arith.constant 0 : i32
          %dma_wait3A_610 = arith.constant 0 : i32
          %dma_wait3A_611 = tpu.memref_slice %arg5[%dma_wait3A_608, %dma_wait3A_609, %dma_wait3A_610] : memref<16x8x128xf32, #tpu.memory_space<hbm>> -> memref<1x8x128xf32, #tpu.memory_space<hbm>>
          tpu.wait_dma2 semaphore(%run_scoped3A : memref<!tpu.dma_semaphore, #tpu.memory_space<semaphore_mem>>) src(%dma_wait3A_611 : memref<1x8x128xf32, #tpu.memory_space<hbm>>) dst(%dma_wait3A_607 : memref<1x8x128xf32, #tpu.memory_space<vmem>>)
          tpu.yield
        }) : () -> ()
      }
      %dma_start3A_553 = arith.constant 0 : i32
      %dma_start3A_554 = arith.constant 0 : i32
      %dma_start3A_555 = arith.constant 0 : i32
      %dma_start3A_556 = tpu.memref_slice %arg12[%dma_start3A_553, %dma_start3A_554, %dma_start3A_555] : memref<31x8x128xf32, #tpu.memory_space<vmem>> -> memref<15x8x128xf32, #tpu.memory_space<vmem>>
      %dma_start3A_557 = arith.constant 0 : i32
      %dma_start3A_558 = arith.constant 0 : i32
      %dma_start3A_559 = tpu.memref_slice %arg8[%add3A_392, %dma_start3A_557, %dma_start3A_558] : memref<225x8x128xf32, #tpu.memory_space<hbm>> -> memref<15x8x128xf32, #tpu.memory_space<hbm>>
      %dma_start3A_560 = arith.constant 0 : i32
      %dma_start3A_561 = arith.constant 0 : i32
      %dma_start3A_562 = tpu.memref_slice %arg8[%add3A_392, %dma_start3A_560, %dma_start3A_561] : memref<225x8x128xf32, #tpu.memory_space<hbm>> -> memref<15x8x128xf32, #tpu.memory_space<hbm>>
      %dma_start3A_563 = arith.constant 0 : i32
      %dma_start3A_564 = arith.constant 0 : i32
      %dma_start3A_565 = arith.constant 0 : i32
      %dma_start3A_566 = tpu.memref_slice %arg12[%dma_start3A_563, %dma_start3A_564, %dma_start3A_565] : memref<31x8x128xf32, #tpu.memory_space<vmem>> -> memref<15x8x128xf32, #tpu.memory_space<vmem>>
      tpu.enqueue_dma source(%dma_start3A_566 : memref<15x8x128xf32, #tpu.memory_space<vmem>>) target(%dma_start3A_562 : memref<15x8x128xf32, #tpu.memory_space<hbm>>) target_semaphore(%arg18 : memref<!tpu.dma_semaphore, #tpu.memory_space<semaphore_mem>>)
      %dma_wait3A_567 = arith.constant 0 : i32
      %dma_wait3A_568 = arith.constant 0 : i32
      %dma_wait3A_569 = arith.constant 0 : i32
      %dma_wait3A_570 = tpu.memref_slice %arg12[%dma_wait3A_567, %dma_wait3A_568, %dma_wait3A_569] : memref<31x8x128xf32, #tpu.memory_space<vmem>> -> memref<15x8x128xf32, #tpu.memory_space<vmem>>
      %dma_wait3A_571 = arith.constant 0 : i32
      %dma_wait3A_572 = arith.constant 0 : i32
      %dma_wait3A_573 = tpu.memref_slice %arg8[%add3A_392, %dma_wait3A_571, %dma_wait3A_572] : memref<225x8x128xf32, #tpu.memory_space<hbm>> -> memref<15x8x128xf32, #tpu.memory_space<hbm>>
      %dma_wait3A_574 = arith.constant 0 : i32
      %dma_wait3A_575 = arith.constant 0 : i32
      %dma_wait3A_576 = tpu.memref_slice %arg8[%add3A_392, %dma_wait3A_574, %dma_wait3A_575] : memref<225x8x128xf32, #tpu.memory_space<hbm>> -> memref<15x8x128xf32, #tpu.memory_space<hbm>>
      %dma_wait3A_577 = arith.constant 0 : i32
      %dma_wait3A_578 = arith.constant 0 : i32
      %dma_wait3A_579 = arith.constant 0 : i32
      %dma_wait3A_580 = tpu.memref_slice %arg12[%dma_wait3A_577, %dma_wait3A_578, %dma_wait3A_579] : memref<31x8x128xf32, #tpu.memory_space<vmem>> -> memref<15x8x128xf32, #tpu.memory_space<vmem>>
      tpu.wait_dma2 semaphore(%arg18 : memref<!tpu.dma_semaphore, #tpu.memory_space<semaphore_mem>>) src(%dma_wait3A_580 : memref<15x8x128xf32, #tpu.memory_space<vmem>>) dst(%dma_wait3A_576 : memref<15x8x128xf32, #tpu.memory_space<hbm>>)
    } else {
    }
    %not3A_397 = arith.constant true
    %not3A_398 = arith.xori %and3A_383, %not3A_397 : i1
    %and3A_399 = arith.andi %and3A_388, %not3A_398 : i1
    %convert_element_type3A_400 = arith.extui %and3A_399 : i1 to i32
    %cond3A_401 = arith.constant 0 : i32
    %cond3A_402 = arith.cmpi ne, %convert_element_type3A_400, %cond3A_401 : i32
    scf.if %cond3A_402 {
      %add3A_534 = arith.constant 0 : i32
      %add3A_535 = arith.addi %add3A_392, %add3A_534 : i32
      "tpu.region"() ({
        %run_scoped3A = tpu.sem_alloc : memref<!tpu.dma_semaphore, #tpu.memory_space<semaphore_mem>>
        %dma_start3A_536 = arith.constant 0 : i32
        %dma_start3A_537 = arith.constant 0 : i32
        %dma_start3A_538 = arith.constant 0 : i32
        %dma_start3A_539 = tpu.memref_slice %arg13[%dma_start3A_536, %dma_start3A_537, %dma_start3A_538] : memref<16x8x128xf32, #tpu.memory_space<vmem>> -> memref<15x8x128xf32, #tpu.memory_space<vmem>>
        %dma_start3A_540 = arith.constant 0 : i32
        %dma_start3A_541 = arith.constant 0 : i32
        %dma_start3A_542 = tpu.memref_slice %arg8[%add3A_535, %dma_start3A_540, %dma_start3A_541] : memref<225x8x128xf32, #tpu.memory_space<hbm>> -> memref<15x8x128xf32, #tpu.memory_space<hbm>>
        %dma_start3A_543 = arith.constant 0 : i32
        %dma_start3A_544 = arith.constant 0 : i32
        %dma_start3A_545 = tpu.memref_slice %arg8[%add3A_535, %dma_start3A_543, %dma_start3A_544] : memref<225x8x128xf32, #tpu.memory_space<hbm>> -> memref<15x8x128xf32, #tpu.memory_space<hbm>>
        %dma_start3A_546 = arith.constant 0 : i32
        %dma_start3A_547 = arith.constant 0 : i32
        %dma_start3A_548 = arith.constant 0 : i32
        %dma_start3A_549 = tpu.memref_slice %arg13[%dma_start3A_546, %dma_start3A_547, %dma_start3A_548] : memref<16x8x128xf32, #tpu.memory_space<vmem>> -> memref<15x8x128xf32, #tpu.memory_space<vmem>>
        tpu.enqueue_dma source(%dma_start3A_549 : memref<15x8x128xf32, #tpu.memory_space<vmem>>) target(%dma_start3A_545 : memref<15x8x128xf32, #tpu.memory_space<hbm>>) target_semaphore(%run_scoped3A : memref<!tpu.dma_semaphore, #tpu.memory_space<semaphore_mem>>)
        %dma_wait3A_550 = arith.constant 0 : i32
        %dma_wait3A_551 = arith.constant 0 : i32
        %dma_wait3A_552 = arith.constant 0 : i32
        %dma_wait3A_553 = tpu.memref_slice %arg13[%dma_wait3A_550, %dma_wait3A_551, %dma_wait3A_552] : memref<16x8x128xf32, #tpu.memory_space<vmem>> -> memref<15x8x128xf32, #tpu.memory_space<vmem>>
        %dma_wait3A_554 = arith.constant 0 : i32
        %dma_wait3A_555 = arith.constant 0 : i32
        %dma_wait3A_556 = tpu.memref_slice %arg8[%add3A_535, %dma_wait3A_554, %dma_wait3A_555] : memref<225x8x128xf32, #tpu.memory_space<hbm>> -> memref<15x8x128xf32, #tpu.memory_space<hbm>>
        %dma_wait3A_557 = arith.constant 0 : i32
        %dma_wait3A_558 = arith.constant 0 : i32
        %dma_wait3A_559 = tpu.memref_slice %arg8[%add3A_535, %dma_wait3A_557, %dma_wait3A_558] : memref<225x8x128xf32, #tpu.memory_space<hbm>> -> memref<15x8x128xf32, #tpu.memory_space<hbm>>
        %dma_wait3A_560 = arith.constant 0 : i32
        %dma_wait3A_561 = arith.constant 0 : i32
        %dma_wait3A_562 = arith.constant 0 : i32
        %dma_wait3A_563 = tpu.memref_slice %arg13[%dma_wait3A_560, %dma_wait3A_561, %dma_wait3A_562] : memref<16x8x128xf32, #tpu.memory_space<vmem>> -> memref<15x8x128xf32, #tpu.memory_space<vmem>>
        tpu.wait_dma2 semaphore(%run_scoped3A : memref<!tpu.dma_semaphore, #tpu.memory_space<semaphore_mem>>) src(%dma_wait3A_563 : memref<15x8x128xf32, #tpu.memory_space<vmem>>) dst(%dma_wait3A_559 : memref<15x8x128xf32, #tpu.memory_space<hbm>>)
        tpu.yield
      }) : () -> ()
    } else {
    }
    %dma_wait3A_403 = arith.constant 0 : i32
    %dma_wait3A_404 = arith.constant 0 : i32
    %dma_wait3A_405 = arith.constant 0 : i32
    %dma_wait3A_406 = tpu.memref_slice %arg2[%dma_wait3A_403, %dma_wait3A_404, %dma_wait3A_405] : memref<15625x8x128xf32, #tpu.memory_space<hbm>> -> memref<15625x8x128xf32, #tpu.memory_space<hbm>>
    tpu.wait_indirect_dma semaphore(%arg16 : memref<!tpu.dma_semaphore, #tpu.memory_space<semaphore_mem>>) src(%dma_wait3A_406 : memref<15625x8x128xf32, #tpu.memory_space<hbm>>) dst(%arg11 : memref<61x8x128xf32, #tpu.memory_space<vmem>>)
    %sub3A_407 = arith.constant 61 : i32
    %sub3A_408 = arith.subi %min3A_240, %sub3A_407 : i32
    %add3A_409 = arith.addi %sub3A_132, %sub3A_408 : i32
    %ge3A_410 = arith.constant 0 : i32
    %ge3A_411 = arith.cmpi sge, %add3A_409, %ge3A_410 : i32
    %lt3A_412 = arith.constant 125 : i32
    %lt3A_413 = arith.cmpi slt, %add3A_409, %lt3A_412 : i32
    %and3A_414 = arith.andi %ge3A_411, %lt3A_413 : i1
    %ge3A_415 = arith.constant 61 : i32
    %ge3A_416 = arith.cmpi sge, %min3A_240, %ge3A_415 : i32
    %lt3A_417 = arith.constant 92 : i32
    %lt3A_418 = arith.cmpi slt, %min3A_240, %lt3A_417 : i32
    %and3A_419 = arith.andi %ge3A_416, %lt3A_418 : i1
    %and3A_420 = arith.andi %and3A_419, %and3A_414 : i1
    %convert_element_type3A_421 = arith.extui %and3A_420 : i1 to i32
    %cond3A_422 = arith.constant 0 : i32
    %cond3A_423 = arith.cmpi ne, %convert_element_type3A_421, %cond3A_422 : i32
    scf.if %cond3A_423 {
      %mul3A_534 = arith.constant 125 : i32
      %mul3A_535 = arith.muli %add3A_409, %mul3A_534 : i32
      %add3A_536 = vector.broadcast %mul3A_535 : i32 to vector<16xi32>
      %add3A_537 = arith.addi %add3A_536, %min3A_149 : vector<16xi32>
      tpu.vector_store_idx %arg15[%add3A_139], %add3A_537 masked %lt3A_152 : memref<31xi32, #tpu.memory_space<vmem>>[vector<16xi32>], vector<16xi32>, vector<16xi1>
      %add3A_538 = vector.broadcast %mul3A_535 : i32 to vector<16xi32>
      %add3A_539 = arith.addi %add3A_538, %min3A_165 : vector<16xi32>
      tpu.vector_store_idx %arg15[%add3A_155], %add3A_539 masked %lt3A_168 : memref<31xi32, #tpu.memory_space<vmem>>[vector<16xi32>], vector<16xi32>, vector<16xi1>
    } else {
    }
    %sub3A_424 = arith.constant 92 : i32
    %sub3A_425 = arith.subi %min3A_240, %sub3A_424 : i32
    %add3A_426 = arith.addi %sub3A_190, %sub3A_425 : i32
    %ge3A_427 = arith.constant 0 : i32
    %ge3A_428 = arith.cmpi sge, %add3A_426, %ge3A_427 : i32
    %lt3A_429 = arith.constant 125 : i32
    %lt3A_430 = arith.cmpi slt, %add3A_426, %lt3A_429 : i32
    %and3A_431 = arith.andi %ge3A_428, %lt3A_430 : i1
    %ge3A_432 = arith.constant 92 : i32
    %ge3A_433 = arith.cmpi sge, %min3A_240, %ge3A_432 : i32
    %lt3A_434 = arith.constant 107 : i32
    %lt3A_435 = arith.cmpi slt, %min3A_240, %lt3A_434 : i32
    %and3A_436 = arith.andi %ge3A_433, %lt3A_435 : i1
    %and3A_437 = arith.andi %and3A_436, %and3A_431 : i1
    %convert_element_type3A_438 = arith.extui %and3A_437 : i1 to i32
    %cond3A_439 = arith.constant 0 : i32
    %cond3A_440 = arith.cmpi ne, %convert_element_type3A_438, %cond3A_439 : i32
    scf.if %cond3A_440 {
      %mul3A_534 = arith.constant 125 : i32
      %mul3A_535 = arith.muli %add3A_426, %mul3A_534 : i32
      %add3A_536 = vector.broadcast %mul3A_535 : i32 to vector<16xi32>
      %add3A_537 = arith.addi %add3A_536, %min3A_207 : vector<16xi32>
      tpu.vector_store_idx %arg15[%add3A_197], %add3A_537 masked %lt3A_210 : memref<31xi32, #tpu.memory_space<vmem>>[vector<16xi32>], vector<16xi32>, vector<16xi1>
    } else {
    }
    %dma_start3A_441 = arith.constant 0 : i32
    %dma_start3A_442 = arith.constant 0 : i32
    %dma_start3A_443 = arith.constant 0 : i32
    %dma_start3A_444 = tpu.memref_slice %arg2[%dma_start3A_441, %dma_start3A_442, %dma_start3A_443] : memref<15625x8x128xf32, #tpu.memory_space<hbm>> -> memref<15625x8x128xf32, #tpu.memory_space<hbm>>
    tpu.enqueue_indirect_dma source(%dma_start3A_444 : memref<15625x8x128xf32, #tpu.memory_space<hbm>>) target(%arg12 : memref<31x8x128xf32, #tpu.memory_space<vmem>>) offsets(%arg15 : memref<31xi32, #tpu.memory_space<vmem>>) semaphore(%arg17 : memref<!tpu.dma_semaphore, #tpu.memory_space<semaphore_mem>>)
    %sub3A_445 = arith.constant 0 : i32
    %sub3A_446 = arith.subi %min3A_236, %sub3A_445 : i32
    %add3A_447 = arith.addi %sub3A_46, %sub3A_446 : i32
    %ge3A_448 = arith.constant 0 : i32
    %ge3A_449 = arith.cmpi sge, %add3A_447, %ge3A_448 : i32
    %lt3A_450 = arith.constant 125 : i32
    %lt3A_451 = arith.cmpi slt, %add3A_447, %lt3A_450 : i32
    %and3A_452 = arith.andi %ge3A_449, %lt3A_451 : i1
    %ge3A_453 = arith.constant 0 : i32
    %ge3A_454 = arith.cmpi sge, %min3A_236, %ge3A_453 : i32
    %lt3A_455 = arith.constant 61 : i32
    %lt3A_456 = arith.cmpi slt, %min3A_236, %lt3A_455 : i32
    %and3A_457 = arith.andi %ge3A_454, %lt3A_456 : i1
    %mul3A_458 = arith.constant 61 : i32
    %mul3A_459 = arith.muli %mul3A_458, %sub3A_446 : i32
    %add3A_460 = arith.constant 0 : i32
    %add3A_461 = arith.addi %mul3A_459, %add3A_460 : i32
    %and3A_462 = arith.andi %and3A_457, %and3A_452 : i1
    %convert_element_type3A_463 = arith.extui %and3A_462 : i1 to i32
    %cond3A_464 = arith.constant 0 : i32
    %cond3A_465 = arith.cmpi ne, %convert_element_type3A_463, %cond3A_464 : i32
    scf.if %cond3A_465 {
      %while3A = arith.constant 0 : i32
      %while3A_534 = arith.constant 0 : i32
      %while3A_535 = arith.subi %min3A_118, %while3A_534 : i32
      %while3A_536 = arith.addi %while3A_534, %while3A_535 : i32
      %while3A_537 = arith.constant 1 : i32
      %while3A_538 = arith.divsi %while3A_535, %while3A_537 : i32
      %while3A_539 = arith.muli %while3A_538, %while3A_537 : i32
      %while3A_540 = arith.addi %while3A_534, %while3A_539 : i32
      %while3A_541 = arith.constant 1 : i32
      scf.for %while3A_581 = %while3A_534 to %while3A_540 step %while3A_541  : i32 {
        "tpu.region"() ({
          %run_scoped3A = tpu.sem_alloc : memref<!tpu.dma_semaphore, #tpu.memory_space<semaphore_mem>>
          %dma_start3A_582 = arith.constant 0 : i32
          %dma_start3A_583 = arith.constant 0 : i32
          %dma_start3A_584 = tpu.memref_slice %arg11[%while3A_581, %dma_start3A_582, %dma_start3A_583] : memref<61x8x128xf32, #tpu.memory_space<vmem>> -> memref<1x8x128xf32, #tpu.memory_space<vmem>>
          %dma_start3A_585 = arith.constant 0 : i32
          %dma_start3A_586 = arith.constant 0 : i32
          %dma_start3A_587 = arith.constant 0 : i32
          %dma_start3A_588 = tpu.memref_slice %arg5[%dma_start3A_585, %dma_start3A_586, %dma_start3A_587] : memref<16x8x128xf32, #tpu.memory_space<hbm>> -> memref<1x8x128xf32, #tpu.memory_space<hbm>>
          %dma_start3A_589 = arith.constant 0 : i32
          %dma_start3A_590 = arith.constant 0 : i32
          %dma_start3A_591 = tpu.memref_slice %arg11[%while3A_581, %dma_start3A_589, %dma_start3A_590] : memref<61x8x128xf32, #tpu.memory_space<vmem>> -> memref<1x8x128xf32, #tpu.memory_space<vmem>>
          %dma_start3A_592 = arith.constant 0 : i32
          %dma_start3A_593 = arith.constant 0 : i32
          %dma_start3A_594 = arith.constant 0 : i32
          %dma_start3A_595 = tpu.memref_slice %arg5[%dma_start3A_592, %dma_start3A_593, %dma_start3A_594] : memref<16x8x128xf32, #tpu.memory_space<hbm>> -> memref<1x8x128xf32, #tpu.memory_space<hbm>>
          tpu.enqueue_dma source(%dma_start3A_595 : memref<1x8x128xf32, #tpu.memory_space<hbm>>) target(%dma_start3A_591 : memref<1x8x128xf32, #tpu.memory_space<vmem>>) target_semaphore(%run_scoped3A : memref<!tpu.dma_semaphore, #tpu.memory_space<semaphore_mem>>)
          %dma_wait3A_596 = arith.constant 0 : i32
          %dma_wait3A_597 = arith.constant 0 : i32
          %dma_wait3A_598 = tpu.memref_slice %arg11[%while3A_581, %dma_wait3A_596, %dma_wait3A_597] : memref<61x8x128xf32, #tpu.memory_space<vmem>> -> memref<1x8x128xf32, #tpu.memory_space<vmem>>
          %dma_wait3A_599 = arith.constant 0 : i32
          %dma_wait3A_600 = arith.constant 0 : i32
          %dma_wait3A_601 = arith.constant 0 : i32
          %dma_wait3A_602 = tpu.memref_slice %arg5[%dma_wait3A_599, %dma_wait3A_600, %dma_wait3A_601] : memref<16x8x128xf32, #tpu.memory_space<hbm>> -> memref<1x8x128xf32, #tpu.memory_space<hbm>>
          %dma_wait3A_603 = arith.constant 0 : i32
          %dma_wait3A_604 = arith.constant 0 : i32
          %dma_wait3A_605 = tpu.memref_slice %arg11[%while3A_581, %dma_wait3A_603, %dma_wait3A_604] : memref<61x8x128xf32, #tpu.memory_space<vmem>> -> memref<1x8x128xf32, #tpu.memory_space<vmem>>
          %dma_wait3A_606 = arith.constant 0 : i32
          %dma_wait3A_607 = arith.constant 0 : i32
          %dma_wait3A_608 = arith.constant 0 : i32
          %dma_wait3A_609 = tpu.memref_slice %arg5[%dma_wait3A_606, %dma_wait3A_607, %dma_wait3A_608] : memref<16x8x128xf32, #tpu.memory_space<hbm>> -> memref<1x8x128xf32, #tpu.memory_space<hbm>>
          tpu.wait_dma2 semaphore(%run_scoped3A : memref<!tpu.dma_semaphore, #tpu.memory_space<semaphore_mem>>) src(%dma_wait3A_609 : memref<1x8x128xf32, #tpu.memory_space<hbm>>) dst(%dma_wait3A_605 : memref<1x8x128xf32, #tpu.memory_space<vmem>>)
          tpu.yield
        }) : () -> ()
      }
      %while3A_542 = arith.constant 1 : i32
      scf.for %while3A_581 = %while3A_540 to %while3A_536 step %while3A_542  : i32 {
        "tpu.region"() ({
          %run_scoped3A = tpu.sem_alloc : memref<!tpu.dma_semaphore, #tpu.memory_space<semaphore_mem>>
          %dma_start3A_582 = arith.constant 0 : i32
          %dma_start3A_583 = arith.constant 0 : i32
          %dma_start3A_584 = tpu.memref_slice %arg11[%while3A_581, %dma_start3A_582, %dma_start3A_583] : memref<61x8x128xf32, #tpu.memory_space<vmem>> -> memref<1x8x128xf32, #tpu.memory_space<vmem>>
          %dma_start3A_585 = arith.constant 0 : i32
          %dma_start3A_586 = arith.constant 0 : i32
          %dma_start3A_587 = arith.constant 0 : i32
          %dma_start3A_588 = tpu.memref_slice %arg5[%dma_start3A_585, %dma_start3A_586, %dma_start3A_587] : memref<16x8x128xf32, #tpu.memory_space<hbm>> -> memref<1x8x128xf32, #tpu.memory_space<hbm>>
          %dma_start3A_589 = arith.constant 0 : i32
          %dma_start3A_590 = arith.constant 0 : i32
          %dma_start3A_591 = tpu.memref_slice %arg11[%while3A_581, %dma_start3A_589, %dma_start3A_590] : memref<61x8x128xf32, #tpu.memory_space<vmem>> -> memref<1x8x128xf32, #tpu.memory_space<vmem>>
          %dma_start3A_592 = arith.constant 0 : i32
          %dma_start3A_593 = arith.constant 0 : i32
          %dma_start3A_594 = arith.constant 0 : i32
          %dma_start3A_595 = tpu.memref_slice %arg5[%dma_start3A_592, %dma_start3A_593, %dma_start3A_594] : memref<16x8x128xf32, #tpu.memory_space<hbm>> -> memref<1x8x128xf32, #tpu.memory_space<hbm>>
          tpu.enqueue_dma source(%dma_start3A_595 : memref<1x8x128xf32, #tpu.memory_space<hbm>>) target(%dma_start3A_591 : memref<1x8x128xf32, #tpu.memory_space<vmem>>) target_semaphore(%run_scoped3A : memref<!tpu.dma_semaphore, #tpu.memory_space<semaphore_mem>>)
          %dma_wait3A_596 = arith.constant 0 : i32
          %dma_wait3A_597 = arith.constant 0 : i32
          %dma_wait3A_598 = tpu.memref_slice %arg11[%while3A_581, %dma_wait3A_596, %dma_wait3A_597] : memref<61x8x128xf32, #tpu.memory_space<vmem>> -> memref<1x8x128xf32, #tpu.memory_space<vmem>>
          %dma_wait3A_599 = arith.constant 0 : i32
          %dma_wait3A_600 = arith.constant 0 : i32
          %dma_wait3A_601 = arith.constant 0 : i32
          %dma_wait3A_602 = tpu.memref_slice %arg5[%dma_wait3A_599, %dma_wait3A_600, %dma_wait3A_601] : memref<16x8x128xf32, #tpu.memory_space<hbm>> -> memref<1x8x128xf32, #tpu.memory_space<hbm>>
          %dma_wait3A_603 = arith.constant 0 : i32
          %dma_wait3A_604 = arith.constant 0 : i32
          %dma_wait3A_605 = tpu.memref_slice %arg11[%while3A_581, %dma_wait3A_603, %dma_wait3A_604] : memref<61x8x128xf32, #tpu.memory_space<vmem>> -> memref<1x8x128xf32, #tpu.memory_space<vmem>>
          %dma_wait3A_606 = arith.constant 0 : i32
          %dma_wait3A_607 = arith.constant 0 : i32
          %dma_wait3A_608 = arith.constant 0 : i32
          %dma_wait3A_609 = tpu.memref_slice %arg5[%dma_wait3A_606, %dma_wait3A_607, %dma_wait3A_608] : memref<16x8x128xf32, #tpu.memory_space<hbm>> -> memref<1x8x128xf32, #tpu.memory_space<hbm>>
          tpu.wait_dma2 semaphore(%run_scoped3A : memref<!tpu.dma_semaphore, #tpu.memory_space<semaphore_mem>>) src(%dma_wait3A_609 : memref<1x8x128xf32, #tpu.memory_space<hbm>>) dst(%dma_wait3A_605 : memref<1x8x128xf32, #tpu.memory_space<vmem>>)
          tpu.yield
        }) : () -> ()
      }
      %while3A_543 = arith.constant 0 : i32
      %while3A_544 = arith.constant 0 : i32
      %while3A_545 = arith.subi %min3A_128, %while3A_544 : i32
      %while3A_546 = arith.addi %while3A_544, %while3A_545 : i32
      %while3A_547 = arith.constant 1 : i32
      %while3A_548 = arith.divsi %while3A_545, %while3A_547 : i32
      %while3A_549 = arith.muli %while3A_548, %while3A_547 : i32
      %while3A_550 = arith.addi %while3A_544, %while3A_549 : i32
      %while3A_551 = arith.constant 1 : i32
      scf.for %while3A_581 = %while3A_544 to %while3A_550 step %while3A_551  : i32 {
        %sub3A_582 = arith.constant 60 : i32
        %sub3A_583 = arith.subi %sub3A_582, %while3A_581 : i32
        "tpu.region"() ({
          %run_scoped3A = tpu.sem_alloc : memref<!tpu.dma_semaphore, #tpu.memory_space<semaphore_mem>>
          %dma_start3A_584 = arith.constant 0 : i32
          %dma_start3A_585 = arith.constant 0 : i32
          %dma_start3A_586 = tpu.memref_slice %arg11[%sub3A_583, %dma_start3A_584, %dma_start3A_585] : memref<61x8x128xf32, #tpu.memory_space<vmem>> -> memref<1x8x128xf32, #tpu.memory_space<vmem>>
          %dma_start3A_587 = arith.constant 0 : i32
          %dma_start3A_588 = arith.constant 0 : i32
          %dma_start3A_589 = arith.constant 0 : i32
          %dma_start3A_590 = tpu.memref_slice %arg5[%dma_start3A_587, %dma_start3A_588, %dma_start3A_589] : memref<16x8x128xf32, #tpu.memory_space<hbm>> -> memref<1x8x128xf32, #tpu.memory_space<hbm>>
          %dma_start3A_591 = arith.constant 0 : i32
          %dma_start3A_592 = arith.constant 0 : i32
          %dma_start3A_593 = tpu.memref_slice %arg11[%sub3A_583, %dma_start3A_591, %dma_start3A_592] : memref<61x8x128xf32, #tpu.memory_space<vmem>> -> memref<1x8x128xf32, #tpu.memory_space<vmem>>
          %dma_start3A_594 = arith.constant 0 : i32
          %dma_start3A_595 = arith.constant 0 : i32
          %dma_start3A_596 = arith.constant 0 : i32
          %dma_start3A_597 = tpu.memref_slice %arg5[%dma_start3A_594, %dma_start3A_595, %dma_start3A_596] : memref<16x8x128xf32, #tpu.memory_space<hbm>> -> memref<1x8x128xf32, #tpu.memory_space<hbm>>
          tpu.enqueue_dma source(%dma_start3A_597 : memref<1x8x128xf32, #tpu.memory_space<hbm>>) target(%dma_start3A_593 : memref<1x8x128xf32, #tpu.memory_space<vmem>>) target_semaphore(%run_scoped3A : memref<!tpu.dma_semaphore, #tpu.memory_space<semaphore_mem>>)
          %dma_wait3A_598 = arith.constant 0 : i32
          %dma_wait3A_599 = arith.constant 0 : i32
          %dma_wait3A_600 = tpu.memref_slice %arg11[%sub3A_583, %dma_wait3A_598, %dma_wait3A_599] : memref<61x8x128xf32, #tpu.memory_space<vmem>> -> memref<1x8x128xf32, #tpu.memory_space<vmem>>
          %dma_wait3A_601 = arith.constant 0 : i32
          %dma_wait3A_602 = arith.constant 0 : i32
          %dma_wait3A_603 = arith.constant 0 : i32
          %dma_wait3A_604 = tpu.memref_slice %arg5[%dma_wait3A_601, %dma_wait3A_602, %dma_wait3A_603] : memref<16x8x128xf32, #tpu.memory_space<hbm>> -> memref<1x8x128xf32, #tpu.memory_space<hbm>>
          %dma_wait3A_605 = arith.constant 0 : i32
          %dma_wait3A_606 = arith.constant 0 : i32
          %dma_wait3A_607 = tpu.memref_slice %arg11[%sub3A_583, %dma_wait3A_605, %dma_wait3A_606] : memref<61x8x128xf32, #tpu.memory_space<vmem>> -> memref<1x8x128xf32, #tpu.memory_space<vmem>>
          %dma_wait3A_608 = arith.constant 0 : i32
          %dma_wait3A_609 = arith.constant 0 : i32
          %dma_wait3A_610 = arith.constant 0 : i32
          %dma_wait3A_611 = tpu.memref_slice %arg5[%dma_wait3A_608, %dma_wait3A_609, %dma_wait3A_610] : memref<16x8x128xf32, #tpu.memory_space<hbm>> -> memref<1x8x128xf32, #tpu.memory_space<hbm>>
          tpu.wait_dma2 semaphore(%run_scoped3A : memref<!tpu.dma_semaphore, #tpu.memory_space<semaphore_mem>>) src(%dma_wait3A_611 : memref<1x8x128xf32, #tpu.memory_space<hbm>>) dst(%dma_wait3A_607 : memref<1x8x128xf32, #tpu.memory_space<vmem>>)
          tpu.yield
        }) : () -> ()
      }
      %while3A_552 = arith.constant 1 : i32
      scf.for %while3A_581 = %while3A_550 to %while3A_546 step %while3A_552  : i32 {
        %sub3A_582 = arith.constant 60 : i32
        %sub3A_583 = arith.subi %sub3A_582, %while3A_581 : i32
        "tpu.region"() ({
          %run_scoped3A = tpu.sem_alloc : memref<!tpu.dma_semaphore, #tpu.memory_space<semaphore_mem>>
          %dma_start3A_584 = arith.constant 0 : i32
          %dma_start3A_585 = arith.constant 0 : i32
          %dma_start3A_586 = tpu.memref_slice %arg11[%sub3A_583, %dma_start3A_584, %dma_start3A_585] : memref<61x8x128xf32, #tpu.memory_space<vmem>> -> memref<1x8x128xf32, #tpu.memory_space<vmem>>
          %dma_start3A_587 = arith.constant 0 : i32
          %dma_start3A_588 = arith.constant 0 : i32
          %dma_start3A_589 = arith.constant 0 : i32
          %dma_start3A_590 = tpu.memref_slice %arg5[%dma_start3A_587, %dma_start3A_588, %dma_start3A_589] : memref<16x8x128xf32, #tpu.memory_space<hbm>> -> memref<1x8x128xf32, #tpu.memory_space<hbm>>
          %dma_start3A_591 = arith.constant 0 : i32
          %dma_start3A_592 = arith.constant 0 : i32
          %dma_start3A_593 = tpu.memref_slice %arg11[%sub3A_583, %dma_start3A_591, %dma_start3A_592] : memref<61x8x128xf32, #tpu.memory_space<vmem>> -> memref<1x8x128xf32, #tpu.memory_space<vmem>>
          %dma_start3A_594 = arith.constant 0 : i32
          %dma_start3A_595 = arith.constant 0 : i32
          %dma_start3A_596 = arith.constant 0 : i32
          %dma_start3A_597 = tpu.memref_slice %arg5[%dma_start3A_594, %dma_start3A_595, %dma_start3A_596] : memref<16x8x128xf32, #tpu.memory_space<hbm>> -> memref<1x8x128xf32, #tpu.memory_space<hbm>>
          tpu.enqueue_dma source(%dma_start3A_597 : memref<1x8x128xf32, #tpu.memory_space<hbm>>) target(%dma_start3A_593 : memref<1x8x128xf32, #tpu.memory_space<vmem>>) target_semaphore(%run_scoped3A : memref<!tpu.dma_semaphore, #tpu.memory_space<semaphore_mem>>)
          %dma_wait3A_598 = arith.constant 0 : i32
          %dma_wait3A_599 = arith.constant 0 : i32
          %dma_wait3A_600 = tpu.memref_slice %arg11[%sub3A_583, %dma_wait3A_598, %dma_wait3A_599] : memref<61x8x128xf32, #tpu.memory_space<vmem>> -> memref<1x8x128xf32, #tpu.memory_space<vmem>>
          %dma_wait3A_601 = arith.constant 0 : i32
          %dma_wait3A_602 = arith.constant 0 : i32
          %dma_wait3A_603 = arith.constant 0 : i32
          %dma_wait3A_604 = tpu.memref_slice %arg5[%dma_wait3A_601, %dma_wait3A_602, %dma_wait3A_603] : memref<16x8x128xf32, #tpu.memory_space<hbm>> -> memref<1x8x128xf32, #tpu.memory_space<hbm>>
          %dma_wait3A_605 = arith.constant 0 : i32
          %dma_wait3A_606 = arith.constant 0 : i32
          %dma_wait3A_607 = tpu.memref_slice %arg11[%sub3A_583, %dma_wait3A_605, %dma_wait3A_606] : memref<61x8x128xf32, #tpu.memory_space<vmem>> -> memref<1x8x128xf32, #tpu.memory_space<vmem>>
          %dma_wait3A_608 = arith.constant 0 : i32
          %dma_wait3A_609 = arith.constant 0 : i32
          %dma_wait3A_610 = arith.constant 0 : i32
          %dma_wait3A_611 = tpu.memref_slice %arg5[%dma_wait3A_608, %dma_wait3A_609, %dma_wait3A_610] : memref<16x8x128xf32, #tpu.memory_space<hbm>> -> memref<1x8x128xf32, #tpu.memory_space<hbm>>
          tpu.wait_dma2 semaphore(%run_scoped3A : memref<!tpu.dma_semaphore, #tpu.memory_space<semaphore_mem>>) src(%dma_wait3A_611 : memref<1x8x128xf32, #tpu.memory_space<hbm>>) dst(%dma_wait3A_607 : memref<1x8x128xf32, #tpu.memory_space<vmem>>)
          tpu.yield
        }) : () -> ()
      }
      %dma_start3A_553 = arith.constant 0 : i32
      %dma_start3A_554 = arith.constant 0 : i32
      %dma_start3A_555 = arith.constant 0 : i32
      %dma_start3A_556 = tpu.memref_slice %arg11[%dma_start3A_553, %dma_start3A_554, %dma_start3A_555] : memref<61x8x128xf32, #tpu.memory_space<vmem>> -> memref<61x8x128xf32, #tpu.memory_space<vmem>>
      %dma_start3A_557 = arith.constant 0 : i32
      %dma_start3A_558 = arith.constant 0 : i32
      %dma_start3A_559 = tpu.memref_slice %arg6[%add3A_461, %dma_start3A_557, %dma_start3A_558] : memref<3721x8x128xf32, #tpu.memory_space<hbm>> -> memref<61x8x128xf32, #tpu.memory_space<hbm>>
      %dma_start3A_560 = arith.constant 0 : i32
      %dma_start3A_561 = arith.constant 0 : i32
      %dma_start3A_562 = tpu.memref_slice %arg6[%add3A_461, %dma_start3A_560, %dma_start3A_561] : memref<3721x8x128xf32, #tpu.memory_space<hbm>> -> memref<61x8x128xf32, #tpu.memory_space<hbm>>
      %dma_start3A_563 = arith.constant 0 : i32
      %dma_start3A_564 = arith.constant 0 : i32
      %dma_start3A_565 = arith.constant 0 : i32
      %dma_start3A_566 = tpu.memref_slice %arg11[%dma_start3A_563, %dma_start3A_564, %dma_start3A_565] : memref<61x8x128xf32, #tpu.memory_space<vmem>> -> memref<61x8x128xf32, #tpu.memory_space<vmem>>
      tpu.enqueue_dma source(%dma_start3A_566 : memref<61x8x128xf32, #tpu.memory_space<vmem>>) target(%dma_start3A_562 : memref<61x8x128xf32, #tpu.memory_space<hbm>>) target_semaphore(%arg18 : memref<!tpu.dma_semaphore, #tpu.memory_space<semaphore_mem>>)
      %dma_wait3A_567 = arith.constant 0 : i32
      %dma_wait3A_568 = arith.constant 0 : i32
      %dma_wait3A_569 = arith.constant 0 : i32
      %dma_wait3A_570 = tpu.memref_slice %arg11[%dma_wait3A_567, %dma_wait3A_568, %dma_wait3A_569] : memref<61x8x128xf32, #tpu.memory_space<vmem>> -> memref<61x8x128xf32, #tpu.memory_space<vmem>>
      %dma_wait3A_571 = arith.constant 0 : i32
      %dma_wait3A_572 = arith.constant 0 : i32
      %dma_wait3A_573 = tpu.memref_slice %arg6[%add3A_461, %dma_wait3A_571, %dma_wait3A_572] : memref<3721x8x128xf32, #tpu.memory_space<hbm>> -> memref<61x8x128xf32, #tpu.memory_space<hbm>>
      %dma_wait3A_574 = arith.constant 0 : i32
      %dma_wait3A_575 = arith.constant 0 : i32
      %dma_wait3A_576 = tpu.memref_slice %arg6[%add3A_461, %dma_wait3A_574, %dma_wait3A_575] : memref<3721x8x128xf32, #tpu.memory_space<hbm>> -> memref<61x8x128xf32, #tpu.memory_space<hbm>>
      %dma_wait3A_577 = arith.constant 0 : i32
      %dma_wait3A_578 = arith.constant 0 : i32
      %dma_wait3A_579 = arith.constant 0 : i32
      %dma_wait3A_580 = tpu.memref_slice %arg11[%dma_wait3A_577, %dma_wait3A_578, %dma_wait3A_579] : memref<61x8x128xf32, #tpu.memory_space<vmem>> -> memref<61x8x128xf32, #tpu.memory_space<vmem>>
      tpu.wait_dma2 semaphore(%arg18 : memref<!tpu.dma_semaphore, #tpu.memory_space<semaphore_mem>>) src(%dma_wait3A_580 : memref<61x8x128xf32, #tpu.memory_space<vmem>>) dst(%dma_wait3A_576 : memref<61x8x128xf32, #tpu.memory_space<hbm>>)
    } else {
    }
    %not3A_466 = arith.constant true
    %not3A_467 = arith.xori %and3A_452, %not3A_466 : i1
    %and3A_468 = arith.andi %and3A_457, %not3A_467 : i1
    %convert_element_type3A_469 = arith.extui %and3A_468 : i1 to i32
    %cond3A_470 = arith.constant 0 : i32
    %cond3A_471 = arith.cmpi ne, %convert_element_type3A_469, %cond3A_470 : i32
    scf.if %cond3A_471 {
      %add3A_534 = arith.constant 0 : i32
      %add3A_535 = arith.addi %add3A_461, %add3A_534 : i32
      "tpu.region"() ({
        %run_scoped3A = tpu.sem_alloc : memref<!tpu.dma_semaphore, #tpu.memory_space<semaphore_mem>>
        %dma_start3A_542 = arith.constant 0 : i32
        %dma_start3A_543 = arith.constant 0 : i32
        %dma_start3A_544 = arith.constant 0 : i32
        %dma_start3A_545 = tpu.memref_slice %arg13[%dma_start3A_542, %dma_start3A_543, %dma_start3A_544] : memref<16x8x128xf32, #tpu.memory_space<vmem>> -> memref<16x8x128xf32, #tpu.memory_space<vmem>>
        %dma_start3A_546 = arith.constant 0 : i32
        %dma_start3A_547 = arith.constant 0 : i32
        %dma_start3A_548 = tpu.memref_slice %arg6[%add3A_535, %dma_start3A_546, %dma_start3A_547] : memref<3721x8x128xf32, #tpu.memory_space<hbm>> -> memref<16x8x128xf32, #tpu.memory_space<hbm>>
        %dma_start3A_549 = arith.constant 0 : i32
        %dma_start3A_550 = arith.constant 0 : i32
        %dma_start3A_551 = tpu.memref_slice %arg6[%add3A_535, %dma_start3A_549, %dma_start3A_550] : memref<3721x8x128xf32, #tpu.memory_space<hbm>> -> memref<16x8x128xf32, #tpu.memory_space<hbm>>
        %dma_start3A_552 = arith.constant 0 : i32
        %dma_start3A_553 = arith.constant 0 : i32
        %dma_start3A_554 = arith.constant 0 : i32
        %dma_start3A_555 = tpu.memref_slice %arg13[%dma_start3A_552, %dma_start3A_553, %dma_start3A_554] : memref<16x8x128xf32, #tpu.memory_space<vmem>> -> memref<16x8x128xf32, #tpu.memory_space<vmem>>
        tpu.enqueue_dma source(%dma_start3A_555 : memref<16x8x128xf32, #tpu.memory_space<vmem>>) target(%dma_start3A_551 : memref<16x8x128xf32, #tpu.memory_space<hbm>>) target_semaphore(%run_scoped3A : memref<!tpu.dma_semaphore, #tpu.memory_space<semaphore_mem>>)
        %dma_wait3A_556 = arith.constant 0 : i32
        %dma_wait3A_557 = arith.constant 0 : i32
        %dma_wait3A_558 = arith.constant 0 : i32
        %dma_wait3A_559 = tpu.memref_slice %arg13[%dma_wait3A_556, %dma_wait3A_557, %dma_wait3A_558] : memref<16x8x128xf32, #tpu.memory_space<vmem>> -> memref<16x8x128xf32, #tpu.memory_space<vmem>>
        %dma_wait3A_560 = arith.constant 0 : i32
        %dma_wait3A_561 = arith.constant 0 : i32
        %dma_wait3A_562 = tpu.memref_slice %arg6[%add3A_535, %dma_wait3A_560, %dma_wait3A_561] : memref<3721x8x128xf32, #tpu.memory_space<hbm>> -> memref<16x8x128xf32, #tpu.memory_space<hbm>>
        %dma_wait3A_563 = arith.constant 0 : i32
        %dma_wait3A_564 = arith.constant 0 : i32
        %dma_wait3A_565 = tpu.memref_slice %arg6[%add3A_535, %dma_wait3A_563, %dma_wait3A_564] : memref<3721x8x128xf32, #tpu.memory_space<hbm>> -> memref<16x8x128xf32, #tpu.memory_space<hbm>>
        %dma_wait3A_566 = arith.constant 0 : i32
        %dma_wait3A_567 = arith.constant 0 : i32
        %dma_wait3A_568 = arith.constant 0 : i32
        %dma_wait3A_569 = tpu.memref_slice %arg13[%dma_wait3A_566, %dma_wait3A_567, %dma_wait3A_568] : memref<16x8x128xf32, #tpu.memory_space<vmem>> -> memref<16x8x128xf32, #tpu.memory_space<vmem>>
        tpu.wait_dma2 semaphore(%run_scoped3A : memref<!tpu.dma_semaphore, #tpu.memory_space<semaphore_mem>>) src(%dma_wait3A_569 : memref<16x8x128xf32, #tpu.memory_space<vmem>>) dst(%dma_wait3A_565 : memref<16x8x128xf32, #tpu.memory_space<hbm>>)
        tpu.yield
      }) : () -> ()
      %add3A_536 = arith.constant 16 : i32
      %add3A_537 = arith.addi %add3A_461, %add3A_536 : i32
      "tpu.region"() ({
        %run_scoped3A = tpu.sem_alloc : memref<!tpu.dma_semaphore, #tpu.memory_space<semaphore_mem>>
        %dma_start3A_542 = arith.constant 0 : i32
        %dma_start3A_543 = arith.constant 0 : i32
        %dma_start3A_544 = arith.constant 0 : i32
        %dma_start3A_545 = tpu.memref_slice %arg13[%dma_start3A_542, %dma_start3A_543, %dma_start3A_544] : memref<16x8x128xf32, #tpu.memory_space<vmem>> -> memref<16x8x128xf32, #tpu.memory_space<vmem>>
        %dma_start3A_546 = arith.constant 0 : i32
        %dma_start3A_547 = arith.constant 0 : i32
        %dma_start3A_548 = tpu.memref_slice %arg6[%add3A_537, %dma_start3A_546, %dma_start3A_547] : memref<3721x8x128xf32, #tpu.memory_space<hbm>> -> memref<16x8x128xf32, #tpu.memory_space<hbm>>
        %dma_start3A_549 = arith.constant 0 : i32
        %dma_start3A_550 = arith.constant 0 : i32
        %dma_start3A_551 = tpu.memref_slice %arg6[%add3A_537, %dma_start3A_549, %dma_start3A_550] : memref<3721x8x128xf32, #tpu.memory_space<hbm>> -> memref<16x8x128xf32, #tpu.memory_space<hbm>>
        %dma_start3A_552 = arith.constant 0 : i32
        %dma_start3A_553 = arith.constant 0 : i32
        %dma_start3A_554 = arith.constant 0 : i32
        %dma_start3A_555 = tpu.memref_slice %arg13[%dma_start3A_552, %dma_start3A_553, %dma_start3A_554] : memref<16x8x128xf32, #tpu.memory_space<vmem>> -> memref<16x8x128xf32, #tpu.memory_space<vmem>>
        tpu.enqueue_dma source(%dma_start3A_555 : memref<16x8x128xf32, #tpu.memory_space<vmem>>) target(%dma_start3A_551 : memref<16x8x128xf32, #tpu.memory_space<hbm>>) target_semaphore(%run_scoped3A : memref<!tpu.dma_semaphore, #tpu.memory_space<semaphore_mem>>)
        %dma_wait3A_556 = arith.constant 0 : i32
        %dma_wait3A_557 = arith.constant 0 : i32
        %dma_wait3A_558 = arith.constant 0 : i32
        %dma_wait3A_559 = tpu.memref_slice %arg13[%dma_wait3A_556, %dma_wait3A_557, %dma_wait3A_558] : memref<16x8x128xf32, #tpu.memory_space<vmem>> -> memref<16x8x128xf32, #tpu.memory_space<vmem>>
        %dma_wait3A_560 = arith.constant 0 : i32
        %dma_wait3A_561 = arith.constant 0 : i32
        %dma_wait3A_562 = tpu.memref_slice %arg6[%add3A_537, %dma_wait3A_560, %dma_wait3A_561] : memref<3721x8x128xf32, #tpu.memory_space<hbm>> -> memref<16x8x128xf32, #tpu.memory_space<hbm>>
        %dma_wait3A_563 = arith.constant 0 : i32
        %dma_wait3A_564 = arith.constant 0 : i32
        %dma_wait3A_565 = tpu.memref_slice %arg6[%add3A_537, %dma_wait3A_563, %dma_wait3A_564] : memref<3721x8x128xf32, #tpu.memory_space<hbm>> -> memref<16x8x128xf32, #tpu.memory_space<hbm>>
        %dma_wait3A_566 = arith.constant 0 : i32
        %dma_wait3A_567 = arith.constant 0 : i32
        %dma_wait3A_568 = arith.constant 0 : i32
        %dma_wait3A_569 = tpu.memref_slice %arg13[%dma_wait3A_566, %dma_wait3A_567, %dma_wait3A_568] : memref<16x8x128xf32, #tpu.memory_space<vmem>> -> memref<16x8x128xf32, #tpu.memory_space<vmem>>
        tpu.wait_dma2 semaphore(%run_scoped3A : memref<!tpu.dma_semaphore, #tpu.memory_space<semaphore_mem>>) src(%dma_wait3A_569 : memref<16x8x128xf32, #tpu.memory_space<vmem>>) dst(%dma_wait3A_565 : memref<16x8x128xf32, #tpu.memory_space<hbm>>)
        tpu.yield
      }) : () -> ()
      %add3A_538 = arith.constant 32 : i32
      %add3A_539 = arith.addi %add3A_461, %add3A_538 : i32
      "tpu.region"() ({
        %run_scoped3A = tpu.sem_alloc : memref<!tpu.dma_semaphore, #tpu.memory_space<semaphore_mem>>
        %dma_start3A_542 = arith.constant 0 : i32
        %dma_start3A_543 = arith.constant 0 : i32
        %dma_start3A_544 = arith.constant 0 : i32
        %dma_start3A_545 = tpu.memref_slice %arg13[%dma_start3A_542, %dma_start3A_543, %dma_start3A_544] : memref<16x8x128xf32, #tpu.memory_space<vmem>> -> memref<16x8x128xf32, #tpu.memory_space<vmem>>
        %dma_start3A_546 = arith.constant 0 : i32
        %dma_start3A_547 = arith.constant 0 : i32
        %dma_start3A_548 = tpu.memref_slice %arg6[%add3A_539, %dma_start3A_546, %dma_start3A_547] : memref<3721x8x128xf32, #tpu.memory_space<hbm>> -> memref<16x8x128xf32, #tpu.memory_space<hbm>>
        %dma_start3A_549 = arith.constant 0 : i32
        %dma_start3A_550 = arith.constant 0 : i32
        %dma_start3A_551 = tpu.memref_slice %arg6[%add3A_539, %dma_start3A_549, %dma_start3A_550] : memref<3721x8x128xf32, #tpu.memory_space<hbm>> -> memref<16x8x128xf32, #tpu.memory_space<hbm>>
        %dma_start3A_552 = arith.constant 0 : i32
        %dma_start3A_553 = arith.constant 0 : i32
        %dma_start3A_554 = arith.constant 0 : i32
        %dma_start3A_555 = tpu.memref_slice %arg13[%dma_start3A_552, %dma_start3A_553, %dma_start3A_554] : memref<16x8x128xf32, #tpu.memory_space<vmem>> -> memref<16x8x128xf32, #tpu.memory_space<vmem>>
        tpu.enqueue_dma source(%dma_start3A_555 : memref<16x8x128xf32, #tpu.memory_space<vmem>>) target(%dma_start3A_551 : memref<16x8x128xf32, #tpu.memory_space<hbm>>) target_semaphore(%run_scoped3A : memref<!tpu.dma_semaphore, #tpu.memory_space<semaphore_mem>>)
        %dma_wait3A_556 = arith.constant 0 : i32
        %dma_wait3A_557 = arith.constant 0 : i32
        %dma_wait3A_558 = arith.constant 0 : i32
        %dma_wait3A_559 = tpu.memref_slice %arg13[%dma_wait3A_556, %dma_wait3A_557, %dma_wait3A_558] : memref<16x8x128xf32, #tpu.memory_space<vmem>> -> memref<16x8x128xf32, #tpu.memory_space<vmem>>
        %dma_wait3A_560 = arith.constant 0 : i32
        %dma_wait3A_561 = arith.constant 0 : i32
        %dma_wait3A_562 = tpu.memref_slice %arg6[%add3A_539, %dma_wait3A_560, %dma_wait3A_561] : memref<3721x8x128xf32, #tpu.memory_space<hbm>> -> memref<16x8x128xf32, #tpu.memory_space<hbm>>
        %dma_wait3A_563 = arith.constant 0 : i32
        %dma_wait3A_564 = arith.constant 0 : i32
        %dma_wait3A_565 = tpu.memref_slice %arg6[%add3A_539, %dma_wait3A_563, %dma_wait3A_564] : memref<3721x8x128xf32, #tpu.memory_space<hbm>> -> memref<16x8x128xf32, #tpu.memory_space<hbm>>
        %dma_wait3A_566 = arith.constant 0 : i32
        %dma_wait3A_567 = arith.constant 0 : i32
        %dma_wait3A_568 = arith.constant 0 : i32
        %dma_wait3A_569 = tpu.memref_slice %arg13[%dma_wait3A_566, %dma_wait3A_567, %dma_wait3A_568] : memref<16x8x128xf32, #tpu.memory_space<vmem>> -> memref<16x8x128xf32, #tpu.memory_space<vmem>>
        tpu.wait_dma2 semaphore(%run_scoped3A : memref<!tpu.dma_semaphore, #tpu.memory_space<semaphore_mem>>) src(%dma_wait3A_569 : memref<16x8x128xf32, #tpu.memory_space<vmem>>) dst(%dma_wait3A_565 : memref<16x8x128xf32, #tpu.memory_space<hbm>>)
        tpu.yield
      }) : () -> ()
      %add3A_540 = arith.constant 48 : i32
      %add3A_541 = arith.addi %add3A_461, %add3A_540 : i32
      "tpu.region"() ({
        %run_scoped3A = tpu.sem_alloc : memref<!tpu.dma_semaphore, #tpu.memory_space<semaphore_mem>>
        %dma_start3A_542 = arith.constant 0 : i32
        %dma_start3A_543 = arith.constant 0 : i32
        %dma_start3A_544 = arith.constant 0 : i32
        %dma_start3A_545 = tpu.memref_slice %arg13[%dma_start3A_542, %dma_start3A_543, %dma_start3A_544] : memref<16x8x128xf32, #tpu.memory_space<vmem>> -> memref<13x8x128xf32, #tpu.memory_space<vmem>>
        %dma_start3A_546 = arith.constant 0 : i32
        %dma_start3A_547 = arith.constant 0 : i32
        %dma_start3A_548 = tpu.memref_slice %arg6[%add3A_541, %dma_start3A_546, %dma_start3A_547] : memref<3721x8x128xf32, #tpu.memory_space<hbm>> -> memref<13x8x128xf32, #tpu.memory_space<hbm>>
        %dma_start3A_549 = arith.constant 0 : i32
        %dma_start3A_550 = arith.constant 0 : i32
        %dma_start3A_551 = tpu.memref_slice %arg6[%add3A_541, %dma_start3A_549, %dma_start3A_550] : memref<3721x8x128xf32, #tpu.memory_space<hbm>> -> memref<13x8x128xf32, #tpu.memory_space<hbm>>
        %dma_start3A_552 = arith.constant 0 : i32
        %dma_start3A_553 = arith.constant 0 : i32
        %dma_start3A_554 = arith.constant 0 : i32
        %dma_start3A_555 = tpu.memref_slice %arg13[%dma_start3A_552, %dma_start3A_553, %dma_start3A_554] : memref<16x8x128xf32, #tpu.memory_space<vmem>> -> memref<13x8x128xf32, #tpu.memory_space<vmem>>
        tpu.enqueue_dma source(%dma_start3A_555 : memref<13x8x128xf32, #tpu.memory_space<vmem>>) target(%dma_start3A_551 : memref<13x8x128xf32, #tpu.memory_space<hbm>>) target_semaphore(%run_scoped3A : memref<!tpu.dma_semaphore, #tpu.memory_space<semaphore_mem>>)
        %dma_wait3A_556 = arith.constant 0 : i32
        %dma_wait3A_557 = arith.constant 0 : i32
        %dma_wait3A_558 = arith.constant 0 : i32
        %dma_wait3A_559 = tpu.memref_slice %arg13[%dma_wait3A_556, %dma_wait3A_557, %dma_wait3A_558] : memref<16x8x128xf32, #tpu.memory_space<vmem>> -> memref<13x8x128xf32, #tpu.memory_space<vmem>>
        %dma_wait3A_560 = arith.constant 0 : i32
        %dma_wait3A_561 = arith.constant 0 : i32
        %dma_wait3A_562 = tpu.memref_slice %arg6[%add3A_541, %dma_wait3A_560, %dma_wait3A_561] : memref<3721x8x128xf32, #tpu.memory_space<hbm>> -> memref<13x8x128xf32, #tpu.memory_space<hbm>>
        %dma_wait3A_563 = arith.constant 0 : i32
        %dma_wait3A_564 = arith.constant 0 : i32
        %dma_wait3A_565 = tpu.memref_slice %arg6[%add3A_541, %dma_wait3A_563, %dma_wait3A_564] : memref<3721x8x128xf32, #tpu.memory_space<hbm>> -> memref<13x8x128xf32, #tpu.memory_space<hbm>>
        %dma_wait3A_566 = arith.constant 0 : i32
        %dma_wait3A_567 = arith.constant 0 : i32
        %dma_wait3A_568 = arith.constant 0 : i32
        %dma_wait3A_569 = tpu.memref_slice %arg13[%dma_wait3A_566, %dma_wait3A_567, %dma_wait3A_568] : memref<16x8x128xf32, #tpu.memory_space<vmem>> -> memref<13x8x128xf32, #tpu.memory_space<vmem>>
        tpu.wait_dma2 semaphore(%run_scoped3A : memref<!tpu.dma_semaphore, #tpu.memory_space<semaphore_mem>>) src(%dma_wait3A_569 : memref<13x8x128xf32, #tpu.memory_space<vmem>>) dst(%dma_wait3A_565 : memref<13x8x128xf32, #tpu.memory_space<hbm>>)
        tpu.yield
      }) : () -> ()
    } else {
    }
    %dma_wait3A_472 = arith.constant 0 : i32
    %dma_wait3A_473 = arith.constant 0 : i32
    %dma_wait3A_474 = arith.constant 0 : i32
    %dma_wait3A_475 = tpu.memref_slice %arg2[%dma_wait3A_472, %dma_wait3A_473, %dma_wait3A_474] : memref<15625x8x128xf32, #tpu.memory_space<hbm>> -> memref<15625x8x128xf32, #tpu.memory_space<hbm>>
    tpu.wait_indirect_dma semaphore(%arg17 : memref<!tpu.dma_semaphore, #tpu.memory_space<semaphore_mem>>) src(%dma_wait3A_475 : memref<15625x8x128xf32, #tpu.memory_space<hbm>>) dst(%arg12 : memref<31x8x128xf32, #tpu.memory_space<vmem>>)
    %sub3A_476 = arith.constant 61 : i32
    %sub3A_477 = arith.subi %min3A_240, %sub3A_476 : i32
    %add3A_478 = arith.addi %sub3A_132, %sub3A_477 : i32
    %ge3A_479 = arith.constant 0 : i32
    %ge3A_480 = arith.cmpi sge, %add3A_478, %ge3A_479 : i32
    %lt3A_481 = arith.constant 125 : i32
    %lt3A_482 = arith.cmpi slt, %add3A_478, %lt3A_481 : i32
    %and3A_483 = arith.andi %ge3A_480, %lt3A_482 : i1
    %ge3A_484 = arith.constant 61 : i32
    %ge3A_485 = arith.cmpi sge, %min3A_240, %ge3A_484 : i32
    %lt3A_486 = arith.constant 92 : i32
    %lt3A_487 = arith.cmpi slt, %min3A_240, %lt3A_486 : i32
    %and3A_488 = arith.andi %ge3A_485, %lt3A_487 : i1
    %mul3A_489 = arith.constant 31 : i32
    %mul3A_490 = arith.muli %mul3A_489, %sub3A_477 : i32
    %add3A_491 = arith.constant 0 : i32
    %add3A_492 = arith.addi %mul3A_490, %add3A_491 : i32
    %and3A_493 = arith.andi %and3A_488, %and3A_483 : i1
    %convert_element_type3A_494 = arith.extui %and3A_493 : i1 to i32
    %cond3A_495 = arith.constant 0 : i32
    %cond3A_496 = arith.cmpi ne, %convert_element_type3A_494, %cond3A_495 : i32
    scf.if %cond3A_496 {
      %while3A = arith.constant 0 : i32
      %while3A_534 = arith.constant 0 : i32
      %while3A_535 = arith.subi %min3A_176, %while3A_534 : i32
      %while3A_536 = arith.addi %while3A_534, %while3A_535 : i32
      %while3A_537 = arith.constant 1 : i32
      %while3A_538 = arith.divsi %while3A_535, %while3A_537 : i32
      %while3A_539 = arith.muli %while3A_538, %while3A_537 : i32
      %while3A_540 = arith.addi %while3A_534, %while3A_539 : i32
      %while3A_541 = arith.constant 1 : i32
      scf.for %while3A_581 = %while3A_534 to %while3A_540 step %while3A_541  : i32 {
        "tpu.region"() ({
          %run_scoped3A = tpu.sem_alloc : memref<!tpu.dma_semaphore, #tpu.memory_space<semaphore_mem>>
          %dma_start3A_582 = arith.constant 0 : i32
          %dma_start3A_583 = arith.constant 0 : i32
          %dma_start3A_584 = tpu.memref_slice %arg12[%while3A_581, %dma_start3A_582, %dma_start3A_583] : memref<31x8x128xf32, #tpu.memory_space<vmem>> -> memref<1x8x128xf32, #tpu.memory_space<vmem>>
          %dma_start3A_585 = arith.constant 0 : i32
          %dma_start3A_586 = arith.constant 0 : i32
          %dma_start3A_587 = arith.constant 0 : i32
          %dma_start3A_588 = tpu.memref_slice %arg5[%dma_start3A_585, %dma_start3A_586, %dma_start3A_587] : memref<16x8x128xf32, #tpu.memory_space<hbm>> -> memref<1x8x128xf32, #tpu.memory_space<hbm>>
          %dma_start3A_589 = arith.constant 0 : i32
          %dma_start3A_590 = arith.constant 0 : i32
          %dma_start3A_591 = tpu.memref_slice %arg12[%while3A_581, %dma_start3A_589, %dma_start3A_590] : memref<31x8x128xf32, #tpu.memory_space<vmem>> -> memref<1x8x128xf32, #tpu.memory_space<vmem>>
          %dma_start3A_592 = arith.constant 0 : i32
          %dma_start3A_593 = arith.constant 0 : i32
          %dma_start3A_594 = arith.constant 0 : i32
          %dma_start3A_595 = tpu.memref_slice %arg5[%dma_start3A_592, %dma_start3A_593, %dma_start3A_594] : memref<16x8x128xf32, #tpu.memory_space<hbm>> -> memref<1x8x128xf32, #tpu.memory_space<hbm>>
          tpu.enqueue_dma source(%dma_start3A_595 : memref<1x8x128xf32, #tpu.memory_space<hbm>>) target(%dma_start3A_591 : memref<1x8x128xf32, #tpu.memory_space<vmem>>) target_semaphore(%run_scoped3A : memref<!tpu.dma_semaphore, #tpu.memory_space<semaphore_mem>>)
          %dma_wait3A_596 = arith.constant 0 : i32
          %dma_wait3A_597 = arith.constant 0 : i32
          %dma_wait3A_598 = tpu.memref_slice %arg12[%while3A_581, %dma_wait3A_596, %dma_wait3A_597] : memref<31x8x128xf32, #tpu.memory_space<vmem>> -> memref<1x8x128xf32, #tpu.memory_space<vmem>>
          %dma_wait3A_599 = arith.constant 0 : i32
          %dma_wait3A_600 = arith.constant 0 : i32
          %dma_wait3A_601 = arith.constant 0 : i32
          %dma_wait3A_602 = tpu.memref_slice %arg5[%dma_wait3A_599, %dma_wait3A_600, %dma_wait3A_601] : memref<16x8x128xf32, #tpu.memory_space<hbm>> -> memref<1x8x128xf32, #tpu.memory_space<hbm>>
          %dma_wait3A_603 = arith.constant 0 : i32
          %dma_wait3A_604 = arith.constant 0 : i32
          %dma_wait3A_605 = tpu.memref_slice %arg12[%while3A_581, %dma_wait3A_603, %dma_wait3A_604] : memref<31x8x128xf32, #tpu.memory_space<vmem>> -> memref<1x8x128xf32, #tpu.memory_space<vmem>>
          %dma_wait3A_606 = arith.constant 0 : i32
          %dma_wait3A_607 = arith.constant 0 : i32
          %dma_wait3A_608 = arith.constant 0 : i32
          %dma_wait3A_609 = tpu.memref_slice %arg5[%dma_wait3A_606, %dma_wait3A_607, %dma_wait3A_608] : memref<16x8x128xf32, #tpu.memory_space<hbm>> -> memref<1x8x128xf32, #tpu.memory_space<hbm>>
          tpu.wait_dma2 semaphore(%run_scoped3A : memref<!tpu.dma_semaphore, #tpu.memory_space<semaphore_mem>>) src(%dma_wait3A_609 : memref<1x8x128xf32, #tpu.memory_space<hbm>>) dst(%dma_wait3A_605 : memref<1x8x128xf32, #tpu.memory_space<vmem>>)
          tpu.yield
        }) : () -> ()
      }
      %while3A_542 = arith.constant 1 : i32
      scf.for %while3A_581 = %while3A_540 to %while3A_536 step %while3A_542  : i32 {
        "tpu.region"() ({
          %run_scoped3A = tpu.sem_alloc : memref<!tpu.dma_semaphore, #tpu.memory_space<semaphore_mem>>
          %dma_start3A_582 = arith.constant 0 : i32
          %dma_start3A_583 = arith.constant 0 : i32
          %dma_start3A_584 = tpu.memref_slice %arg12[%while3A_581, %dma_start3A_582, %dma_start3A_583] : memref<31x8x128xf32, #tpu.memory_space<vmem>> -> memref<1x8x128xf32, #tpu.memory_space<vmem>>
          %dma_start3A_585 = arith.constant 0 : i32
          %dma_start3A_586 = arith.constant 0 : i32
          %dma_start3A_587 = arith.constant 0 : i32
          %dma_start3A_588 = tpu.memref_slice %arg5[%dma_start3A_585, %dma_start3A_586, %dma_start3A_587] : memref<16x8x128xf32, #tpu.memory_space<hbm>> -> memref<1x8x128xf32, #tpu.memory_space<hbm>>
          %dma_start3A_589 = arith.constant 0 : i32
          %dma_start3A_590 = arith.constant 0 : i32
          %dma_start3A_591 = tpu.memref_slice %arg12[%while3A_581, %dma_start3A_589, %dma_start3A_590] : memref<31x8x128xf32, #tpu.memory_space<vmem>> -> memref<1x8x128xf32, #tpu.memory_space<vmem>>
          %dma_start3A_592 = arith.constant 0 : i32
          %dma_start3A_593 = arith.constant 0 : i32
          %dma_start3A_594 = arith.constant 0 : i32
          %dma_start3A_595 = tpu.memref_slice %arg5[%dma_start3A_592, %dma_start3A_593, %dma_start3A_594] : memref<16x8x128xf32, #tpu.memory_space<hbm>> -> memref<1x8x128xf32, #tpu.memory_space<hbm>>
          tpu.enqueue_dma source(%dma_start3A_595 : memref<1x8x128xf32, #tpu.memory_space<hbm>>) target(%dma_start3A_591 : memref<1x8x128xf32, #tpu.memory_space<vmem>>) target_semaphore(%run_scoped3A : memref<!tpu.dma_semaphore, #tpu.memory_space<semaphore_mem>>)
          %dma_wait3A_596 = arith.constant 0 : i32
          %dma_wait3A_597 = arith.constant 0 : i32
          %dma_wait3A_598 = tpu.memref_slice %arg12[%while3A_581, %dma_wait3A_596, %dma_wait3A_597] : memref<31x8x128xf32, #tpu.memory_space<vmem>> -> memref<1x8x128xf32, #tpu.memory_space<vmem>>
          %dma_wait3A_599 = arith.constant 0 : i32
          %dma_wait3A_600 = arith.constant 0 : i32
          %dma_wait3A_601 = arith.constant 0 : i32
          %dma_wait3A_602 = tpu.memref_slice %arg5[%dma_wait3A_599, %dma_wait3A_600, %dma_wait3A_601] : memref<16x8x128xf32, #tpu.memory_space<hbm>> -> memref<1x8x128xf32, #tpu.memory_space<hbm>>
          %dma_wait3A_603 = arith.constant 0 : i32
          %dma_wait3A_604 = arith.constant 0 : i32
          %dma_wait3A_605 = tpu.memref_slice %arg12[%while3A_581, %dma_wait3A_603, %dma_wait3A_604] : memref<31x8x128xf32, #tpu.memory_space<vmem>> -> memref<1x8x128xf32, #tpu.memory_space<vmem>>
          %dma_wait3A_606 = arith.constant 0 : i32
          %dma_wait3A_607 = arith.constant 0 : i32
          %dma_wait3A_608 = arith.constant 0 : i32
          %dma_wait3A_609 = tpu.memref_slice %arg5[%dma_wait3A_606, %dma_wait3A_607, %dma_wait3A_608] : memref<16x8x128xf32, #tpu.memory_space<hbm>> -> memref<1x8x128xf32, #tpu.memory_space<hbm>>
          tpu.wait_dma2 semaphore(%run_scoped3A : memref<!tpu.dma_semaphore, #tpu.memory_space<semaphore_mem>>) src(%dma_wait3A_609 : memref<1x8x128xf32, #tpu.memory_space<hbm>>) dst(%dma_wait3A_605 : memref<1x8x128xf32, #tpu.memory_space<vmem>>)
          tpu.yield
        }) : () -> ()
      }
      %while3A_543 = arith.constant 0 : i32
      %while3A_544 = arith.constant 0 : i32
      %while3A_545 = arith.subi %min3A_186, %while3A_544 : i32
      %while3A_546 = arith.addi %while3A_544, %while3A_545 : i32
      %while3A_547 = arith.constant 1 : i32
      %while3A_548 = arith.divsi %while3A_545, %while3A_547 : i32
      %while3A_549 = arith.muli %while3A_548, %while3A_547 : i32
      %while3A_550 = arith.addi %while3A_544, %while3A_549 : i32
      %while3A_551 = arith.constant 1 : i32
      scf.for %while3A_581 = %while3A_544 to %while3A_550 step %while3A_551  : i32 {
        %sub3A_582 = arith.constant 30 : i32
        %sub3A_583 = arith.subi %sub3A_582, %while3A_581 : i32
        "tpu.region"() ({
          %run_scoped3A = tpu.sem_alloc : memref<!tpu.dma_semaphore, #tpu.memory_space<semaphore_mem>>
          %dma_start3A_584 = arith.constant 0 : i32
          %dma_start3A_585 = arith.constant 0 : i32
          %dma_start3A_586 = tpu.memref_slice %arg12[%sub3A_583, %dma_start3A_584, %dma_start3A_585] : memref<31x8x128xf32, #tpu.memory_space<vmem>> -> memref<1x8x128xf32, #tpu.memory_space<vmem>>
          %dma_start3A_587 = arith.constant 0 : i32
          %dma_start3A_588 = arith.constant 0 : i32
          %dma_start3A_589 = arith.constant 0 : i32
          %dma_start3A_590 = tpu.memref_slice %arg5[%dma_start3A_587, %dma_start3A_588, %dma_start3A_589] : memref<16x8x128xf32, #tpu.memory_space<hbm>> -> memref<1x8x128xf32, #tpu.memory_space<hbm>>
          %dma_start3A_591 = arith.constant 0 : i32
          %dma_start3A_592 = arith.constant 0 : i32
          %dma_start3A_593 = tpu.memref_slice %arg12[%sub3A_583, %dma_start3A_591, %dma_start3A_592] : memref<31x8x128xf32, #tpu.memory_space<vmem>> -> memref<1x8x128xf32, #tpu.memory_space<vmem>>
          %dma_start3A_594 = arith.constant 0 : i32
          %dma_start3A_595 = arith.constant 0 : i32
          %dma_start3A_596 = arith.constant 0 : i32
          %dma_start3A_597 = tpu.memref_slice %arg5[%dma_start3A_594, %dma_start3A_595, %dma_start3A_596] : memref<16x8x128xf32, #tpu.memory_space<hbm>> -> memref<1x8x128xf32, #tpu.memory_space<hbm>>
          tpu.enqueue_dma source(%dma_start3A_597 : memref<1x8x128xf32, #tpu.memory_space<hbm>>) target(%dma_start3A_593 : memref<1x8x128xf32, #tpu.memory_space<vmem>>) target_semaphore(%run_scoped3A : memref<!tpu.dma_semaphore, #tpu.memory_space<semaphore_mem>>)
          %dma_wait3A_598 = arith.constant 0 : i32
          %dma_wait3A_599 = arith.constant 0 : i32
          %dma_wait3A_600 = tpu.memref_slice %arg12[%sub3A_583, %dma_wait3A_598, %dma_wait3A_599] : memref<31x8x128xf32, #tpu.memory_space<vmem>> -> memref<1x8x128xf32, #tpu.memory_space<vmem>>
          %dma_wait3A_601 = arith.constant 0 : i32
          %dma_wait3A_602 = arith.constant 0 : i32
          %dma_wait3A_603 = arith.constant 0 : i32
          %dma_wait3A_604 = tpu.memref_slice %arg5[%dma_wait3A_601, %dma_wait3A_602, %dma_wait3A_603] : memref<16x8x128xf32, #tpu.memory_space<hbm>> -> memref<1x8x128xf32, #tpu.memory_space<hbm>>
          %dma_wait3A_605 = arith.constant 0 : i32
          %dma_wait3A_606 = arith.constant 0 : i32
          %dma_wait3A_607 = tpu.memref_slice %arg12[%sub3A_583, %dma_wait3A_605, %dma_wait3A_606] : memref<31x8x128xf32, #tpu.memory_space<vmem>> -> memref<1x8x128xf32, #tpu.memory_space<vmem>>
          %dma_wait3A_608 = arith.constant 0 : i32
          %dma_wait3A_609 = arith.constant 0 : i32
          %dma_wait3A_610 = arith.constant 0 : i32
          %dma_wait3A_611 = tpu.memref_slice %arg5[%dma_wait3A_608, %dma_wait3A_609, %dma_wait3A_610] : memref<16x8x128xf32, #tpu.memory_space<hbm>> -> memref<1x8x128xf32, #tpu.memory_space<hbm>>
          tpu.wait_dma2 semaphore(%run_scoped3A : memref<!tpu.dma_semaphore, #tpu.memory_space<semaphore_mem>>) src(%dma_wait3A_611 : memref<1x8x128xf32, #tpu.memory_space<hbm>>) dst(%dma_wait3A_607 : memref<1x8x128xf32, #tpu.memory_space<vmem>>)
          tpu.yield
        }) : () -> ()
      }
      %while3A_552 = arith.constant 1 : i32
      scf.for %while3A_581 = %while3A_550 to %while3A_546 step %while3A_552  : i32 {
        %sub3A_582 = arith.constant 30 : i32
        %sub3A_583 = arith.subi %sub3A_582, %while3A_581 : i32
        "tpu.region"() ({
          %run_scoped3A = tpu.sem_alloc : memref<!tpu.dma_semaphore, #tpu.memory_space<semaphore_mem>>
          %dma_start3A_584 = arith.constant 0 : i32
          %dma_start3A_585 = arith.constant 0 : i32
          %dma_start3A_586 = tpu.memref_slice %arg12[%sub3A_583, %dma_start3A_584, %dma_start3A_585] : memref<31x8x128xf32, #tpu.memory_space<vmem>> -> memref<1x8x128xf32, #tpu.memory_space<vmem>>
          %dma_start3A_587 = arith.constant 0 : i32
          %dma_start3A_588 = arith.constant 0 : i32
          %dma_start3A_589 = arith.constant 0 : i32
          %dma_start3A_590 = tpu.memref_slice %arg5[%dma_start3A_587, %dma_start3A_588, %dma_start3A_589] : memref<16x8x128xf32, #tpu.memory_space<hbm>> -> memref<1x8x128xf32, #tpu.memory_space<hbm>>
          %dma_start3A_591 = arith.constant 0 : i32
          %dma_start3A_592 = arith.constant 0 : i32
          %dma_start3A_593 = tpu.memref_slice %arg12[%sub3A_583, %dma_start3A_591, %dma_start3A_592] : memref<31x8x128xf32, #tpu.memory_space<vmem>> -> memref<1x8x128xf32, #tpu.memory_space<vmem>>
          %dma_start3A_594 = arith.constant 0 : i32
          %dma_start3A_595 = arith.constant 0 : i32
          %dma_start3A_596 = arith.constant 0 : i32
          %dma_start3A_597 = tpu.memref_slice %arg5[%dma_start3A_594, %dma_start3A_595, %dma_start3A_596] : memref<16x8x128xf32, #tpu.memory_space<hbm>> -> memref<1x8x128xf32, #tpu.memory_space<hbm>>
          tpu.enqueue_dma source(%dma_start3A_597 : memref<1x8x128xf32, #tpu.memory_space<hbm>>) target(%dma_start3A_593 : memref<1x8x128xf32, #tpu.memory_space<vmem>>) target_semaphore(%run_scoped3A : memref<!tpu.dma_semaphore, #tpu.memory_space<semaphore_mem>>)
          %dma_wait3A_598 = arith.constant 0 : i32
          %dma_wait3A_599 = arith.constant 0 : i32
          %dma_wait3A_600 = tpu.memref_slice %arg12[%sub3A_583, %dma_wait3A_598, %dma_wait3A_599] : memref<31x8x128xf32, #tpu.memory_space<vmem>> -> memref<1x8x128xf32, #tpu.memory_space<vmem>>
          %dma_wait3A_601 = arith.constant 0 : i32
          %dma_wait3A_602 = arith.constant 0 : i32
          %dma_wait3A_603 = arith.constant 0 : i32
          %dma_wait3A_604 = tpu.memref_slice %arg5[%dma_wait3A_601, %dma_wait3A_602, %dma_wait3A_603] : memref<16x8x128xf32, #tpu.memory_space<hbm>> -> memref<1x8x128xf32, #tpu.memory_space<hbm>>
          %dma_wait3A_605 = arith.constant 0 : i32
          %dma_wait3A_606 = arith.constant 0 : i32
          %dma_wait3A_607 = tpu.memref_slice %arg12[%sub3A_583, %dma_wait3A_605, %dma_wait3A_606] : memref<31x8x128xf32, #tpu.memory_space<vmem>> -> memref<1x8x128xf32, #tpu.memory_space<vmem>>
          %dma_wait3A_608 = arith.constant 0 : i32
          %dma_wait3A_609 = arith.constant 0 : i32
          %dma_wait3A_610 = arith.constant 0 : i32
          %dma_wait3A_611 = tpu.memref_slice %arg5[%dma_wait3A_608, %dma_wait3A_609, %dma_wait3A_610] : memref<16x8x128xf32, #tpu.memory_space<hbm>> -> memref<1x8x128xf32, #tpu.memory_space<hbm>>
          tpu.wait_dma2 semaphore(%run_scoped3A : memref<!tpu.dma_semaphore, #tpu.memory_space<semaphore_mem>>) src(%dma_wait3A_611 : memref<1x8x128xf32, #tpu.memory_space<hbm>>) dst(%dma_wait3A_607 : memref<1x8x128xf32, #tpu.memory_space<vmem>>)
          tpu.yield
        }) : () -> ()
      }
      %dma_start3A_553 = arith.constant 0 : i32
      %dma_start3A_554 = arith.constant 0 : i32
      %dma_start3A_555 = arith.constant 0 : i32
      %dma_start3A_556 = tpu.memref_slice %arg12[%dma_start3A_553, %dma_start3A_554, %dma_start3A_555] : memref<31x8x128xf32, #tpu.memory_space<vmem>> -> memref<31x8x128xf32, #tpu.memory_space<vmem>>
      %dma_start3A_557 = arith.constant 0 : i32
      %dma_start3A_558 = arith.constant 0 : i32
      %dma_start3A_559 = tpu.memref_slice %arg7[%add3A_492, %dma_start3A_557, %dma_start3A_558] : memref<961x8x128xf32, #tpu.memory_space<hbm>> -> memref<31x8x128xf32, #tpu.memory_space<hbm>>
      %dma_start3A_560 = arith.constant 0 : i32
      %dma_start3A_561 = arith.constant 0 : i32
      %dma_start3A_562 = tpu.memref_slice %arg7[%add3A_492, %dma_start3A_560, %dma_start3A_561] : memref<961x8x128xf32, #tpu.memory_space<hbm>> -> memref<31x8x128xf32, #tpu.memory_space<hbm>>
      %dma_start3A_563 = arith.constant 0 : i32
      %dma_start3A_564 = arith.constant 0 : i32
      %dma_start3A_565 = arith.constant 0 : i32
      %dma_start3A_566 = tpu.memref_slice %arg12[%dma_start3A_563, %dma_start3A_564, %dma_start3A_565] : memref<31x8x128xf32, #tpu.memory_space<vmem>> -> memref<31x8x128xf32, #tpu.memory_space<vmem>>
      tpu.enqueue_dma source(%dma_start3A_566 : memref<31x8x128xf32, #tpu.memory_space<vmem>>) target(%dma_start3A_562 : memref<31x8x128xf32, #tpu.memory_space<hbm>>) target_semaphore(%arg18 : memref<!tpu.dma_semaphore, #tpu.memory_space<semaphore_mem>>)
      %dma_wait3A_567 = arith.constant 0 : i32
      %dma_wait3A_568 = arith.constant 0 : i32
      %dma_wait3A_569 = arith.constant 0 : i32
      %dma_wait3A_570 = tpu.memref_slice %arg12[%dma_wait3A_567, %dma_wait3A_568, %dma_wait3A_569] : memref<31x8x128xf32, #tpu.memory_space<vmem>> -> memref<31x8x128xf32, #tpu.memory_space<vmem>>
      %dma_wait3A_571 = arith.constant 0 : i32
      %dma_wait3A_572 = arith.constant 0 : i32
      %dma_wait3A_573 = tpu.memref_slice %arg7[%add3A_492, %dma_wait3A_571, %dma_wait3A_572] : memref<961x8x128xf32, #tpu.memory_space<hbm>> -> memref<31x8x128xf32, #tpu.memory_space<hbm>>
      %dma_wait3A_574 = arith.constant 0 : i32
      %dma_wait3A_575 = arith.constant 0 : i32
      %dma_wait3A_576 = tpu.memref_slice %arg7[%add3A_492, %dma_wait3A_574, %dma_wait3A_575] : memref<961x8x128xf32, #tpu.memory_space<hbm>> -> memref<31x8x128xf32, #tpu.memory_space<hbm>>
      %dma_wait3A_577 = arith.constant 0 : i32
      %dma_wait3A_578 = arith.constant 0 : i32
      %dma_wait3A_579 = arith.constant 0 : i32
      %dma_wait3A_580 = tpu.memref_slice %arg12[%dma_wait3A_577, %dma_wait3A_578, %dma_wait3A_579] : memref<31x8x128xf32, #tpu.memory_space<vmem>> -> memref<31x8x128xf32, #tpu.memory_space<vmem>>
      tpu.wait_dma2 semaphore(%arg18 : memref<!tpu.dma_semaphore, #tpu.memory_space<semaphore_mem>>) src(%dma_wait3A_580 : memref<31x8x128xf32, #tpu.memory_space<vmem>>) dst(%dma_wait3A_576 : memref<31x8x128xf32, #tpu.memory_space<hbm>>)
    } else {
    }
    %not3A_497 = arith.constant true
    %not3A_498 = arith.xori %and3A_483, %not3A_497 : i1
    %and3A_499 = arith.andi %and3A_488, %not3A_498 : i1
    %convert_element_type3A_500 = arith.extui %and3A_499 : i1 to i32
    %cond3A_501 = arith.constant 0 : i32
    %cond3A_502 = arith.cmpi ne, %convert_element_type3A_500, %cond3A_501 : i32
    scf.if %cond3A_502 {
      %add3A_534 = arith.constant 0 : i32
      %add3A_535 = arith.addi %add3A_492, %add3A_534 : i32
      "tpu.region"() ({
        %run_scoped3A = tpu.sem_alloc : memref<!tpu.dma_semaphore, #tpu.memory_space<semaphore_mem>>
        %dma_start3A_538 = arith.constant 0 : i32
        %dma_start3A_539 = arith.constant 0 : i32
        %dma_start3A_540 = arith.constant 0 : i32
        %dma_start3A_541 = tpu.memref_slice %arg13[%dma_start3A_538, %dma_start3A_539, %dma_start3A_540] : memref<16x8x128xf32, #tpu.memory_space<vmem>> -> memref<16x8x128xf32, #tpu.memory_space<vmem>>
        %dma_start3A_542 = arith.constant 0 : i32
        %dma_start3A_543 = arith.constant 0 : i32
        %dma_start3A_544 = tpu.memref_slice %arg7[%add3A_535, %dma_start3A_542, %dma_start3A_543] : memref<961x8x128xf32, #tpu.memory_space<hbm>> -> memref<16x8x128xf32, #tpu.memory_space<hbm>>
        %dma_start3A_545 = arith.constant 0 : i32
        %dma_start3A_546 = arith.constant 0 : i32
        %dma_start3A_547 = tpu.memref_slice %arg7[%add3A_535, %dma_start3A_545, %dma_start3A_546] : memref<961x8x128xf32, #tpu.memory_space<hbm>> -> memref<16x8x128xf32, #tpu.memory_space<hbm>>
        %dma_start3A_548 = arith.constant 0 : i32
        %dma_start3A_549 = arith.constant 0 : i32
        %dma_start3A_550 = arith.constant 0 : i32
        %dma_start3A_551 = tpu.memref_slice %arg13[%dma_start3A_548, %dma_start3A_549, %dma_start3A_550] : memref<16x8x128xf32, #tpu.memory_space<vmem>> -> memref<16x8x128xf32, #tpu.memory_space<vmem>>
        tpu.enqueue_dma source(%dma_start3A_551 : memref<16x8x128xf32, #tpu.memory_space<vmem>>) target(%dma_start3A_547 : memref<16x8x128xf32, #tpu.memory_space<hbm>>) target_semaphore(%run_scoped3A : memref<!tpu.dma_semaphore, #tpu.memory_space<semaphore_mem>>)
        %dma_wait3A_552 = arith.constant 0 : i32
        %dma_wait3A_553 = arith.constant 0 : i32
        %dma_wait3A_554 = arith.constant 0 : i32
        %dma_wait3A_555 = tpu.memref_slice %arg13[%dma_wait3A_552, %dma_wait3A_553, %dma_wait3A_554] : memref<16x8x128xf32, #tpu.memory_space<vmem>> -> memref<16x8x128xf32, #tpu.memory_space<vmem>>
        %dma_wait3A_556 = arith.constant 0 : i32
        %dma_wait3A_557 = arith.constant 0 : i32
        %dma_wait3A_558 = tpu.memref_slice %arg7[%add3A_535, %dma_wait3A_556, %dma_wait3A_557] : memref<961x8x128xf32, #tpu.memory_space<hbm>> -> memref<16x8x128xf32, #tpu.memory_space<hbm>>
        %dma_wait3A_559 = arith.constant 0 : i32
        %dma_wait3A_560 = arith.constant 0 : i32
        %dma_wait3A_561 = tpu.memref_slice %arg7[%add3A_535, %dma_wait3A_559, %dma_wait3A_560] : memref<961x8x128xf32, #tpu.memory_space<hbm>> -> memref<16x8x128xf32, #tpu.memory_space<hbm>>
        %dma_wait3A_562 = arith.constant 0 : i32
        %dma_wait3A_563 = arith.constant 0 : i32
        %dma_wait3A_564 = arith.constant 0 : i32
        %dma_wait3A_565 = tpu.memref_slice %arg13[%dma_wait3A_562, %dma_wait3A_563, %dma_wait3A_564] : memref<16x8x128xf32, #tpu.memory_space<vmem>> -> memref<16x8x128xf32, #tpu.memory_space<vmem>>
        tpu.wait_dma2 semaphore(%run_scoped3A : memref<!tpu.dma_semaphore, #tpu.memory_space<semaphore_mem>>) src(%dma_wait3A_565 : memref<16x8x128xf32, #tpu.memory_space<vmem>>) dst(%dma_wait3A_561 : memref<16x8x128xf32, #tpu.memory_space<hbm>>)
        tpu.yield
      }) : () -> ()
      %add3A_536 = arith.constant 16 : i32
      %add3A_537 = arith.addi %add3A_492, %add3A_536 : i32
      "tpu.region"() ({
        %run_scoped3A = tpu.sem_alloc : memref<!tpu.dma_semaphore, #tpu.memory_space<semaphore_mem>>
        %dma_start3A_538 = arith.constant 0 : i32
        %dma_start3A_539 = arith.constant 0 : i32
        %dma_start3A_540 = arith.constant 0 : i32
        %dma_start3A_541 = tpu.memref_slice %arg13[%dma_start3A_538, %dma_start3A_539, %dma_start3A_540] : memref<16x8x128xf32, #tpu.memory_space<vmem>> -> memref<15x8x128xf32, #tpu.memory_space<vmem>>
        %dma_start3A_542 = arith.constant 0 : i32
        %dma_start3A_543 = arith.constant 0 : i32
        %dma_start3A_544 = tpu.memref_slice %arg7[%add3A_537, %dma_start3A_542, %dma_start3A_543] : memref<961x8x128xf32, #tpu.memory_space<hbm>> -> memref<15x8x128xf32, #tpu.memory_space<hbm>>
        %dma_start3A_545 = arith.constant 0 : i32
        %dma_start3A_546 = arith.constant 0 : i32
        %dma_start3A_547 = tpu.memref_slice %arg7[%add3A_537, %dma_start3A_545, %dma_start3A_546] : memref<961x8x128xf32, #tpu.memory_space<hbm>> -> memref<15x8x128xf32, #tpu.memory_space<hbm>>
        %dma_start3A_548 = arith.constant 0 : i32
        %dma_start3A_549 = arith.constant 0 : i32
        %dma_start3A_550 = arith.constant 0 : i32
        %dma_start3A_551 = tpu.memref_slice %arg13[%dma_start3A_548, %dma_start3A_549, %dma_start3A_550] : memref<16x8x128xf32, #tpu.memory_space<vmem>> -> memref<15x8x128xf32, #tpu.memory_space<vmem>>
        tpu.enqueue_dma source(%dma_start3A_551 : memref<15x8x128xf32, #tpu.memory_space<vmem>>) target(%dma_start3A_547 : memref<15x8x128xf32, #tpu.memory_space<hbm>>) target_semaphore(%run_scoped3A : memref<!tpu.dma_semaphore, #tpu.memory_space<semaphore_mem>>)
        %dma_wait3A_552 = arith.constant 0 : i32
        %dma_wait3A_553 = arith.constant 0 : i32
        %dma_wait3A_554 = arith.constant 0 : i32
        %dma_wait3A_555 = tpu.memref_slice %arg13[%dma_wait3A_552, %dma_wait3A_553, %dma_wait3A_554] : memref<16x8x128xf32, #tpu.memory_space<vmem>> -> memref<15x8x128xf32, #tpu.memory_space<vmem>>
        %dma_wait3A_556 = arith.constant 0 : i32
        %dma_wait3A_557 = arith.constant 0 : i32
        %dma_wait3A_558 = tpu.memref_slice %arg7[%add3A_537, %dma_wait3A_556, %dma_wait3A_557] : memref<961x8x128xf32, #tpu.memory_space<hbm>> -> memref<15x8x128xf32, #tpu.memory_space<hbm>>
        %dma_wait3A_559 = arith.constant 0 : i32
        %dma_wait3A_560 = arith.constant 0 : i32
        %dma_wait3A_561 = tpu.memref_slice %arg7[%add3A_537, %dma_wait3A_559, %dma_wait3A_560] : memref<961x8x128xf32, #tpu.memory_space<hbm>> -> memref<15x8x128xf32, #tpu.memory_space<hbm>>
        %dma_wait3A_562 = arith.constant 0 : i32
        %dma_wait3A_563 = arith.constant 0 : i32
        %dma_wait3A_564 = arith.constant 0 : i32
        %dma_wait3A_565 = tpu.memref_slice %arg13[%dma_wait3A_562, %dma_wait3A_563, %dma_wait3A_564] : memref<16x8x128xf32, #tpu.memory_space<vmem>> -> memref<15x8x128xf32, #tpu.memory_space<vmem>>
        tpu.wait_dma2 semaphore(%run_scoped3A : memref<!tpu.dma_semaphore, #tpu.memory_space<semaphore_mem>>) src(%dma_wait3A_565 : memref<15x8x128xf32, #tpu.memory_space<vmem>>) dst(%dma_wait3A_561 : memref<15x8x128xf32, #tpu.memory_space<hbm>>)
        tpu.yield
      }) : () -> ()
    } else {
    }
    %sub3A_503 = arith.constant 92 : i32
    %sub3A_504 = arith.subi %min3A_240, %sub3A_503 : i32
    %add3A_505 = arith.addi %sub3A_190, %sub3A_504 : i32
    %ge3A_506 = arith.constant 0 : i32
    %ge3A_507 = arith.cmpi sge, %add3A_505, %ge3A_506 : i32
    %lt3A_508 = arith.constant 125 : i32
    %lt3A_509 = arith.cmpi slt, %add3A_505, %lt3A_508 : i32
    %and3A_510 = arith.andi %ge3A_507, %lt3A_509 : i1
    %ge3A_511 = arith.constant 92 : i32
    %ge3A_512 = arith.cmpi sge, %min3A_240, %ge3A_511 : i32
    %lt3A_513 = arith.constant 107 : i32
    %lt3A_514 = arith.cmpi slt, %min3A_240, %lt3A_513 : i32
    %and3A_515 = arith.andi %ge3A_512, %lt3A_514 : i1
    %mul3A_516 = arith.constant 15 : i32
    %mul3A_517 = arith.muli %mul3A_516, %sub3A_504 : i32
    %add3A_518 = arith.constant 0 : i32
    %add3A_519 = arith.addi %mul3A_517, %add3A_518 : i32
    %and3A_520 = arith.andi %and3A_515, %and3A_510 : i1
    %convert_element_type3A_521 = arith.extui %and3A_520 : i1 to i32
    %cond3A_522 = arith.constant 0 : i32
    %cond3A_523 = arith.cmpi ne, %convert_element_type3A_521, %cond3A_522 : i32
    scf.if %cond3A_523 {
      %while3A = arith.constant 0 : i32
      %while3A_534 = arith.constant 0 : i32
      %while3A_535 = arith.subi %min3A_218, %while3A_534 : i32
      %while3A_536 = arith.addi %while3A_534, %while3A_535 : i32
      %while3A_537 = arith.constant 1 : i32
      %while3A_538 = arith.divsi %while3A_535, %while3A_537 : i32
      %while3A_539 = arith.muli %while3A_538, %while3A_537 : i32
      %while3A_540 = arith.addi %while3A_534, %while3A_539 : i32
      %while3A_541 = arith.constant 1 : i32
      scf.for %while3A_581 = %while3A_534 to %while3A_540 step %while3A_541  : i32 {
        "tpu.region"() ({
          %run_scoped3A = tpu.sem_alloc : memref<!tpu.dma_semaphore, #tpu.memory_space<semaphore_mem>>
          %dma_start3A_582 = arith.constant 0 : i32
          %dma_start3A_583 = arith.constant 0 : i32
          %dma_start3A_584 = tpu.memref_slice %arg12[%while3A_581, %dma_start3A_582, %dma_start3A_583] : memref<31x8x128xf32, #tpu.memory_space<vmem>> -> memref<1x8x128xf32, #tpu.memory_space<vmem>>
          %dma_start3A_585 = arith.constant 0 : i32
          %dma_start3A_586 = arith.constant 0 : i32
          %dma_start3A_587 = arith.constant 0 : i32
          %dma_start3A_588 = tpu.memref_slice %arg5[%dma_start3A_585, %dma_start3A_586, %dma_start3A_587] : memref<16x8x128xf32, #tpu.memory_space<hbm>> -> memref<1x8x128xf32, #tpu.memory_space<hbm>>
          %dma_start3A_589 = arith.constant 0 : i32
          %dma_start3A_590 = arith.constant 0 : i32
          %dma_start3A_591 = tpu.memref_slice %arg12[%while3A_581, %dma_start3A_589, %dma_start3A_590] : memref<31x8x128xf32, #tpu.memory_space<vmem>> -> memref<1x8x128xf32, #tpu.memory_space<vmem>>
          %dma_start3A_592 = arith.constant 0 : i32
          %dma_start3A_593 = arith.constant 0 : i32
          %dma_start3A_594 = arith.constant 0 : i32
          %dma_start3A_595 = tpu.memref_slice %arg5[%dma_start3A_592, %dma_start3A_593, %dma_start3A_594] : memref<16x8x128xf32, #tpu.memory_space<hbm>> -> memref<1x8x128xf32, #tpu.memory_space<hbm>>
          tpu.enqueue_dma source(%dma_start3A_595 : memref<1x8x128xf32, #tpu.memory_space<hbm>>) target(%dma_start3A_591 : memref<1x8x128xf32, #tpu.memory_space<vmem>>) target_semaphore(%run_scoped3A : memref<!tpu.dma_semaphore, #tpu.memory_space<semaphore_mem>>)
          %dma_wait3A_596 = arith.constant 0 : i32
          %dma_wait3A_597 = arith.constant 0 : i32
          %dma_wait3A_598 = tpu.memref_slice %arg12[%while3A_581, %dma_wait3A_596, %dma_wait3A_597] : memref<31x8x128xf32, #tpu.memory_space<vmem>> -> memref<1x8x128xf32, #tpu.memory_space<vmem>>
          %dma_wait3A_599 = arith.constant 0 : i32
          %dma_wait3A_600 = arith.constant 0 : i32
          %dma_wait3A_601 = arith.constant 0 : i32
          %dma_wait3A_602 = tpu.memref_slice %arg5[%dma_wait3A_599, %dma_wait3A_600, %dma_wait3A_601] : memref<16x8x128xf32, #tpu.memory_space<hbm>> -> memref<1x8x128xf32, #tpu.memory_space<hbm>>
          %dma_wait3A_603 = arith.constant 0 : i32
          %dma_wait3A_604 = arith.constant 0 : i32
          %dma_wait3A_605 = tpu.memref_slice %arg12[%while3A_581, %dma_wait3A_603, %dma_wait3A_604] : memref<31x8x128xf32, #tpu.memory_space<vmem>> -> memref<1x8x128xf32, #tpu.memory_space<vmem>>
          %dma_wait3A_606 = arith.constant 0 : i32
          %dma_wait3A_607 = arith.constant 0 : i32
          %dma_wait3A_608 = arith.constant 0 : i32
          %dma_wait3A_609 = tpu.memref_slice %arg5[%dma_wait3A_606, %dma_wait3A_607, %dma_wait3A_608] : memref<16x8x128xf32, #tpu.memory_space<hbm>> -> memref<1x8x128xf32, #tpu.memory_space<hbm>>
          tpu.wait_dma2 semaphore(%run_scoped3A : memref<!tpu.dma_semaphore, #tpu.memory_space<semaphore_mem>>) src(%dma_wait3A_609 : memref<1x8x128xf32, #tpu.memory_space<hbm>>) dst(%dma_wait3A_605 : memref<1x8x128xf32, #tpu.memory_space<vmem>>)
          tpu.yield
        }) : () -> ()
      }
      %while3A_542 = arith.constant 1 : i32
      scf.for %while3A_581 = %while3A_540 to %while3A_536 step %while3A_542  : i32 {
        "tpu.region"() ({
          %run_scoped3A = tpu.sem_alloc : memref<!tpu.dma_semaphore, #tpu.memory_space<semaphore_mem>>
          %dma_start3A_582 = arith.constant 0 : i32
          %dma_start3A_583 = arith.constant 0 : i32
          %dma_start3A_584 = tpu.memref_slice %arg12[%while3A_581, %dma_start3A_582, %dma_start3A_583] : memref<31x8x128xf32, #tpu.memory_space<vmem>> -> memref<1x8x128xf32, #tpu.memory_space<vmem>>
          %dma_start3A_585 = arith.constant 0 : i32
          %dma_start3A_586 = arith.constant 0 : i32
          %dma_start3A_587 = arith.constant 0 : i32
          %dma_start3A_588 = tpu.memref_slice %arg5[%dma_start3A_585, %dma_start3A_586, %dma_start3A_587] : memref<16x8x128xf32, #tpu.memory_space<hbm>> -> memref<1x8x128xf32, #tpu.memory_space<hbm>>
          %dma_start3A_589 = arith.constant 0 : i32
          %dma_start3A_590 = arith.constant 0 : i32
          %dma_start3A_591 = tpu.memref_slice %arg12[%while3A_581, %dma_start3A_589, %dma_start3A_590] : memref<31x8x128xf32, #tpu.memory_space<vmem>> -> memref<1x8x128xf32, #tpu.memory_space<vmem>>
          %dma_start3A_592 = arith.constant 0 : i32
          %dma_start3A_593 = arith.constant 0 : i32
          %dma_start3A_594 = arith.constant 0 : i32
          %dma_start3A_595 = tpu.memref_slice %arg5[%dma_start3A_592, %dma_start3A_593, %dma_start3A_594] : memref<16x8x128xf32, #tpu.memory_space<hbm>> -> memref<1x8x128xf32, #tpu.memory_space<hbm>>
          tpu.enqueue_dma source(%dma_start3A_595 : memref<1x8x128xf32, #tpu.memory_space<hbm>>) target(%dma_start3A_591 : memref<1x8x128xf32, #tpu.memory_space<vmem>>) target_semaphore(%run_scoped3A : memref<!tpu.dma_semaphore, #tpu.memory_space<semaphore_mem>>)
          %dma_wait3A_596 = arith.constant 0 : i32
          %dma_wait3A_597 = arith.constant 0 : i32
          %dma_wait3A_598 = tpu.memref_slice %arg12[%while3A_581, %dma_wait3A_596, %dma_wait3A_597] : memref<31x8x128xf32, #tpu.memory_space<vmem>> -> memref<1x8x128xf32, #tpu.memory_space<vmem>>
          %dma_wait3A_599 = arith.constant 0 : i32
          %dma_wait3A_600 = arith.constant 0 : i32
          %dma_wait3A_601 = arith.constant 0 : i32
          %dma_wait3A_602 = tpu.memref_slice %arg5[%dma_wait3A_599, %dma_wait3A_600, %dma_wait3A_601] : memref<16x8x128xf32, #tpu.memory_space<hbm>> -> memref<1x8x128xf32, #tpu.memory_space<hbm>>
          %dma_wait3A_603 = arith.constant 0 : i32
          %dma_wait3A_604 = arith.constant 0 : i32
          %dma_wait3A_605 = tpu.memref_slice %arg12[%while3A_581, %dma_wait3A_603, %dma_wait3A_604] : memref<31x8x128xf32, #tpu.memory_space<vmem>> -> memref<1x8x128xf32, #tpu.memory_space<vmem>>
          %dma_wait3A_606 = arith.constant 0 : i32
          %dma_wait3A_607 = arith.constant 0 : i32
          %dma_wait3A_608 = arith.constant 0 : i32
          %dma_wait3A_609 = tpu.memref_slice %arg5[%dma_wait3A_606, %dma_wait3A_607, %dma_wait3A_608] : memref<16x8x128xf32, #tpu.memory_space<hbm>> -> memref<1x8x128xf32, #tpu.memory_space<hbm>>
          tpu.wait_dma2 semaphore(%run_scoped3A : memref<!tpu.dma_semaphore, #tpu.memory_space<semaphore_mem>>) src(%dma_wait3A_609 : memref<1x8x128xf32, #tpu.memory_space<hbm>>) dst(%dma_wait3A_605 : memref<1x8x128xf32, #tpu.memory_space<vmem>>)
          tpu.yield
        }) : () -> ()
      }
      %while3A_543 = arith.constant 0 : i32
      %while3A_544 = arith.constant 0 : i32
      %while3A_545 = arith.subi %min3A_228, %while3A_544 : i32
      %while3A_546 = arith.addi %while3A_544, %while3A_545 : i32
      %while3A_547 = arith.constant 1 : i32
      %while3A_548 = arith.divsi %while3A_545, %while3A_547 : i32
      %while3A_549 = arith.muli %while3A_548, %while3A_547 : i32
      %while3A_550 = arith.addi %while3A_544, %while3A_549 : i32
      %while3A_551 = arith.constant 1 : i32
      scf.for %while3A_581 = %while3A_544 to %while3A_550 step %while3A_551  : i32 {
        %sub3A_582 = arith.constant 14 : i32
        %sub3A_583 = arith.subi %sub3A_582, %while3A_581 : i32
        "tpu.region"() ({
          %run_scoped3A = tpu.sem_alloc : memref<!tpu.dma_semaphore, #tpu.memory_space<semaphore_mem>>
          %dma_start3A_584 = arith.constant 0 : i32
          %dma_start3A_585 = arith.constant 0 : i32
          %dma_start3A_586 = tpu.memref_slice %arg12[%sub3A_583, %dma_start3A_584, %dma_start3A_585] : memref<31x8x128xf32, #tpu.memory_space<vmem>> -> memref<1x8x128xf32, #tpu.memory_space<vmem>>
          %dma_start3A_587 = arith.constant 0 : i32
          %dma_start3A_588 = arith.constant 0 : i32
          %dma_start3A_589 = arith.constant 0 : i32
          %dma_start3A_590 = tpu.memref_slice %arg5[%dma_start3A_587, %dma_start3A_588, %dma_start3A_589] : memref<16x8x128xf32, #tpu.memory_space<hbm>> -> memref<1x8x128xf32, #tpu.memory_space<hbm>>
          %dma_start3A_591 = arith.constant 0 : i32
          %dma_start3A_592 = arith.constant 0 : i32
          %dma_start3A_593 = tpu.memref_slice %arg12[%sub3A_583, %dma_start3A_591, %dma_start3A_592] : memref<31x8x128xf32, #tpu.memory_space<vmem>> -> memref<1x8x128xf32, #tpu.memory_space<vmem>>
          %dma_start3A_594 = arith.constant 0 : i32
          %dma_start3A_595 = arith.constant 0 : i32
          %dma_start3A_596 = arith.constant 0 : i32
          %dma_start3A_597 = tpu.memref_slice %arg5[%dma_start3A_594, %dma_start3A_595, %dma_start3A_596] : memref<16x8x128xf32, #tpu.memory_space<hbm>> -> memref<1x8x128xf32, #tpu.memory_space<hbm>>
          tpu.enqueue_dma source(%dma_start3A_597 : memref<1x8x128xf32, #tpu.memory_space<hbm>>) target(%dma_start3A_593 : memref<1x8x128xf32, #tpu.memory_space<vmem>>) target_semaphore(%run_scoped3A : memref<!tpu.dma_semaphore, #tpu.memory_space<semaphore_mem>>)
          %dma_wait3A_598 = arith.constant 0 : i32
          %dma_wait3A_599 = arith.constant 0 : i32
          %dma_wait3A_600 = tpu.memref_slice %arg12[%sub3A_583, %dma_wait3A_598, %dma_wait3A_599] : memref<31x8x128xf32, #tpu.memory_space<vmem>> -> memref<1x8x128xf32, #tpu.memory_space<vmem>>
          %dma_wait3A_601 = arith.constant 0 : i32
          %dma_wait3A_602 = arith.constant 0 : i32
          %dma_wait3A_603 = arith.constant 0 : i32
          %dma_wait3A_604 = tpu.memref_slice %arg5[%dma_wait3A_601, %dma_wait3A_602, %dma_wait3A_603] : memref<16x8x128xf32, #tpu.memory_space<hbm>> -> memref<1x8x128xf32, #tpu.memory_space<hbm>>
          %dma_wait3A_605 = arith.constant 0 : i32
          %dma_wait3A_606 = arith.constant 0 : i32
          %dma_wait3A_607 = tpu.memref_slice %arg12[%sub3A_583, %dma_wait3A_605, %dma_wait3A_606] : memref<31x8x128xf32, #tpu.memory_space<vmem>> -> memref<1x8x128xf32, #tpu.memory_space<vmem>>
          %dma_wait3A_608 = arith.constant 0 : i32
          %dma_wait3A_609 = arith.constant 0 : i32
          %dma_wait3A_610 = arith.constant 0 : i32
          %dma_wait3A_611 = tpu.memref_slice %arg5[%dma_wait3A_608, %dma_wait3A_609, %dma_wait3A_610] : memref<16x8x128xf32, #tpu.memory_space<hbm>> -> memref<1x8x128xf32, #tpu.memory_space<hbm>>
          tpu.wait_dma2 semaphore(%run_scoped3A : memref<!tpu.dma_semaphore, #tpu.memory_space<semaphore_mem>>) src(%dma_wait3A_611 : memref<1x8x128xf32, #tpu.memory_space<hbm>>) dst(%dma_wait3A_607 : memref<1x8x128xf32, #tpu.memory_space<vmem>>)
          tpu.yield
        }) : () -> ()
      }
      %while3A_552 = arith.constant 1 : i32
      scf.for %while3A_581 = %while3A_550 to %while3A_546 step %while3A_552  : i32 {
        %sub3A_582 = arith.constant 14 : i32
        %sub3A_583 = arith.subi %sub3A_582, %while3A_581 : i32
        "tpu.region"() ({
          %run_scoped3A = tpu.sem_alloc : memref<!tpu.dma_semaphore, #tpu.memory_space<semaphore_mem>>
          %dma_start3A_584 = arith.constant 0 : i32
          %dma_start3A_585 = arith.constant 0 : i32
          %dma_start3A_586 = tpu.memref_slice %arg12[%sub3A_583, %dma_start3A_584, %dma_start3A_585] : memref<31x8x128xf32, #tpu.memory_space<vmem>> -> memref<1x8x128xf32, #tpu.memory_space<vmem>>
          %dma_start3A_587 = arith.constant 0 : i32
          %dma_start3A_588 = arith.constant 0 : i32
          %dma_start3A_589 = arith.constant 0 : i32
          %dma_start3A_590 = tpu.memref_slice %arg5[%dma_start3A_587, %dma_start3A_588, %dma_start3A_589] : memref<16x8x128xf32, #tpu.memory_space<hbm>> -> memref<1x8x128xf32, #tpu.memory_space<hbm>>
          %dma_start3A_591 = arith.constant 0 : i32
          %dma_start3A_592 = arith.constant 0 : i32
          %dma_start3A_593 = tpu.memref_slice %arg12[%sub3A_583, %dma_start3A_591, %dma_start3A_592] : memref<31x8x128xf32, #tpu.memory_space<vmem>> -> memref<1x8x128xf32, #tpu.memory_space<vmem>>
          %dma_start3A_594 = arith.constant 0 : i32
          %dma_start3A_595 = arith.constant 0 : i32
          %dma_start3A_596 = arith.constant 0 : i32
          %dma_start3A_597 = tpu.memref_slice %arg5[%dma_start3A_594, %dma_start3A_595, %dma_start3A_596] : memref<16x8x128xf32, #tpu.memory_space<hbm>> -> memref<1x8x128xf32, #tpu.memory_space<hbm>>
          tpu.enqueue_dma source(%dma_start3A_597 : memref<1x8x128xf32, #tpu.memory_space<hbm>>) target(%dma_start3A_593 : memref<1x8x128xf32, #tpu.memory_space<vmem>>) target_semaphore(%run_scoped3A : memref<!tpu.dma_semaphore, #tpu.memory_space<semaphore_mem>>)
          %dma_wait3A_598 = arith.constant 0 : i32
          %dma_wait3A_599 = arith.constant 0 : i32
          %dma_wait3A_600 = tpu.memref_slice %arg12[%sub3A_583, %dma_wait3A_598, %dma_wait3A_599] : memref<31x8x128xf32, #tpu.memory_space<vmem>> -> memref<1x8x128xf32, #tpu.memory_space<vmem>>
          %dma_wait3A_601 = arith.constant 0 : i32
          %dma_wait3A_602 = arith.constant 0 : i32
          %dma_wait3A_603 = arith.constant 0 : i32
          %dma_wait3A_604 = tpu.memref_slice %arg5[%dma_wait3A_601, %dma_wait3A_602, %dma_wait3A_603] : memref<16x8x128xf32, #tpu.memory_space<hbm>> -> memref<1x8x128xf32, #tpu.memory_space<hbm>>
          %dma_wait3A_605 = arith.constant 0 : i32
          %dma_wait3A_606 = arith.constant 0 : i32
          %dma_wait3A_607 = tpu.memref_slice %arg12[%sub3A_583, %dma_wait3A_605, %dma_wait3A_606] : memref<31x8x128xf32, #tpu.memory_space<vmem>> -> memref<1x8x128xf32, #tpu.memory_space<vmem>>
          %dma_wait3A_608 = arith.constant 0 : i32
          %dma_wait3A_609 = arith.constant 0 : i32
          %dma_wait3A_610 = arith.constant 0 : i32
          %dma_wait3A_611 = tpu.memref_slice %arg5[%dma_wait3A_608, %dma_wait3A_609, %dma_wait3A_610] : memref<16x8x128xf32, #tpu.memory_space<hbm>> -> memref<1x8x128xf32, #tpu.memory_space<hbm>>
          tpu.wait_dma2 semaphore(%run_scoped3A : memref<!tpu.dma_semaphore, #tpu.memory_space<semaphore_mem>>) src(%dma_wait3A_611 : memref<1x8x128xf32, #tpu.memory_space<hbm>>) dst(%dma_wait3A_607 : memref<1x8x128xf32, #tpu.memory_space<vmem>>)
          tpu.yield
        }) : () -> ()
      }
      %dma_start3A_553 = arith.constant 0 : i32
      %dma_start3A_554 = arith.constant 0 : i32
      %dma_start3A_555 = arith.constant 0 : i32
      %dma_start3A_556 = tpu.memref_slice %arg12[%dma_start3A_553, %dma_start3A_554, %dma_start3A_555] : memref<31x8x128xf32, #tpu.memory_space<vmem>> -> memref<15x8x128xf32, #tpu.memory_space<vmem>>
      %dma_start3A_557 = arith.constant 0 : i32
      %dma_start3A_558 = arith.constant 0 : i32
      %dma_start3A_559 = tpu.memref_slice %arg8[%add3A_519, %dma_start3A_557, %dma_start3A_558] : memref<225x8x128xf32, #tpu.memory_space<hbm>> -> memref<15x8x128xf32, #tpu.memory_space<hbm>>
      %dma_start3A_560 = arith.constant 0 : i32
      %dma_start3A_561 = arith.constant 0 : i32
      %dma_start3A_562 = tpu.memref_slice %arg8[%add3A_519, %dma_start3A_560, %dma_start3A_561] : memref<225x8x128xf32, #tpu.memory_space<hbm>> -> memref<15x8x128xf32, #tpu.memory_space<hbm>>
      %dma_start3A_563 = arith.constant 0 : i32
      %dma_start3A_564 = arith.constant 0 : i32
      %dma_start3A_565 = arith.constant 0 : i32
      %dma_start3A_566 = tpu.memref_slice %arg12[%dma_start3A_563, %dma_start3A_564, %dma_start3A_565] : memref<31x8x128xf32, #tpu.memory_space<vmem>> -> memref<15x8x128xf32, #tpu.memory_space<vmem>>
      tpu.enqueue_dma source(%dma_start3A_566 : memref<15x8x128xf32, #tpu.memory_space<vmem>>) target(%dma_start3A_562 : memref<15x8x128xf32, #tpu.memory_space<hbm>>) target_semaphore(%arg18 : memref<!tpu.dma_semaphore, #tpu.memory_space<semaphore_mem>>)
      %dma_wait3A_567 = arith.constant 0 : i32
      %dma_wait3A_568 = arith.constant 0 : i32
      %dma_wait3A_569 = arith.constant 0 : i32
      %dma_wait3A_570 = tpu.memref_slice %arg12[%dma_wait3A_567, %dma_wait3A_568, %dma_wait3A_569] : memref<31x8x128xf32, #tpu.memory_space<vmem>> -> memref<15x8x128xf32, #tpu.memory_space<vmem>>
      %dma_wait3A_571 = arith.constant 0 : i32
      %dma_wait3A_572 = arith.constant 0 : i32
      %dma_wait3A_573 = tpu.memref_slice %arg8[%add3A_519, %dma_wait3A_571, %dma_wait3A_572] : memref<225x8x128xf32, #tpu.memory_space<hbm>> -> memref<15x8x128xf32, #tpu.memory_space<hbm>>
      %dma_wait3A_574 = arith.constant 0 : i32
      %dma_wait3A_575 = arith.constant 0 : i32
      %dma_wait3A_576 = tpu.memref_slice %arg8[%add3A_519, %dma_wait3A_574, %dma_wait3A_575] : memref<225x8x128xf32, #tpu.memory_space<hbm>> -> memref<15x8x128xf32, #tpu.memory_space<hbm>>
      %dma_wait3A_577 = arith.constant 0 : i32
      %dma_wait3A_578 = arith.constant 0 : i32
      %dma_wait3A_579 = arith.constant 0 : i32
      %dma_wait3A_580 = tpu.memref_slice %arg12[%dma_wait3A_577, %dma_wait3A_578, %dma_wait3A_579] : memref<31x8x128xf32, #tpu.memory_space<vmem>> -> memref<15x8x128xf32, #tpu.memory_space<vmem>>
      tpu.wait_dma2 semaphore(%arg18 : memref<!tpu.dma_semaphore, #tpu.memory_space<semaphore_mem>>) src(%dma_wait3A_580 : memref<15x8x128xf32, #tpu.memory_space<vmem>>) dst(%dma_wait3A_576 : memref<15x8x128xf32, #tpu.memory_space<hbm>>)
    } else {
    }
    %not3A_524 = arith.constant true
    %not3A_525 = arith.xori %and3A_510, %not3A_524 : i1
    %and3A_526 = arith.andi %and3A_515, %not3A_525 : i1
    %convert_element_type3A_527 = arith.extui %and3A_526 : i1 to i32
    %cond3A_528 = arith.constant 0 : i32
    %cond3A_529 = arith.cmpi ne, %convert_element_type3A_527, %cond3A_528 : i32
    scf.if %cond3A_529 {
      %add3A_534 = arith.constant 0 : i32
      %add3A_535 = arith.addi %add3A_519, %add3A_534 : i32
      "tpu.region"() ({
        %run_scoped3A = tpu.sem_alloc : memref<!tpu.dma_semaphore, #tpu.memory_space<semaphore_mem>>
        %dma_start3A_536 = arith.constant 0 : i32
        %dma_start3A_537 = arith.constant 0 : i32
        %dma_start3A_538 = arith.constant 0 : i32
        %dma_start3A_539 = tpu.memref_slice %arg13[%dma_start3A_536, %dma_start3A_537, %dma_start3A_538] : memref<16x8x128xf32, #tpu.memory_space<vmem>> -> memref<15x8x128xf32, #tpu.memory_space<vmem>>
        %dma_start3A_540 = arith.constant 0 : i32
        %dma_start3A_541 = arith.constant 0 : i32
        %dma_start3A_542 = tpu.memref_slice %arg8[%add3A_535, %dma_start3A_540, %dma_start3A_541] : memref<225x8x128xf32, #tpu.memory_space<hbm>> -> memref<15x8x128xf32, #tpu.memory_space<hbm>>
        %dma_start3A_543 = arith.constant 0 : i32
        %dma_start3A_544 = arith.constant 0 : i32
        %dma_start3A_545 = tpu.memref_slice %arg8[%add3A_535, %dma_start3A_543, %dma_start3A_544] : memref<225x8x128xf32, #tpu.memory_space<hbm>> -> memref<15x8x128xf32, #tpu.memory_space<hbm>>
        %dma_start3A_546 = arith.constant 0 : i32
        %dma_start3A_547 = arith.constant 0 : i32
        %dma_start3A_548 = arith.constant 0 : i32
        %dma_start3A_549 = tpu.memref_slice %arg13[%dma_start3A_546, %dma_start3A_547, %dma_start3A_548] : memref<16x8x128xf32, #tpu.memory_space<vmem>> -> memref<15x8x128xf32, #tpu.memory_space<vmem>>
        tpu.enqueue_dma source(%dma_start3A_549 : memref<15x8x128xf32, #tpu.memory_space<vmem>>) target(%dma_start3A_545 : memref<15x8x128xf32, #tpu.memory_space<hbm>>) target_semaphore(%run_scoped3A : memref<!tpu.dma_semaphore, #tpu.memory_space<semaphore_mem>>)
        %dma_wait3A_550 = arith.constant 0 : i32
        %dma_wait3A_551 = arith.constant 0 : i32
        %dma_wait3A_552 = arith.constant 0 : i32
        %dma_wait3A_553 = tpu.memref_slice %arg13[%dma_wait3A_550, %dma_wait3A_551, %dma_wait3A_552] : memref<16x8x128xf32, #tpu.memory_space<vmem>> -> memref<15x8x128xf32, #tpu.memory_space<vmem>>
        %dma_wait3A_554 = arith.constant 0 : i32
        %dma_wait3A_555 = arith.constant 0 : i32
        %dma_wait3A_556 = tpu.memref_slice %arg8[%add3A_535, %dma_wait3A_554, %dma_wait3A_555] : memref<225x8x128xf32, #tpu.memory_space<hbm>> -> memref<15x8x128xf32, #tpu.memory_space<hbm>>
        %dma_wait3A_557 = arith.constant 0 : i32
        %dma_wait3A_558 = arith.constant 0 : i32
        %dma_wait3A_559 = tpu.memref_slice %arg8[%add3A_535, %dma_wait3A_557, %dma_wait3A_558] : memref<225x8x128xf32, #tpu.memory_space<hbm>> -> memref<15x8x128xf32, #tpu.memory_space<hbm>>
        %dma_wait3A_560 = arith.constant 0 : i32
        %dma_wait3A_561 = arith.constant 0 : i32
        %dma_wait3A_562 = arith.constant 0 : i32
        %dma_wait3A_563 = tpu.memref_slice %arg13[%dma_wait3A_560, %dma_wait3A_561, %dma_wait3A_562] : memref<16x8x128xf32, #tpu.memory_space<vmem>> -> memref<15x8x128xf32, #tpu.memory_space<vmem>>
        tpu.wait_dma2 semaphore(%run_scoped3A : memref<!tpu.dma_semaphore, #tpu.memory_space<semaphore_mem>>) src(%dma_wait3A_563 : memref<15x8x128xf32, #tpu.memory_space<vmem>>) dst(%dma_wait3A_559 : memref<15x8x128xf32, #tpu.memory_space<hbm>>)
        tpu.yield
      }) : () -> ()
    } else {
    }
    %eq3A = arith.constant 31 : i32
    %eq3A_530 = arith.cmpi eq, %add3A, %eq3A : i32
    %convert_element_type3A_531 = arith.extui %eq3A_530 : i1 to i32
    %cond3A_532 = arith.constant 0 : i32
    %cond3A_533 = arith.cmpi ne, %convert_element_type3A_531, %cond3A_532 : i32
    scf.if %cond3A_533 {
      %mul3A_534 = arith.constant 25 : i32
      %mul3A_535 = arith.muli %mul3A_534, %reduce_max3A_7 : i32
      %add3A_536 = arith.addi %mul3A_535, %reduce_max3A_19 : i32
      "tpu.region"() ({
        %run_scoped3A = tpu.sem_alloc : memref<!tpu.dma_semaphore, #tpu.memory_space<semaphore_mem>>
        %dma_start3A_537 = arith.constant 0 : i32
        %dma_start3A_538 = arith.constant 0 : i32
        %dma_start3A_539 = arith.constant 0 : i32
        %dma_start3A_540 = tpu.memref_slice %arg11[%dma_start3A_537, %dma_start3A_538, %dma_start3A_539] : memref<61x8x128xf32, #tpu.memory_space<vmem>> -> memref<1x8x128xf32, #tpu.memory_space<vmem>>
        %dma_start3A_541 = arith.constant 0 : i32
        %dma_start3A_542 = arith.constant 0 : i32
        %dma_start3A_543 = tpu.memref_slice %arg3[%add3A_536, %dma_start3A_541, %dma_start3A_542] : memref<625x8x128xf32, #tpu.memory_space<hbm>> -> memref<1x8x128xf32, #tpu.memory_space<hbm>>
        %dma_start3A_544 = arith.constant 0 : i32
        %dma_start3A_545 = arith.constant 0 : i32
        %dma_start3A_546 = arith.constant 0 : i32
        %dma_start3A_547 = tpu.memref_slice %arg11[%dma_start3A_544, %dma_start3A_545, %dma_start3A_546] : memref<61x8x128xf32, #tpu.memory_space<vmem>> -> memref<1x8x128xf32, #tpu.memory_space<vmem>>
        %dma_start3A_548 = arith.constant 0 : i32
        %dma_start3A_549 = arith.constant 0 : i32
        %dma_start3A_550 = tpu.memref_slice %arg3[%add3A_536, %dma_start3A_548, %dma_start3A_549] : memref<625x8x128xf32, #tpu.memory_space<hbm>> -> memref<1x8x128xf32, #tpu.memory_space<hbm>>
        tpu.enqueue_dma source(%dma_start3A_550 : memref<1x8x128xf32, #tpu.memory_space<hbm>>) target(%dma_start3A_547 : memref<1x8x128xf32, #tpu.memory_space<vmem>>) target_semaphore(%run_scoped3A : memref<!tpu.dma_semaphore, #tpu.memory_space<semaphore_mem>>)
        %dma_wait3A_551 = arith.constant 0 : i32
        %dma_wait3A_552 = arith.constant 0 : i32
        %dma_wait3A_553 = arith.constant 0 : i32
        %dma_wait3A_554 = tpu.memref_slice %arg11[%dma_wait3A_551, %dma_wait3A_552, %dma_wait3A_553] : memref<61x8x128xf32, #tpu.memory_space<vmem>> -> memref<1x8x128xf32, #tpu.memory_space<vmem>>
        %dma_wait3A_555 = arith.constant 0 : i32
        %dma_wait3A_556 = arith.constant 0 : i32
        %dma_wait3A_557 = tpu.memref_slice %arg3[%add3A_536, %dma_wait3A_555, %dma_wait3A_556] : memref<625x8x128xf32, #tpu.memory_space<hbm>> -> memref<1x8x128xf32, #tpu.memory_space<hbm>>
        %dma_wait3A_558 = arith.constant 0 : i32
        %dma_wait3A_559 = arith.constant 0 : i32
        %dma_wait3A_560 = arith.constant 0 : i32
        %dma_wait3A_561 = tpu.memref_slice %arg11[%dma_wait3A_558, %dma_wait3A_559, %dma_wait3A_560] : memref<61x8x128xf32, #tpu.memory_space<vmem>> -> memref<1x8x128xf32, #tpu.memory_space<vmem>>
        %dma_wait3A_562 = arith.constant 0 : i32
        %dma_wait3A_563 = arith.constant 0 : i32
        %dma_wait3A_564 = tpu.memref_slice %arg3[%add3A_536, %dma_wait3A_562, %dma_wait3A_563] : memref<625x8x128xf32, #tpu.memory_space<hbm>> -> memref<1x8x128xf32, #tpu.memory_space<hbm>>
        tpu.wait_dma2 semaphore(%run_scoped3A : memref<!tpu.dma_semaphore, #tpu.memory_space<semaphore_mem>>) src(%dma_wait3A_564 : memref<1x8x128xf32, #tpu.memory_space<hbm>>) dst(%dma_wait3A_561 : memref<1x8x128xf32, #tpu.memory_space<vmem>>)
        tpu.yield
      }) : () -> ()
      "tpu.region"() ({
        %run_scoped3A = tpu.sem_alloc : memref<!tpu.dma_semaphore, #tpu.memory_space<semaphore_mem>>
        %dma_start3A_537 = arith.constant 0 : i32
        %dma_start3A_538 = arith.constant 0 : i32
        %dma_start3A_539 = arith.constant 0 : i32
        %dma_start3A_540 = tpu.memref_slice %arg11[%dma_start3A_537, %dma_start3A_538, %dma_start3A_539] : memref<61x8x128xf32, #tpu.memory_space<vmem>> -> memref<1x8x128xf32, #tpu.memory_space<vmem>>
        %dma_start3A_541 = arith.constant 0 : i32
        %dma_start3A_542 = arith.constant 0 : i32
        %dma_start3A_543 = arith.constant 0 : i32
        %dma_start3A_544 = tpu.memref_slice %arg11[%dma_start3A_541, %dma_start3A_542, %dma_start3A_543] : memref<61x8x128xf32, #tpu.memory_space<vmem>> -> memref<1x8x128xf32, #tpu.memory_space<vmem>>
        tpu.enqueue_dma source(%dma_start3A_544 : memref<1x8x128xf32, #tpu.memory_space<vmem>>) target(%arg9 : memref<1x8x128xf32, #tpu.memory_space<hbm>>) target_semaphore(%run_scoped3A : memref<!tpu.dma_semaphore, #tpu.memory_space<semaphore_mem>>)
        %dma_wait3A_545 = arith.constant 0 : i32
        %dma_wait3A_546 = arith.constant 0 : i32
        %dma_wait3A_547 = arith.constant 0 : i32
        %dma_wait3A_548 = tpu.memref_slice %arg11[%dma_wait3A_545, %dma_wait3A_546, %dma_wait3A_547] : memref<61x8x128xf32, #tpu.memory_space<vmem>> -> memref<1x8x128xf32, #tpu.memory_space<vmem>>
        %dma_wait3A_549 = arith.constant 0 : i32
        %dma_wait3A_550 = arith.constant 0 : i32
        %dma_wait3A_551 = arith.constant 0 : i32
        %dma_wait3A_552 = tpu.memref_slice %arg11[%dma_wait3A_549, %dma_wait3A_550, %dma_wait3A_551] : memref<61x8x128xf32, #tpu.memory_space<vmem>> -> memref<1x8x128xf32, #tpu.memory_space<vmem>>
        tpu.wait_dma2 semaphore(%run_scoped3A : memref<!tpu.dma_semaphore, #tpu.memory_space<semaphore_mem>>) src(%dma_wait3A_552 : memref<1x8x128xf32, #tpu.memory_space<vmem>>) dst(%arg9 : memref<1x8x128xf32, #tpu.memory_space<hbm>>)
        tpu.yield
      }) : () -> ()
    } else {
    }
    return
  }
}

</mosaic_0001>

<sc_bundles>
// kernel: kernel.3.cloned.1.call-start
scs
__scs_entry_jumppad:
0x0: {  	(pc) =	sbr.rel $0x88, $3  }
0x1: {  	(tag) =	ssettag $0x0;
	lr =	simm.s32 $0x1  }
0x2: {  	[smem:$0x3F9E] =	sst lr;
	_ =	strace $0xD0000000  }
0x3: {  	_ = 	snop  }
0x4: {  	_ = 	snop  }
0x5: {  	_ = 	snop  }
0x6: {  	_ = 	snop  }
0x7: {  	_ = 	snop  }
__scs_overlays_trampoline_lowered:
0x8: {  	[smem:$0x3FAD] =	sst s0  }
0x9: {  	[smem:$0x3FAE] =	sst s1  }
0xa: {  	[smem:$0x3FAF] =	sst s2  }
0xb: {  	[smem:$0x3FB0] =	sst s3  }
0xc: {  	[smem:$0x3FB1] =	sst s4  }
0xd: {  	[smem:$0x3FB2] =	sst s5  }
0xe: {  	[smem:$0x3FB3] =	sst s6  }
0xf: {  	[smem:$0x3FB4] =	sst s7  }
0x10: {  	[smem:$0x3FB5] =	sst s8  }
0x11: {  	[smem:$0x3FB6] =	sst s9;
	s0 =	simm.s32 @!p0 $0x0  }
0x12: {  	s1 =	sld [smem:$0x3F9C];
	s0 =	simm.s32 @p0 $0x1  }
0x13: {  	[smem:$0x3FB7] =	sst s0;
	s0 =	simm.s32 @!p1 $0x0  }
0x14: {  	s2 =	sld [smem:$0x3F9B];
	s0 =	simm.s32 @p1 $0x1  }
0x15: {  	[smem:$0x3FB8] =	sst s0;
	s0 =	simm.s32 @!p2 $0x0  }
0x16: {  	s3 =	sld [smem:$0x3FDB];
	s0 =	simm.s32 @p2 $0x1  }
0x17: {  	s4 =	simm.s32 $0x1BF5;
	[smem:$0x3FBA] =	sst s0  }
0x18: {  	s0 =	sld [smem:$0x3F9D];
	_ =	swait.ge [sflag:s4], $0x0  }
0x19: {  	s7 =	sld [smem:$0x3F9E]  }
0x1a: {  	s8 =	sadd.s32 $0xFFFFE003, lr  }
0x1b: {  	s9 =	sadd.s32 $0xFFFFFEF7, lr;
	s5 =	simm.s32 $0xFFFFFFFF;
	p2 =	slt.u32 s8, $0xFFFFF086  }
0x1c: {  	p1 =	slt.u32 s9, $0xF7A;
	s5 =	simm.s32 @!p2 $0x0  }
0x1d: {  	s5 =	simm.s32 @p1 $0x1;
	p0 =	seq.s32 s7, s2  }
0x1e: {  	s7 =	smul.u32 @!p0 $0xF7A, s2;
	p2 =	seq.s32 @!p0 s5, $0x0  }
0x1f: {  	s9 =	smul.u32 $0xF7A, s1;
	s8 =	simm.s32 @!p0 $0x1BF5;
	p2 =	por !p2, p0  }
0x20: {  	[sflag:s8] =	ssyncset.s32 @!p0 $0xFFFFF086;
	s6 =	sadd.s32 @!p0 s3, s7;
	s7 =	simm.s32 @!p0 $0x108  }
0x21: {  	s3 =	sadd.s32 s3, s9;
	s6 =	sadd.s32 @!p0 $0x88, s6;
	s7 =	simm.s32 @p2 $0x1082  }
0x22: {  	[simem:s7], [sflag:s8] =	dma.local @!p0 [hbm:s6], $0xF7A  }
0x23: {  	s9 =	sor.u32 $0xD0000000, s2;
	s6 =	simm.s32 $0x108;
	_ =	swait.ge @!p0 [sflag:s8], $0x0  }
0x24: {  	s3 =	sadd.s32 $0x88, s3;
	s6 =	simm.s32 @!p1 $0x1082;
	[sflag:s4] =	ssyncset.s32 $0xFFFFF086  }
0x25: {  	[simem:s6], [sflag:s4] =	dma.local [hbm:s3], $0xF7A  }
0x26: {  	[smem:$0x3F9E] =	sst s1;
	(tag) =	ssettag s2;
	_ =	strace s9  }
0x27: {  	s1 =	sld [smem:$0x3FAE]  }
0x28: {  	s2 =	sld [smem:$0x3FAF]  }
0x29: {  	s4 =	sld [smem:$0x3FB1]  }
0x2a: {  	p0 =	seq.s32 s5, $0x0;
	s5 =	sld [smem:$0x3FB2]  }
0x2b: {  	s6 =	sld [smem:$0x3FB3]  }
0x2c: {  	s7 =	sld [smem:$0x3FB4]  }
0x2d: {  	s3 =	simm.s32 $0x108;
	s8 =	sld [smem:$0x3FB5]  }
0x2e: {  	s3 =	simm.s32 @!p0 $0x1082;
	s9 =	sld [smem:$0x3FB6]  }
0x2f: {  	lr =	sadd.s32 s0, s3;
	s0 =	sld [smem:$0x3FAD]  }
0x30: {  	s3 =	sld [smem:$0x3FB0]  }
0x31: {  	[smem:$0x3FB9] =	sst s10  }
0x32: {  	s10 =	sld [smem:$0x3FB7];
	_ =	sdelay $0x3  }
0x33: {  	p0 =	seq.s32 s10, $0x1;
	s10 =	sld [smem:$0x3FB9];
	_ =	sdelay $0x3  }
0x34: {  	[smem:$0x3FB9] =	sst s10  }
0x35: {  	s10 =	sld [smem:$0x3FB8];
	_ =	sdelay $0x3  }
0x36: {  	p1 =	seq.s32 s10, $0x1;
	s10 =	sld [smem:$0x3FB9];
	_ =	sdelay $0x3  }
0x37: {  	[smem:$0x3FB9] =	sst s10  }
0x38: {  	s10 =	sld [smem:$0x3FBA]  }
0x39: {  	_ = 	snop;
	(pc) =	sbr.ind lr, $3  }
0x3a: {  	_ = 	snop  }
0x3b: {  	_ = 	snop  }
0x3c: {  	p2 =	seq.s32 s10, $0x1;
	s10 =	sld [smem:$0x3FB9]  }
0x3d: {  	_ =	shalt  }
0x3e: {  	_ =	shalt  }
0x3f: {  	_ =	shalt  }
0x40: {  	_ =	shalt  }
0x41: {  	_ =	shalt  }
0x42: {  	_ =	shalt  }
0x43: {  	_ =	shalt  }
0x44: {  	_ =	shalt  }
0x45: {  	_ =	shalt  }
0x46: {  	_ =	shalt  }
0x47: {  	_ =	shalt  }
0x48: {  	_ =	shalt  }
0x49: {  	_ =	shalt  }
0x4a: {  	_ =	shalt  }
0x4b: {  	_ =	shalt  }
0x4c: {  	_ =	shalt  }
0x4d: {  	_ =	shalt  }
0x4e: {  	_ =	shalt  }
0x4f: {  	_ =	shalt  }
0x50: {  	_ =	shalt  }
0x51: {  	_ =	shalt  }
0x52: {  	_ =	shalt  }
0x53: {  	_ =	shalt  }
0x54: {  	_ =	shalt  }
0x55: {  	_ =	shalt  }
0x56: {  	_ =	shalt  }
0x57: {  	_ =	shalt  }
0x58: {  	_ =	shalt  }
0x59: {  	_ =	shalt  }
0x5a: {  	_ =	shalt  }
0x5b: {  	_ =	shalt  }
0x5c: {  	_ =	shalt  }
0x5d: {  	_ =	shalt  }
0x5e: {  	_ =	shalt  }
0x5f: {  	_ =	shalt  }
0x60: {  	_ =	shalt  }
0x61: {  	_ =	shalt  }
0x62: {  	_ =	shalt  }
0x63: {  	_ =	shalt  }
0x64: {  	_ =	shalt  }
0x65: {  	_ =	shalt  }
0x66: {  	_ =	shalt  }
0x67: {  	_ =	shalt  }
0x68: {  	_ =	shalt  }
0x69: {  	_ =	shalt  }
0x6a: {  	_ =	shalt  }
0x6b: {  	_ =	shalt  }
0x6c: {  	_ =	shalt  }
0x6d: {  	_ =	shalt  }
0x6e: {  	_ =	shalt  }
0x6f: {  	_ =	shalt  }
0x70: {  	_ =	shalt  }
0x71: {  	_ =	shalt  }
0x72: {  	_ =	shalt  }
0x73: {  	_ =	shalt  }
0x74: {  	_ =	shalt  }
0x75: {  	_ =	shalt  }
0x76: {  	_ =	shalt  }
0x77: {  	_ =	shalt  }
0x78: {  	_ =	shalt  }
0x79: {  	_ =	shalt  }
0x7a: {  	_ =	shalt  }
0x7b: {  	_ =	shalt  }
0x7c: {  	_ =	shalt  }
0x7d: {  	_ =	shalt  }
0x7e: {  	_ =	shalt  }
0x7f: {  	_ =	shalt  }
0x80: {  	_ =	shalt  }
0x81: {  	_ =	shalt  }
0x82: {  	_ =	shalt  }
0x83: {  	_ =	shalt  }
0x84: {  	_ =	shalt  }
0x85: {  	_ =	shalt  }
0x86: {  	_ =	shalt  }
0x87: {  	_ =	shalt  }
.Lfunc_end0:
.L_simem_size_0:
called_computation_lowered:
.L_overlay_start_0:
0x88: {  	s2 =	sld [smem:$0x3FD9]  }
0x89: {  	s3 =	sld [smem:$0x3FFE];
	_ =	sdelay $0x1  }
0x8a: {  	s1 =	srdreg.scid  }
0x8b: {  	s0 =	sand.u32 $0x1, s1  }
0x8c: {  	s14 =	sshll.u32 s0, $0xA;
	s2 =	sadd.s32 s3, s2  }
0x8d: {  	s2 =	sadd.s32 s2, s14  }
0x8e: {  	[smem:$0x3FC5] =	sst s2  }
0x8f: {  	_ = 	snop  }
0x90: {  	s2 =	sld [smem:$0x3FD0];
	_ =	sdelay $0x1  }
0x91: {  	s15 =	sld [smem:$0x3FC9]  }
0x92: {  	s5 =	simm.s32 $0xA;
	s6 =	simm.s32 $0x10;
	s4 =	sld [smem:$0x3FC8]  }
0x93: {  	[smem:s6], [sflag:s5] =	dma.local [hbm:s2], $0x1  }
0x94: {  	_ =	swait.eq [sflag:s5], $0x1  }
0x95: {  	s16 =	sld [smem:$0x10];
	[sflag:s5] =	ssyncset.done $0x0  }
0x96: {  	s17 =	sld [smem:$0x11];
	[sflag:s5] =	ssyncadd.s32 $0xFFFFFFFF  }
0x97: {  	s18 =	sld [smem:$0x12];
	(tm) =	ssettm $0x1  }
0x98: {  	s7 =	sld [smem:$0x3FFB];
	_ =	sdelay $0x3  }
0x99: {  	_ =	strace s7  }
0x9a: {  	s7 =	sld [smem:$0x3FFC];
	_ =	sdelay $0x3  }
0x9b: {  	_ =	strace s7  }
0x9c: {  	s7 =	sld [smem:$0x3FFD];
	_ =	sdelay $0x3  }
0x9d: {  	_ =	strace s7  }
0x9e: {  	_ =	strace $0x8FFFFFFF  }
0x9f: {  	s19 =	sld [smem:$0x3FDB];
	_ =	sdelay $0x1  }
0xa0: {  	s8 =	simm.s32 $_scs_section_size  }
0xa1: {  	s9 =	simm.s32 $_size__tile_overlayer_lowered;
	s10 =	simm.s32 $_tile_overlayer_lowered  }
0xa2: {  	s22 =	simm.s32 $0x1BFF;
	s21 =	sshll.u32 s10, $0x1;
	s7 =	sadd.s32 s8, s19  }
0xa3: {  	s11 =	simm.s32 $0x0;
	s20 =	sshll.u32 s9, $0x1;
	s9 =	sadd.s32 s21, s7  }
0xa4: {  	[timem:s11], [sflag:s22] =	dma.local [hbm:s9], s20  }
0xa5: {  	_ =	swait.ge [sflag:s22], s20  }
0xa6: {  	s8 =	ssub.s32 $0x0, s20;
	[sflag:s22] =	ssyncset.done $0x0  }
0xa7: {  	[sflag:s22] =	ssyncadd.s32 s8;
	_ =	sdelay $0x1  }
0xa8: {  	s23 =	simm.s32 $0x1B8B  }
0xa9: {  	_ =	swait.ge [sflag:s23], $0x1  }
0xaa: {  	[sflag:s23] =	ssyncset.done $0x0  }
0xab: {  	s25 =	simm.s32 $0x1B8E;
	s24 =	sld [smem:$0x3FFE];
	[sflag:s23] =	ssyncadd.s32 $0xFFFFFFFF  }
0xac: {  	s26 =	simm.s32 $execute0_lowered;
	[smem:$0x3FD2] =	sst s25  }
0xad: {  	s9 =	sshll.u32 s26, $0x1;
	_ =	strace $0x80000046;
	[dreg:$0x1] =	wrdreg $0xFFFFFFFF  }
0xae: {  	s28 =	simm.s32 $_size_execute0_lowered;
	s7 =	sadd.s32 s7, s9;
	[dreg:$0x0] =	wrdreg $0x0  }
0xaf: {  	s9 =	sshll.u32 s28, $0x1;
	[dreg:$0x2] =	wrdreg s7  }
0xb0: {  	[dreg:$0x3] =	wrdreg s9  }
0xb1: {  	[dreg:$0x4] =	wrdreg $0xC0  }
0xb2: {  	_ =	task [dreg:s11], $0x5FFFF  }
0xb3: {  	[dreg:$0x1] =	wrdreg $0xFFFFFFFF  }
0xb4: {  	[dreg:$0x0] =	wrdreg $0x60  }
0xb5: {  	[dreg:$0x2] =	wrdreg s15  }
0xb6: {  	[dreg:$0x3] =	wrdreg s4  }
0xb7: {  	[dreg:$0x4] =	wrdreg s24  }
0xb8: {  	[dreg:$0x5] =	wrdreg s16  }
0xb9: {  	[dreg:$0x6] =	wrdreg s17  }
0xba: {  	[dreg:$0x7] =	wrdreg s18  }
0xbb: {  	[dreg:$0x8] =	wrdreg $0x9  }
0xbc: {  	_ =	task.clear_ibuf [dreg:s11], $0x9FFFF;
	_ =	strace $0x90000046  }
0xbd: {  	s29 =	simm.s32 $0x9;
	_ =	strace $0x80000048  }
0xbe: {  	_ =	swait.ge [sflag:s29], $0x1  }
0xbf: {  	[sflag:s29] =	ssyncadd.s32 $0xFFFFFFFF  }
0xc0: {  	_ =	strace $0x90000048  }
0xc1: {  	_ =	sfence  }
0xc2: {  	s30 =	sld [smem:$0x0];
	_ =	sdelay $0x2  }
0xc3: {  	s31 =	sshll.u32 s1, $0xD;
	s1 =	sshrl.u32 s1, $0x2  }
0xc4: {  	s3 =	sand.u32 $0x4000, s31;
	s1 =	sadd.s32 s1, s30  }
0xc5: {  	s0 =	sor.u32 s3, s0;
	s1 =	sshll.u32 s1, $0x11  }
0xc6: {  	s0 =	sor.u32 s1, s0  }
0xc7: {  	s0 =	sadd.s32 $0x8F2B, s0  }
0xc8: {  	[sflag:s0] =	ssyncadd.remote.s32 $0x1  }
0xc9: {  	_ =	sfence.sel $0xFFFF  }
0xca: {  	[dreg:$0x0] =	wrdreg $0xFFFFFFFF;
	(pc) =	sbr.abs _section_cstart, $3  }
0xcb: {  	[dreg:$0x1] =	wrdreg $0xFFFFFFFF  }
0xcc: {  	_ =	task.clear_ibuf [dreg:s11], $0x2FFFF;
	_ =	strace $0x9FFFFFFF  }
0xcd: {  	(tm) =	ssettm $0x7FFFFFFF  }
tec
execute0_lowered:
.L_overlay_start_1:
0x0: {  	(tag) =	ssettag $0x1  }
0x1: {  	s1 =	rddreg [dreg:$0x0]  }
0x2: {  	s31 =	rddreg [dreg:$0x1]  }
0x3: {  	s0 =	rddreg [dreg:$0x2]  }
0x4: {  	s2 =	rddreg [dreg:$0x3]  }
0x5: {  	s3 =	rddreg [dreg:$0x4]  }
0x6: {  	s25 =	rddreg [dreg:$0x5];
	s4 =	simm.s32 $0x0;
	s5 =	srdreg.scid  }
0x7: {  	s8 =	stileid.u32;
	s28 =	simm.s32 $0x4;
	s29 =	simm.s32 $0x1B080  }
0x8: {  	s30 =	simm.s32 $0x1B100;
	[smem:$0x7FF] =	sst s4;
	s5 =	sand.u32 $0x1, s5  }
0x9: {  	s6 =	sadd.s32 $0xA00, s0;
	s7 =	sadd.s32 $0xC00, s0;
	s0 =	sadd.s32 $0x1400, s0  }
0xa: {  	_ =	strace $0x80000047;
	[dreg:$0x7] =	wrdreg s6;
	s22 =	sshll.u32 s5, $0x4  }
0xb: {  	s5 =	ssub.s32 $0x2, s5;
	[dreg:$0x8] =	wrdreg s0;
	s8 =	sor.u32 s8, s22  }
0xc: {  	s23 =	sshrl.u32 s5, $0x1;
	s6 =	smin.u32 s8, $0x1C;
	s24 =	smul.u32 $0xF400, s8  }
0xd: {  	s0 =	ssub.s32 s5, s23;
	s26 =	smin.u32 s8, $0xD;
	s13 =	smul.u32 $0x1E80, s8  }
0xe: {  	s9 =	sadd.s32 $0xFFFFFFF8, s8;
	s12 =	sadd.s32 $0xFFFFFFE1, s8;
	s14 =	smul.u32 $0x7C00, s8  }
0xf: {  	p3 =	seq.s32 s8, $0x1F;
	s16 =	smul.u32 $0xF80, s8;
	p0 =	sne.s32 s8, $0x1F  }
0x10: {  	s10 =	sor.u32 $0x20, s6;
	[dreg:$0x9] =	wrdreg s9;
	s19 =	sadd.s32 $0x1, s26  }
0x11: {  	s0 =	smax.u32 s0, $0x1;
	s5 =	sshrl.u32 s24, $0x3;
	s18 =	smul.u32 $0xF400, s10  }
0x12: {  	s9 =	sadd.s32 s2, s13;
	s17 =	sshrl.u32 s14, $0x3;
	s20 =	smul.u32 $0x1E80, s10  }
0x13: {  	s22 =	smul.u32 $0x780, s19;
	[dreg:$0x15] =	wrdreg s0;
	s0 =	simm.s32 @!p0 $0x0  }
0x14: {  	[dreg:$0xa] =	wrdreg s9;
	s5 =	sadd.s32 s2, s5;
	s0 =	simm.s32 @p0 $0x1  }
0x15: {  	s14 =	simm.s32 $0xF480;
	s11 =	sadd.s32 $0x800, s5;
	[smem:$0x7FC] =	sst s0  }
0x16: {  	s15 =	sadd.s32 $0x1000, s5;
	s5 =	sadd.s32 $0x1800, s5;
	[dreg:$0xb] =	wrdreg s11  }
0x17: {  	s21 =	sshrl.u32 s18, $0x3;
	s26 =	sadd.s32 s25, s22;
	[dreg:$0xc] =	wrdreg s15  }
0x18: {  	s0 =	simm.s32 $0x80;
	s18 =	simm.s32 $0x0;
	[dreg:$0xd] =	wrdreg s5  }
0x19: {  	s11 =	sadd.s32 s3, s16;
	s3 =	sadd.s32 s3, s17;
	[dreg:$0x14] =	wrdreg s26  }
0x1a: {  	s5 =	sadd.s32 s2, s20;
	s2 =	sadd.s32 s2, s21;
	[dreg:$0xe] =	wrdreg s11  }
0x1b: {  	s26 =	simm.s32 $0x17080;
	s3 =	sadd.s32 $0x800, s3;
	[dreg:$0x10] =	wrdreg s5  }
.Ltmp0:
0x1c: {  	s23 =	sadd.s32 $0x800, s2;
	[dreg:$0xf] =	wrdreg s3;
	(pc) =	sbr.rel .LBB2_1-.Ltmp0, $4  }
0x1d: {  	s24 =	sadd.s32 $0x1000, s2;
	s2 =	sadd.s32 $0x1800, s2;
	[dreg:$0x11] =	wrdreg s23  }
0x1e: {  	s15 =	simm.s32 $0x2;
	[dreg:$0x13] =	wrdreg s2;
	s2 =	simm.s32 @!p3 $0x0  }
0x1f: {  	v0 =	vlaneseq.u32;
	v2 =	vimm.s32 $0x0;
	s16 =	simm.s32 $0x3;
	[dreg:$0x12] =	wrdreg s24;
	s2 =	simm.s32 @p3 $0x1  }
0x20: {  	v1 =	vor.u32 $0x10, v0;
	v3 =	vor.u32 $0x20, v0;
	v4 =	vor.u32 $0x30, v0;
	s5 =	simm.s32 $0x1;
	s24 =	simm.s32 $0x1F;
	[smem:$0x7FD] =	sst s2  }
.LBB2_54:
0x21: {  	s2 =	rddreg [dreg:$0x14];
	s3 =	simm.s32 $0x4  }
0x22: {  	[hbm4b:s2+s4] =	stream.linear.scatter [tilespmem:s26], [sflag:$0x4], $0x3C00, $0x38;
	[tilespmem:$0x1B180] =	vst v63  }
.LBB2_55:
0x23: {  	s6 =	smul.u32 @p4 $0x19, s22;
	_ =	sdelay $0x1  }
0x24: {  	_ =	swait.ge [sflag:s3], $0x3C00;
	s6 =	sadd.s32 @p4 s21, s6  }
0x25: {  	[sflag:s3] =	ssyncset.done $0x0;
	s6 =	sshll.u32 @p4 s6, $0x7  }
0x26: {  	[sflag:s3] =	ssyncadd.s32 $0xFFFFC400;
	s3 =	sand.u32 @p4 $0x1FFFFF80, s6  }
0x27: {  	s9 =	simm.s32 @p4 $0x80;
	s6 =	simm.s32 @p4 $0x0;
	s3 =	sadd.s32 @p4 s31, s3  }
0x28: {  	[tilespmem:s9], [sflag:$0x4] =	stream.linear.gather @p4 [hbm4b:s3+s6], $0x400, $0x38;
	[tilespmem:$0x1B180] =	vst v63  }
0x29: {  	s3 =	simm.s32 @p4 $0x4  }
0x2a: {  	_ =	swait.ge @p4 [sflag:s3], $0x400  }
0x2b: {  	[sflag:s3] =	ssyncset.done @p4 $0x0  }
0x2c: {  	s2 =	rddreg [dreg:$0x8];
	[sflag:s3] =	ssyncadd.s32 @p4 $0xFFFFFC00  }
0x2d: {  	[hbm4b:s2+s6] =	stream.linear.scatter @p4 [tilespmem:s9], [sflag:$0x4], $0x400, $0x38;
	[tilespmem:$0x1B180] =	vst v63  }
0x2e: {  	_ =	swait.ge @p4 [sflag:s3], $0x400  }
0x2f: {  	s18 =	sadd.s32 $0x1, s18;
	s23 =	rddreg [dreg:$0x15]  }
0x30: {  	p0 =	sne.s32 s18, s23  }
.Ltmp1:
0x31: {  	_ = 	snop;
	(pc) =	sbr.rel @!p0 .LBB2_56-.Ltmp1, $3  }
0x32: {  	_ =	sdelay $0x1  }
0x33: {  	[sflag:s3] =	ssyncset.done @p4 $0x0  }
0x34: {  	[sflag:s3] =	ssyncadd.s32 @p4 $0xFFFFFC00  }
.LBB2_1:
0x35: {  	[tilespmem:s26], [sflag:$0x4] =	stream.linear.gather [hbm4b:s7+s4], $0x4000, $0x38;
	[tilespmem:$0x1B180] =	vst v63  }
0x36: {  	_ =	swait.ge [sflag:s28], $0x4000  }
0x37: {  	[sflag:s28] =	ssyncset.done $0x0  }
0x38: {  	s2 =	rddreg [dreg:$0x7];
	[sflag:s28] =	ssyncadd.s32 $0xFFFFC000  }
0x39: {  	[tilespmem:s4], [sflag:$0x4] =	stream.linear.gather [hbm4b:s2+s4], $0x80, $0x38;
	[tilespmem:$0x1B180] =	vst v63  }
0x3a: {  	_ =	swait.ge [sflag:s28], $0x80  }
0x3b: {  	[sflag:s28] =	ssyncset.done $0x0  }
0x3c: {  	[sflag:s28] =	ssyncadd.s32 $0xFFFFFF80  }
0x3d: {  	v5 =	vld.idx.msk [tilespmem:v0+s4+$0x0], $0xffff  }
0x3e: {  	v6 =	vld.idx.msk [tilespmem:v1+s4+$0x0], $0xffff;
	_ =	sdelay $0x3  }
0x3f: {  	v5 =	vxor.u32 $0x80000000, v5  }
0x40: {  	(xrf0) =	vmax.scan.msk.u32 $0xffff, v5;
	v5 =	vxor.u32 $0x80000000, v6  }
0x41: {  	(xrf0) =	vmax.scan.msk.u32 $0xffff, v5;
	_ =	sdelay $0x4  }
0x42: {  	v5, _, _ =	vpop (xrf0)  }
0x43: {  	(v2sf) =	vpush v5, $0xF;
	v5, _, _ =	vpop (xrf0)  }
0x44: {  	(v2sf) =	vpush v5, $0xF;
	_ =	sdelay $0xd  }
0x45: {  	s22 =	spop (v2sf)  }
0x46: {  	s21 =	spop (v2sf)  }
0x47: {  	s6 =	sshll.u32 s22, $0x2;
	s3 =	sshll.u32 s21, $0x2  }
0x48: {  	s23 =	sld [smem:$0x7FC];
	s20 =	sadd.s32 $0xFFFFFFF0, s6;
	s6 =	sadd.s32 $0xFFFFFFF0, s3  }
0x49: {  	s17 =	rddreg [dreg:$0x9];
	s9 =	sshll.u32 s22, $0x1;
	s11 =	sadd.s32 s8, s20;
	v5 =	vadd.s32 s6, v0  }
0x4a: {  	[tilespmem:v0+s29+$0x0] =	vst.idx.msk $0xffff, v2;
	s13 =	sadd.s32 s9, s17;
	v7 =	vadd.s32 s6, v1;
	p0 =	sgt.u32 s11, $0x7C;
	vm0 =	vgt.s32 v5, $0x0  }
0x4b: {  	[tilespmem:v1+s29+$0x0] =	vst.idx.msk $0xffff, v2;
	p2 =	seq.s32 s23, $0x1;
	p1 =	slt.u32 s13, $0x7D;
	vm10 =	vgt.s32 v7, $0x0;
	v9 =	vlaneseq.u32 @!p0;
	v5 =	vnsel vm0, $0x0, v5  }
0x4c: {  	[tilespmem:v3+s29+$0x0] =	vst.idx.msk $0xffff, v2;
	p1 =	por !p2, !p1;
	v10 =	vor.u32 @!p0 $0x10, v9;
	v6 =	vmin.u32 v5, $0x7C;
	v5 =	vnsel vm10, $0x0, v7  }
0x4d: {  	[tilespmem:v4+s29+$0x0] =	vst.idx.msk $0x1fff, v2;
	s9 =	smul.u32 @!p0 $0x7D, s11;
	p2 =	por !p1, !p1;
	v11 =	vor.u32 @!p0 $0x20, v9;
	v7 =	vmin.u32 v5, $0x7C;
	v5 =	vadd.s32 s6, v3  }
0x4e: {  	[tilespmem:v0+s30+$0x0] =	vst.idx.msk $0xffff, v2;
	s23 =	sadd.s32 $0x7FFFFFFC, s22;
	v12 =	vadd.s32 s6, v4;
	v13 =	vor.u32 @!p0 $0x30, v9;
	p4 =	sne.s32 @!p2 s8, $0x1F;
	vm11 =	vgt.s32 v5, $0x0  }
0x4f: {  	[tilespmem:v1+s30+$0x0] =	vst.idx.msk $0x7fff, v2;
	vm12 =	vgt.s32 v12, $0x0;
	s11 =	sadd.s32 @!p2 s12, s23;
	p1 =	por p4, p2;
	v14 =	vadd.s32 @!p0 s9, v6;
	s6 =	simm.s32 @!p0 $0x1B080;
	v5 =	vnsel vm11, $0x0, v5  }
0x50: {  	p5 =	sgt.u32 @!p1 s11, $0x7C;
	[tilespmem:v9+s6+$0x0] =	vst.idx.msk @!p0 $0xffff, v14;
	v8 =	vmin.u32 v5, $0x7C;
	v5 =	vnsel vm12, $0x0, v12;
	v12 =	vadd.s32 @!p0 s9, v7  }
0x51: {  	s17 =	sadd.s32 $0x7FFFFFFC, s21;
	s2 =	simm.s32 @!p4 $0x0;
	p1 =	por @!p2 p5, p4;
	v9 =	vmin.u32 v5, $0x7C;
	[tilespmem:v10+s6+$0x0] =	vst.idx.msk @!p0 $0xffff, v12;
	v5 =	vadd.s32 @!p0 s9, v8  }
0x52: {  	s2 =	simm.s32 @p4 $0x1;
	p6 =	por p1, p2;
	v10 =	vadd.s32 s17, v0;
	s17 =	sshll.u32 s21, $0x1;
	[tilespmem:v11+s6+$0x0] =	vst.idx.msk @!p0 $0xffff, v5;
	v5 =	vadd.s32 @!p0 s9, v9  }
0x53: {  	[smem:$0x7FB] =	sst s2;
	v12 =	vlaneseq.u32 @p2;
	s9 =	sadd.s32 $0xFFFFFFF8, s17;
	v11 =	vlaneseq.u32 @!p6;
	[tilespmem:v13+s6+$0x0] =	vst.idx.msk @!p0 $0x1fff, v5;
	s6 =	simm.s32 $0x3D  }
0x54: {  	vm13 =	vgt.s32 v10, $0x0;
	v14 =	vor.u32 @p2 $0x10, v12;
	v5 =	vadd.s32 s9, v0;
	[tilespmem:s0], [sflag:$0x1] =	stream.indirect.gather [hbm4b:s1+s6], $0x400, s29, s6, $0xb8;
	[tilespmem:$0x1B180] =	vst v63  }
0x55: {  	v10 =	vnsel vm13, $0x0, v10;
	v63 =	vadd.s32 s9, v1;
	vm14 =	vgt.s32 v5, $0x0;
	s6 =	smul.u32 @!p6 $0x7D, s11;
	_ =	swait.ge [sflag:s5], $0xF400  }
0x56: {  	s9 =	smul.u32 @p2 $0x7D, s13;
	vm15 =	vgt.s32 v63, $0x0;
	v15 =	vnsel vm14, $0x0, v5;
	v5 =	vmin.u32 v10, $0x7C;
	[sflag:s5] =	ssyncset.done $0x0  }
0x57: {  	v13 =	vnsel vm15, $0x0, v63;
	v10 =	vmin.u32 v15, $0x7C;
	v15 =	vadd.s32 @!p6 s6, v5;
	s6 =	simm.s32 @!p6 $0x1B100;
	[sflag:s5] =	ssyncadd.s32 $0xFFFF0C00  }
0x58: {  	v10 =	vadd.s32 @p2 s9, v10;
	[tilespmem:v11+s6+$0x0] =	vst.idx.msk @!p6 $0x7fff, v15;
	v11 =	vmin.u32 v13, $0x7C;
	s6 =	simm.s32 @p2 $0x1B100  }
.Ltmp2:
0x59: {  	v11 =	vadd.s32 @p2 s9, v11;
	s9 =	ssub.s32 $0x10, s3;
	s3 =	sadd.s32 $0xFFFFFFB0, s3;
	[tilespmem:v12+s6+$0x0] =	vst.idx.msk @p2 $0xffff, v10;
	(pc) =	sbr.rel @!p0 .LBB2_2-.Ltmp2, $4  }
0x5a: {  	p4 =	sgt.s32 s9, $0x0;
	p1 =	sgt.s32 s3, $0x0;
	[tilespmem:v14+s6+$0x0] =	vst.idx.msk @p2 $0x7fff, v11;
	s6 =	smov.u32 s3  }
0x5b: {  	[tilespmem:s14], [sflag:$0x2] =	stream.indirect.gather [hbm4b:s1+s24], $0x400, s30, s24, $0xb8;
	[tilespmem:$0x1B180] =	vst v63  }
0x5c: {  	s6 =	simm.s32 @!p1 $0x0;
	s9 =	simm.s32 @!p4 $0x0  }
0x5d: {  	s9 =	smin.u32 s9, $0x3D;
	s6 =	smin.u32 s6, $0x3D  }
0x5e: {  	s2 =	rddreg [dreg:$0xa]  }
0x5f: {  	[hbm4b:s2+s4] =	stream.linear.scatter [tilespmem:s26], [sflag:$0x4], $0x4000, $0x38;
	[tilespmem:$0x1B180] =	vst v63  }
0x60: {  	_ =	swait.ge [sflag:s28], $0x4000  }
0x61: {  	[sflag:s28] =	ssyncset.done $0x0  }
0x62: {  	s24 =	rddreg [dreg:$0xb];
	[sflag:s28] =	ssyncadd.s32 $0xFFFFC000  }
0x63: {  	[hbm4b:s24+s4] =	stream.linear.scatter [tilespmem:s26], [sflag:$0x4], $0x4000, $0x38;
	[tilespmem:$0x1B180] =	vst v63  }
0x64: {  	_ =	swait.ge [sflag:s28], $0x4000  }
0x65: {  	[sflag:s28] =	ssyncset.done $0x0  }
0x66: {  	s24 =	rddreg [dreg:$0xc];
	[sflag:s28] =	ssyncadd.s32 $0xFFFFC000  }
0x67: {  	[hbm4b:s24+s4] =	stream.linear.scatter [tilespmem:s26], [sflag:$0x4], $0x4000, $0x38;
	[tilespmem:$0x1B180] =	vst v63  }
0x68: {  	_ =	swait.ge [sflag:s28], $0x4000  }
0x69: {  	[sflag:s28] =	ssyncset.done $0x0  }
.Ltmp3:
0x6a: {  	s24 =	rddreg [dreg:$0xd];
	[sflag:s28] =	ssyncadd.s32 $0xFFFFC000;
	(pc) =	sbr.rel .LBB2_12-.Ltmp3, $4  }
0x6b: {  	[hbm4b:s24+s4] =	stream.linear.scatter [tilespmem:s26], [sflag:$0x4], $0x3400, $0x38;
	[tilespmem:$0x1B180] =	vst v63  }
0x6c: {  	_ =	swait.ge [sflag:s28], $0x3400  }
0x6d: {  	[sflag:s28] =	ssyncset.done $0x0  }
0x6e: {  	[sflag:s28] =	ssyncadd.s32 $0xFFFFCC00  }
.LBB2_2:
.Ltmp4:
0x6f: {  	(pc) =	sbr.rel @!p4 .LBB2_3-.Ltmp4, $2  }
0x70: {  	_ =	sdelay $0x2  }
0x71: {  	s2 =	smov.u32 s25;
	s25 =	smov.u32 s31;
	s31 =	simm.s32 $0x80  }
0x72: {  	p0 =	seq.s32 s9, $0x1  }
.Ltmp5:
0x73: {  	_ = 	snop;
	(pc) =	sbr.rel @p0 .LBB2_10-.Ltmp5, $4  }
0x74: {  	_ = 	snop  }
0x75: {  	[tilespmem:s31], [sflag:$0x4] =	stream.linear.gather [hbm4b:s7+s4], $0x400, $0x38;
	[tilespmem:$0x1B180] =	vst v63  }
0x76: {  	_ =	swait.ge [sflag:s28], $0x400  }
0x77: {  	s24 =	sadd.s32 $0xFFFFFFFF, s9;
	[sflag:s28] =	ssyncset.done $0x0  }
.LBB2_9:
0x78: {  	p0 =	seq.s32 s24, $0x1;
	[sflag:s28] =	ssyncadd.s32 $0xFFFFFC00;
	s31 =	sadd.s32 $0x400, s31  }
.Ltmp6:
0x79: {  	s24 =	sadd.s32 $0xFFFFFFFF, s24;
	(pc) =	sbr.rel @!p0 .LBB2_9-.Ltmp6, $4  }
0x7a: {  	_ = 	snop  }
0x7b: {  	[tilespmem:s31], [sflag:$0x4] =	stream.linear.gather [hbm4b:s7+s4], $0x400, $0x38;
	[tilespmem:$0x1B180] =	vst v63  }
0x7c: {  	_ =	swait.ge [sflag:s28], $0x400  }
0x7d: {  	[sflag:s28] =	ssyncset.done $0x0  }
.LBB2_10:
0x7e: {  	[sflag:s28] =	ssyncadd.s32 $0xFFFFFC00  }
.LBB2_3:
0x7f: {  	p0 =	slt.s32 s3, $0x1  }
.Ltmp7:
0x80: {  	_ = 	snop;
	(pc) =	sbr.rel @p0 .LBB2_7-.Ltmp7, $2  }
0x81: {  	_ =	sdelay $0x2  }
0x82: {  	s31 =	simm.s32 $0xF080  }
0x83: {  	p0 =	sne.s32 s6, $0x1  }
.Ltmp8:
0x84: {  	_ = 	snop;
	(pc) =	sbr.rel @!p0 .LBB2_6-.Ltmp8, $4  }
0x85: {  	_ = 	snop  }
0x86: {  	[tilespmem:s31], [sflag:$0x4] =	stream.linear.gather [hbm4b:s7+s4], $0x400, $0x38;
	[tilespmem:$0x1B180] =	vst v63  }
0x87: {  	_ =	swait.ge [sflag:s28], $0x400  }
0x88: {  	s24 =	sadd.s32 $0xFFFFFFFF, s6;
	[sflag:s28] =	ssyncset.done $0x0  }
.LBB2_5:
0x89: {  	p0 =	sne.s32 s24, $0x1;
	[sflag:s28] =	ssyncadd.s32 $0xFFFFFC00;
	s31 =	sadd.s32 $0xFFFFFC00, s31  }
.Ltmp9:
0x8a: {  	s24 =	sadd.s32 $0xFFFFFFFF, s24;
	(pc) =	sbr.rel @p0 .LBB2_5-.Ltmp9, $4  }
0x8b: {  	_ = 	snop  }
0x8c: {  	[tilespmem:s31], [sflag:$0x4] =	stream.linear.gather [hbm4b:s7+s4], $0x400, $0x38;
	[tilespmem:$0x1B180] =	vst v63  }
0x8d: {  	_ =	swait.ge [sflag:s28], $0x400  }
0x8e: {  	[sflag:s28] =	ssyncset.done $0x0  }
.LBB2_6:
0x8f: {  	[sflag:s28] =	ssyncadd.s32 $0xFFFFFC00  }
.LBB2_7:
0x90: {  	s24 =	rddreg [dreg:$0xa]  }
0x91: {  	[hbm4b:s24+s4] =	stream.linear.scatter [tilespmem:s0], [sflag:$0x3], $0xF400, $0x38;
	[tilespmem:$0x1B180] =	vst v63  }
0x92: {  	_ =	swait.ge [sflag:s16], $0xF400  }
0x93: {  	[sflag:s16] =	ssyncset.done $0x0  }
0x94: {  	s31 =	smov.u32 s25;
	s25 =	smov.u32 s2;
	[sflag:s16] =	ssyncadd.s32 $0xFFFF0C00  }
.LBB2_12:
0x95: {  	s20 =	sadd.s32 s10, s20  }
0x96: {  	p1 =	sgt.u32 s20, $0x7C  }
0x97: {  	v10 =	vlaneseq.u32 @!p1  }
0x98: {  	v11 =	vor.u32 @!p1 $0x10, v10  }
0x99: {  	_ =	swait.ge [sflag:s15], $0x7C00;
	s20 =	smul.u32 @!p1 $0x7D, s20;
	v12 =	vor.u32 @!p1 $0x20, v10  }
0x9a: {  	[sflag:s15] =	ssyncset.done $0x0;
	v13 =	vor.u32 @!p1 $0x30, v10  }
0x9b: {  	[sflag:s15] =	ssyncadd.s32 $0xFFFF8400;
	s24 =	simm.s32 @!p1 $0x1B080;
	v6 =	vadd.s32 @!p1 s20, v6  }
0x9c: {  	[tilespmem:v10+s24+$0x0] =	vst.idx.msk @!p1 $0xffff, v6;
	v6 =	vadd.s32 @!p1 s20, v7  }
0x9d: {  	[tilespmem:v11+s24+$0x0] =	vst.idx.msk @!p1 $0xffff, v6;
	v6 =	vadd.s32 @!p1 s20, v8  }
0x9e: {  	[tilespmem:v12+s24+$0x0] =	vst.idx.msk @!p1 $0xffff, v6;
	v6 =	vadd.s32 @!p1 s20, v9  }
0x9f: {  	s2 =	simm.s32 $0x3D;
	[tilespmem:v13+s24+$0x0] =	vst.idx.msk @!p1 $0x1fff, v6  }
0xa0: {  	[tilespmem:s0], [sflag:$0x1] =	stream.indirect.gather [hbm4b:s1+s2], $0x400, s29, s2, $0xb8;
	[tilespmem:$0x1B180] =	vst v63  }
.Ltmp10:
0xa1: {  	s2 =	simm.s32 @!p4 $0x0;
	(pc) =	sbr.rel @!p2 .LBB2_22-.Ltmp10, $4  }
0xa2: {  	s2 =	simm.s32 @p4 $0x1  }
0xa3: {  	[smem:$0x7F9] =	sst s2;
	s2 =	simm.s32 @!p1 $0x0  }
0xa4: {  	s2 =	simm.s32 @p1 $0x1  }
0xa5: {  	[smem:$0x7FA] =	sst s2  }
0xa6: {  	s13 =	ssub.s32 $0x8, s17  }
0xa7: {  	p0 =	sgt.s32 s13, $0x0  }
.Ltmp11:
0xa8: {  	_ = 	snop;
	(pc) =	sbr.rel @!p0 .LBB2_17-.Ltmp11, $1  }
0xa9: {  	_ =	sdelay $0x3  }
0xaa: {  	s13 =	simm.s32 @!p0 $0x0  }
0xab: {  	s20 =	smin.u32 s13, $0x1F  }
0xac: {  	p0 =	seq.s32 s20, $0x1  }
.Ltmp12:
0xad: {  	_ = 	snop;
	(pc) =	sbr.rel @p0 .LBB2_16-.Ltmp12, $4  }
0xae: {  	s13 =	simm.s32 $0xF480  }
0xaf: {  	[tilespmem:s13], [sflag:$0x4] =	stream.linear.gather [hbm4b:s7+s4], $0x400, $0x38;
	[tilespmem:$0x1B180] =	vst v63  }
0xb0: {  	_ =	swait.ge [sflag:s28], $0x400  }
0xb1: {  	s20 =	sadd.s32 $0xFFFFFFFF, s20;
	[sflag:s28] =	ssyncset.done $0x0  }
.LBB2_15:
0xb2: {  	p0 =	seq.s32 s20, $0x1;
	[sflag:s28] =	ssyncadd.s32 $0xFFFFFC00;
	s13 =	sadd.s32 $0x400, s13  }
.Ltmp13:
0xb3: {  	s20 =	sadd.s32 $0xFFFFFFFF, s20;
	(pc) =	sbr.rel @!p0 .LBB2_15-.Ltmp13, $4  }
0xb4: {  	_ = 	snop  }
0xb5: {  	[tilespmem:s13], [sflag:$0x4] =	stream.linear.gather [hbm4b:s7+s4], $0x400, $0x38;
	[tilespmem:$0x1B180] =	vst v63  }
0xb6: {  	_ =	swait.ge [sflag:s28], $0x400  }
0xb7: {  	[sflag:s28] =	ssyncset.done $0x0  }
.LBB2_16:
0xb8: {  	[sflag:s28] =	ssyncadd.s32 $0xFFFFFC00  }
.LBB2_17:
0xb9: {  	s13 =	sadd.s32 $0xFFFFFF9A, s17  }
0xba: {  	p0 =	slt.s32 s13, $0x1  }
.Ltmp14:
0xbb: {  	_ = 	snop;
	(pc) =	sbr.rel @p0 .LBB2_21-.Ltmp14, $1  }
0xbc: {  	_ =	sdelay $0x3  }
0xbd: {  	p0 =	sgt.s32 s13, $0x0  }
0xbe: {  	s13 =	simm.s32 @!p0 $0x0  }
0xbf: {  	s17 =	smin.u32 s13, $0x1F  }
0xc0: {  	p0 =	sne.s32 s17, $0x1  }
.Ltmp15:
0xc1: {  	_ = 	snop;
	(pc) =	sbr.rel @!p0 .LBB2_20-.Ltmp15, $4  }
0xc2: {  	s13 =	simm.s32 $0x16C80  }
0xc3: {  	[tilespmem:s13], [sflag:$0x4] =	stream.linear.gather [hbm4b:s7+s4], $0x400, $0x38;
	[tilespmem:$0x1B180] =	vst v63  }
0xc4: {  	_ =	swait.ge [sflag:s28], $0x400  }
0xc5: {  	s17 =	sadd.s32 $0xFFFFFFFF, s17;
	[sflag:s28] =	ssyncset.done $0x0  }
.LBB2_19:
0xc6: {  	p0 =	sne.s32 s17, $0x1;
	[sflag:s28] =	ssyncadd.s32 $0xFFFFFC00;
	s13 =	sadd.s32 $0xFFFFFC00, s13  }
.Ltmp16:
0xc7: {  	s17 =	sadd.s32 $0xFFFFFFFF, s17;
	(pc) =	sbr.rel @p0 .LBB2_19-.Ltmp16, $4  }
0xc8: {  	_ = 	snop  }
0xc9: {  	[tilespmem:s13], [sflag:$0x4] =	stream.linear.gather [hbm4b:s7+s4], $0x400, $0x38;
	[tilespmem:$0x1B180] =	vst v63  }
0xca: {  	_ =	swait.ge [sflag:s28], $0x400  }
0xcb: {  	[sflag:s28] =	ssyncset.done $0x0  }
.LBB2_20:
0xcc: {  	[sflag:s28] =	ssyncadd.s32 $0xFFFFFC00  }
.LBB2_21:
.Ltmp17:
0xcd: {  	s2 =	rddreg [dreg:$0xe];
	(pc) =	sbr.rel .LBB2_23-.Ltmp17, $4  }
0xce: {  	[hbm4b:s2+s4] =	stream.linear.scatter [tilespmem:s14], [sflag:$0x3], $0x7C00, $0x38;
	[tilespmem:$0x1B180] =	vst v63  }
0xcf: {  	_ =	swait.ge [sflag:s16], $0x7C00  }
0xd0: {  	[sflag:s16] =	ssyncset.done $0x0  }
0xd1: {  	p0 =	por p3, p3;
	[sflag:s16] =	ssyncadd.s32 $0xFFFF8400  }
.LBB2_22:
0xd2: {  	p0 =	slt.u32 @!p3 s13, $0x7D  }
0xd3: {  	s2 =	rddreg [dreg:$0xe];
	p0 =	por p0, p3  }
0xd4: {  	s13 =	simm.s32 @!p0 $0x0;
	s17 =	simm.s32 @!p0 $0x17080;
	s20 =	simm.s32 @!p0 $0x4  }
0xd5: {  	[hbm4b:s2+s13] =	stream.linear.scatter @!p0 [tilespmem:s17], [sflag:$0x4], $0x4000, $0x38;
	[tilespmem:$0x1B180] =	vst v63  }
0xd6: {  	_ =	swait.ge @!p0 [sflag:s20], $0x4000  }
0xd7: {  	[sflag:s20] =	ssyncset.done @!p0 $0x0  }
0xd8: {  	s2 =	rddreg [dreg:$0xf];
	[sflag:s20] =	ssyncadd.s32 @!p0 $0xFFFFC000  }
0xd9: {  	[hbm4b:s2+s13] =	stream.linear.scatter @!p0 [tilespmem:s17], [sflag:$0x4], $0x3C00, $0x38;
	[tilespmem:$0x1B180] =	vst v63  }
0xda: {  	_ =	swait.ge @!p0 [sflag:s20], $0x3C00  }
0xdb: {  	[sflag:s20] =	ssyncset.done @!p0 $0x0  }
0xdc: {  	[sflag:s20] =	ssyncadd.s32 @!p0 $0xFFFFC400;
	p0 =	por p3, p3  }
.LBB2_23:
0xdd: {  	p1 =	slt.u32 @!p2 s11, $0x7D  }
0xde: {  	s20 =	sld [smem:$0x7FB];
	s2 =	simm.s32 @!p1 $0x0  }
0xdf: {  	s2 =	simm.s32 @p1 $0x1  }
0xe0: {  	[smem:$0x7F8] =	sst s2  }
0xe1: {  	p1 =	seq.s32 s20, $0x1;
	s24 =	sld [smem:$0x7F8]  }
0xe2: {  	p4 =	por @!p6 $0x1, $0x1;
	s11 =	sadd.s32 $0x7FFFFF8E, s21;
	p5 =	por @!p2 !p5, p1  }
0xe3: {  	s17 =	sld [smem:$0x7FB];
	p6 =	por !p5, p2;
	p5 =	por @!p2 $0x0, $0x0  }
0xe4: {  	s20 =	smov.u32 s11;
	p5 =	por @!p6 p4, p4;
	p1 =	seq.s32 s24, $0x1  }
0xe5: {  	p0 =	por @!p6 p4, p4;
	p1 =	por @!p6 p4, p4;
	p6 =	sgt.s32 s11, $0x0  }
0xe6: {  	s20 =	simm.s32 @!p6 $0x0;
	p6 =	por @!p2 $0x0, $0x0  }
0xe7: {  	s13 =	sxor.u32 $0x80000000, s21;
	s2 =	simm.s32 @!p6 $0x0  }
0xe8: {  	p4 =	seq.s32 s17, $0x1;
	s17 =	sld [smem:$0x7F8];
	s2 =	simm.s32 @p6 $0x1  }
0xe9: {  	s13 =	ssub.s32 $0x4, s13;
	[smem:$0x7F6] =	sst s2  }
0xea: {  	p3 =	sgt.s32 s13, $0x0;
	s24 =	sld [smem:$0x7F6]  }
0xeb: {  	s13 =	simm.s32 @!p3 $0x0;
	s2 =	simm.s32 @!p3 $0x0  }
0xec: {  	p6 =	por !p4, p2;
	s2 =	simm.s32 @p3 $0x1;
	p3 =	seq.s32 s17, $0x1  }
0xed: {  	p1 =	por @!p6 p3, p3;
	p4 =	seq.s32 s24, $0x1  }
0xee: {  	p3 =	por @p2 $0x0, $0x0;
	s24 =	sld [smem:$0x7FD];
	p5 =	por @!p6 p4, p4  }
0xef: {  	p3 =	por @!p2 p5, p5  }
.Ltmp18:
0xf0: {  	_ = 	snop;
	(pc) =	sbr.rel @!p3 .LBB2_30-.Ltmp18, $4  }
0xf1: {  	p4 =	seq.s32 s24, $0x1;
	s24 =	sld [smem:$0x7FA]  }
0xf2: {  	s17 =	sadd.s32 @p2 s12, s23;
	[smem:$0x7F7] =	sst s2  }
0xf3: {  	p0 =	por @!p6 p4, p4;
	p6 =	slt.u32 @p2 s17, $0x7D;
	p4 =	por @p2 $0x0, $0x0  }
0xf4: {  	s17 =	smin.u32 s13, $0xF;
	s13 =	smin.u32 s20, $0xF;
	p5 =	seq.s32 s24, $0x1  }
0xf5: {  	s2 =	sld [smem:$0x7F7];
	_ =	sdelay $0x2  }
0xf6: {  	p5 =	por p0, p0;
	p0 =	seq.s32 s2, $0x1  }
.Ltmp19:
0xf7: {  	_ = 	snop;
	(pc) =	sbr.rel @!p0 .LBB2_25-.Ltmp19, $2  }
0xf8: {  	_ =	sdelay $0x2  }
0xf9: {  	s20 =	simm.s32 $0xF480  }
0xfa: {  	p3 =	seq.s32 s17, $0x1  }
.Ltmp20:
0xfb: {  	_ = 	snop;
	(pc) =	sbr.rel @p3 .LBB2_39-.Ltmp20, $4  }
0xfc: {  	_ = 	snop  }
0xfd: {  	[tilespmem:s20], [sflag:$0x4] =	stream.linear.gather [hbm4b:s7+s4], $0x400, $0x38;
	[tilespmem:$0x1B180] =	vst v63  }
0xfe: {  	_ =	swait.ge [sflag:s28], $0x400  }
0xff: {  	s24 =	sadd.s32 $0xFFFFFFFF, s17;
	[sflag:s28] =	ssyncset.done $0x0  }
.LBB2_38:
0x100: {  	p3 =	seq.s32 s24, $0x1;
	[sflag:s28] =	ssyncadd.s32 $0xFFFFFC00;
	s20 =	sadd.s32 $0x400, s20  }
.Ltmp21:
0x101: {  	s24 =	sadd.s32 $0xFFFFFFFF, s24;
	(pc) =	sbr.rel @!p3 .LBB2_38-.Ltmp21, $4  }
0x102: {  	_ = 	snop  }
0x103: {  	[tilespmem:s20], [sflag:$0x4] =	stream.linear.gather [hbm4b:s7+s4], $0x400, $0x38;
	[tilespmem:$0x1B180] =	vst v63  }
0x104: {  	_ =	swait.ge [sflag:s28], $0x400  }
0x105: {  	[sflag:s28] =	ssyncset.done $0x0  }
.LBB2_39:
0x106: {  	[sflag:s28] =	ssyncadd.s32 $0xFFFFFC00  }
.LBB2_25:
0x107: {  	p3 =	slt.s32 s11, $0x1  }
.Ltmp22:
0x108: {  	_ = 	snop;
	(pc) =	sbr.rel @p3 .LBB2_29-.Ltmp22, $2  }
0x109: {  	s2 =	sld [smem:$0x7FA];
	_ =	sdelay $0x2  }
0x10a: {  	s20 =	simm.s32 $0x12C80;
	p0 =	por p5, p5;
	p5 =	seq.s32 s2, $0x1  }
0x10b: {  	p3 =	sne.s32 s13, $0x1  }
.Ltmp23:
0x10c: {  	_ = 	snop;
	(pc) =	sbr.rel @!p3 .LBB2_28-.Ltmp23, $4  }
0x10d: {  	_ = 	snop  }
0x10e: {  	[tilespmem:s20], [sflag:$0x4] =	stream.linear.gather [hbm4b:s7+s4], $0x400, $0x38;
	[tilespmem:$0x1B180] =	vst v63  }
0x10f: {  	_ =	swait.ge [sflag:s28], $0x400  }
0x110: {  	s24 =	sadd.s32 $0xFFFFFFFF, s13;
	[sflag:s28] =	ssyncset.done $0x0  }
.LBB2_27:
0x111: {  	p3 =	sne.s32 s24, $0x1;
	[sflag:s28] =	ssyncadd.s32 $0xFFFFFC00;
	s20 =	sadd.s32 $0xFFFFFC00, s20  }
.Ltmp24:
0x112: {  	s24 =	sadd.s32 $0xFFFFFFFF, s24;
	(pc) =	sbr.rel @p3 .LBB2_27-.Ltmp24, $4  }
0x113: {  	_ = 	snop  }
0x114: {  	[tilespmem:s20], [sflag:$0x4] =	stream.linear.gather [hbm4b:s7+s4], $0x400, $0x38;
	[tilespmem:$0x1B180] =	vst v63  }
0x115: {  	_ =	swait.ge [sflag:s28], $0x400  }
0x116: {  	[sflag:s28] =	ssyncset.done $0x0  }
.LBB2_28:
0x117: {  	[sflag:s28] =	ssyncadd.s32 $0xFFFFFC00  }
.LBB2_29:
0x118: {  	[hbm4b:s25+s4] =	stream.linear.scatter [tilespmem:s14], [sflag:$0x3], $0x3C00, $0x38;
	[tilespmem:$0x1B180] =	vst v63  }
0x119: {  	_ =	swait.ge [sflag:s16], $0x3C00  }
0x11a: {  	[sflag:s16] =	ssyncset.done $0x0  }
0x11b: {  	[sflag:s16] =	ssyncadd.s32 $0xFFFFC400  }
.LBB2_30:
0x11c: {  	p6 =	por @!p2 p1, p1  }
0x11d: {  	p4 =	por @!p2 p0, p0;
	p6 =	por !p6, !p6  }
0x11e: {  	p0 =	por !p4, !p6  }
0x11f: {  	p0 =	por !p0, !p0  }
0x120: {  	s20 =	simm.s32 @p0 $0x0;
	s24 =	simm.s32 @p0 $0x17080  }
0x121: {  	[hbm4b:s25+s20] =	stream.linear.scatter @p0 [tilespmem:s24], [sflag:$0x4], $0x3C00, $0x38;
	[tilespmem:$0x1B180] =	vst v63  }
0x122: {  	s23 =	sadd.s32 s19, s23;
	s20 =	simm.s32 @p0 $0x4  }
0x123: {  	p2 =	sgt.u32 s23, $0x7C;
	_ =	swait.ge @p0 [sflag:s20], $0x3C00  }
0x124: {  	v6 =	vlaneseq.u32 @!p2;
	[sflag:s20] =	ssyncset.done @p0 $0x0  }
0x125: {  	[sflag:s20] =	ssyncadd.s32 @p0 $0xFFFFC400;
	s20 =	smul.u32 @!p2 $0x7D, s23  }
.Ltmp25:
0x126: {  	_ =	swait.ge [sflag:s5], $0xF400;
	(pc) =	sbr.rel @!p5 .LBB2_31-.Ltmp25, $4  }
0x127: {  	[sflag:s5] =	ssyncset.done $0x0  }
0x128: {  	v5 =	vadd.s32 @!p2 s20, v5;
	s20 =	simm.s32 @!p2 $0x1B100;
	[sflag:s5] =	ssyncadd.s32 $0xFFFF0C00  }
0x129: {  	s24 =	simm.s32 $0x1F;
	[tilespmem:v6+s20+$0x0] =	vst.idx.msk @!p2 $0x7fff, v5  }
0x12a: {  	[tilespmem:s14], [sflag:$0x2] =	stream.indirect.gather [hbm4b:s1+s24], $0x400, s30, s24, $0xb8;
	[tilespmem:$0x1B180] =	vst v63  }
0x12b: {  	s2 =	rddreg [dreg:$0x10]  }
0x12c: {  	[hbm4b:s2+s4] =	stream.linear.scatter [tilespmem:s26], [sflag:$0x4], $0x4000, $0x38;
	[tilespmem:$0x1B180] =	vst v63  }
0x12d: {  	_ =	swait.ge [sflag:s28], $0x4000  }
0x12e: {  	[sflag:s28] =	ssyncset.done $0x0  }
0x12f: {  	s6 =	rddreg [dreg:$0x11];
	[sflag:s28] =	ssyncadd.s32 $0xFFFFC000  }
0x130: {  	[hbm4b:s6+s4] =	stream.linear.scatter [tilespmem:s26], [sflag:$0x4], $0x4000, $0x38;
	[tilespmem:$0x1B180] =	vst v63  }
0x131: {  	_ =	swait.ge [sflag:s28], $0x4000  }
0x132: {  	[sflag:s28] =	ssyncset.done $0x0  }
0x133: {  	s9 =	rddreg [dreg:$0x12];
	[sflag:s28] =	ssyncadd.s32 $0xFFFFC000  }
0x134: {  	[hbm4b:s9+s4] =	stream.linear.scatter [tilespmem:s26], [sflag:$0x4], $0x4000, $0x38;
	[tilespmem:$0x1B180] =	vst v63  }
0x135: {  	_ =	swait.ge [sflag:s28], $0x4000  }
0x136: {  	[sflag:s28] =	ssyncset.done $0x0  }
0x137: {  	s20 =	rddreg [dreg:$0x13];
	[sflag:s28] =	ssyncadd.s32 $0xFFFFC000  }
0x138: {  	[hbm4b:s20+s4] =	stream.linear.scatter [tilespmem:s26], [sflag:$0x4], $0x3400, $0x38;
	[tilespmem:$0x1B180] =	vst v63  }
.Ltmp26:
0x139: {  	_ =	swait.ge [sflag:s28], $0x3400;
	(pc) =	sbr.rel .LBB2_44-.Ltmp26, $3  }
0x13a: {  	s23 =	sld [smem:$0x7FD];
	_ =	sdelay $0x1  }
0x13b: {  	[sflag:s28] =	ssyncset.done $0x0  }
0x13c: {  	[sflag:s28] =	ssyncadd.s32 $0xFFFFCC00;
	p3 =	seq.s32 s23, $0x1  }
.LBB2_31:
0x13d: {  	s23 =	sld [smem:$0x7F9];
	_ =	sdelay $0x2  }
0x13e: {  	p0 =	seq.s32 s23, $0x1  }
.Ltmp27:
0x13f: {  	_ = 	snop;
	(pc) =	sbr.rel @!p0 .LBB2_32-.Ltmp27, $2  }
0x140: {  	s2 =	sld [smem:$0x7FD];
	_ =	sdelay $0x2  }
0x141: {  	s20 =	simm.s32 $0x80;
	p3 =	seq.s32 s2, $0x1  }
0x142: {  	p0 =	seq.s32 s9, $0x1  }
.Ltmp28:
0x143: {  	_ = 	snop;
	(pc) =	sbr.rel @p0 .LBB2_42-.Ltmp28, $4  }
0x144: {  	_ = 	snop  }
0x145: {  	[tilespmem:s20], [sflag:$0x4] =	stream.linear.gather [hbm4b:s7+s4], $0x400, $0x38;
	[tilespmem:$0x1B180] =	vst v63  }
0x146: {  	_ =	swait.ge [sflag:s28], $0x400  }
0x147: {  	s9 =	sadd.s32 $0xFFFFFFFF, s9;
	[sflag:s28] =	ssyncset.done $0x0  }
.LBB2_41:
0x148: {  	p0 =	seq.s32 s9, $0x1;
	[sflag:s28] =	ssyncadd.s32 $0xFFFFFC00;
	s20 =	sadd.s32 $0x400, s20  }
.Ltmp29:
0x149: {  	s9 =	sadd.s32 $0xFFFFFFFF, s9;
	(pc) =	sbr.rel @!p0 .LBB2_41-.Ltmp29, $4  }
0x14a: {  	_ = 	snop  }
0x14b: {  	[tilespmem:s20], [sflag:$0x4] =	stream.linear.gather [hbm4b:s7+s4], $0x400, $0x38;
	[tilespmem:$0x1B180] =	vst v63  }
0x14c: {  	_ =	swait.ge [sflag:s28], $0x400  }
0x14d: {  	[sflag:s28] =	ssyncset.done $0x0  }
.LBB2_42:
0x14e: {  	[sflag:s28] =	ssyncadd.s32 $0xFFFFFC00  }
.LBB2_32:
0x14f: {  	p0 =	slt.s32 s3, $0x1  }
.Ltmp30:
0x150: {  	_ = 	snop;
	(pc) =	sbr.rel @p0 .LBB2_36-.Ltmp30, $2  }
0x151: {  	_ =	sdelay $0x2  }
0x152: {  	s3 =	simm.s32 $0xF080  }
0x153: {  	p0 =	sne.s32 s6, $0x1  }
.Ltmp31:
0x154: {  	_ = 	snop;
	(pc) =	sbr.rel @!p0 .LBB2_35-.Ltmp31, $4  }
0x155: {  	_ = 	snop  }
0x156: {  	[tilespmem:s3], [sflag:$0x4] =	stream.linear.gather [hbm4b:s7+s4], $0x400, $0x38;
	[tilespmem:$0x1B180] =	vst v63  }
0x157: {  	_ =	swait.ge [sflag:s28], $0x400  }
0x158: {  	s6 =	sadd.s32 $0xFFFFFFFF, s6;
	[sflag:s28] =	ssyncset.done $0x0  }
.LBB2_34:
0x159: {  	p0 =	sne.s32 s6, $0x1;
	[sflag:s28] =	ssyncadd.s32 $0xFFFFFC00;
	s3 =	sadd.s32 $0xFFFFFC00, s3  }
.Ltmp32:
0x15a: {  	s6 =	sadd.s32 $0xFFFFFFFF, s6;
	(pc) =	sbr.rel @p0 .LBB2_34-.Ltmp32, $4  }
0x15b: {  	_ = 	snop  }
0x15c: {  	[tilespmem:s3], [sflag:$0x4] =	stream.linear.gather [hbm4b:s7+s4], $0x400, $0x38;
	[tilespmem:$0x1B180] =	vst v63  }
0x15d: {  	_ =	swait.ge [sflag:s28], $0x400  }
0x15e: {  	[sflag:s28] =	ssyncset.done $0x0  }
.LBB2_35:
0x15f: {  	[sflag:s28] =	ssyncadd.s32 $0xFFFFFC00  }
.LBB2_36:
0x160: {  	s2 =	rddreg [dreg:$0x10]  }
0x161: {  	[hbm4b:s2+s4] =	stream.linear.scatter [tilespmem:s0], [sflag:$0x3], $0xF400, $0x38;
	[tilespmem:$0x1B180] =	vst v63  }
0x162: {  	_ =	swait.ge [sflag:s16], $0xF400  }
0x163: {  	[sflag:s16] =	ssyncset.done $0x0  }
0x164: {  	[sflag:s16] =	ssyncadd.s32 $0xFFFF0C00  }
.LBB2_44:
.Ltmp33:
0x165: {  	(pc) =	sbr.rel @p2 .LBB2_54-.Ltmp33, $4  }
0x166: {  	_ = 	snop  }
0x167: {  	_ =	swait.ge [sflag:s15], $0x7C00  }
0x168: {  	[sflag:s15] =	ssyncset.done $0x0  }
0x169: {  	[sflag:s15] =	ssyncadd.s32 $0xFFFF8400  }
0x16a: {  	s2 =	sld [smem:$0x7F7];
	_ =	sdelay $0x2  }
0x16b: {  	p0 =	seq.s32 s2, $0x1  }
.Ltmp34:
0x16c: {  	_ = 	snop;
	(pc) =	sbr.rel @!p0 .LBB2_46-.Ltmp34, $2  }
0x16d: {  	_ =	sdelay $0x2  }
0x16e: {  	s3 =	simm.s32 $0xF480  }
0x16f: {  	p0 =	seq.s32 s17, $0x1  }
.Ltmp35:
0x170: {  	_ = 	snop;
	(pc) =	sbr.rel @p0 .LBB2_53-.Ltmp35, $4  }
0x171: {  	_ = 	snop  }
0x172: {  	[tilespmem:s3], [sflag:$0x4] =	stream.linear.gather [hbm4b:s7+s4], $0x400, $0x38;
	[tilespmem:$0x1B180] =	vst v63  }
0x173: {  	_ =	swait.ge [sflag:s28], $0x400  }
0x174: {  	s6 =	sadd.s32 $0xFFFFFFFF, s17;
	[sflag:s28] =	ssyncset.done $0x0  }
.LBB2_52:
0x175: {  	p0 =	seq.s32 s6, $0x1;
	[sflag:s28] =	ssyncadd.s32 $0xFFFFFC00;
	s3 =	sadd.s32 $0x400, s3  }
.Ltmp36:
0x176: {  	s6 =	sadd.s32 $0xFFFFFFFF, s6;
	(pc) =	sbr.rel @!p0 .LBB2_52-.Ltmp36, $4  }
0x177: {  	_ = 	snop  }
0x178: {  	[tilespmem:s3], [sflag:$0x4] =	stream.linear.gather [hbm4b:s7+s4], $0x400, $0x38;
	[tilespmem:$0x1B180] =	vst v63  }
0x179: {  	_ =	swait.ge [sflag:s28], $0x400  }
0x17a: {  	[sflag:s28] =	ssyncset.done $0x0  }
.LBB2_53:
0x17b: {  	[sflag:s28] =	ssyncadd.s32 $0xFFFFFC00  }
.LBB2_46:
0x17c: {  	p0 =	slt.s32 s11, $0x1  }
.Ltmp37:
0x17d: {  	_ = 	snop;
	(pc) =	sbr.rel @p0 .LBB2_50-.Ltmp37, $2  }
0x17e: {  	_ =	sdelay $0x2  }
0x17f: {  	s3 =	simm.s32 $0x12C80  }
0x180: {  	p0 =	sne.s32 s13, $0x1  }
.Ltmp38:
0x181: {  	_ = 	snop;
	(pc) =	sbr.rel @!p0 .LBB2_49-.Ltmp38, $4  }
0x182: {  	_ = 	snop  }
0x183: {  	[tilespmem:s3], [sflag:$0x4] =	stream.linear.gather [hbm4b:s7+s4], $0x400, $0x38;
	[tilespmem:$0x1B180] =	vst v63  }
0x184: {  	_ =	swait.ge [sflag:s28], $0x400  }
0x185: {  	s6 =	sadd.s32 $0xFFFFFFFF, s13;
	[sflag:s28] =	ssyncset.done $0x0  }
.LBB2_48:
0x186: {  	p0 =	sne.s32 s6, $0x1;
	[sflag:s28] =	ssyncadd.s32 $0xFFFFFC00;
	s3 =	sadd.s32 $0xFFFFFC00, s3  }
.Ltmp39:
0x187: {  	s6 =	sadd.s32 $0xFFFFFFFF, s6;
	(pc) =	sbr.rel @p0 .LBB2_48-.Ltmp39, $4  }
0x188: {  	_ = 	snop  }
0x189: {  	[tilespmem:s3], [sflag:$0x4] =	stream.linear.gather [hbm4b:s7+s4], $0x400, $0x38;
	[tilespmem:$0x1B180] =	vst v63  }
0x18a: {  	_ =	swait.ge [sflag:s28], $0x400  }
0x18b: {  	[sflag:s28] =	ssyncset.done $0x0  }
.LBB2_49:
0x18c: {  	[sflag:s28] =	ssyncadd.s32 $0xFFFFFC00  }
.LBB2_50:
.Ltmp40:
0x18d: {  	(pc) =	sbr.rel .LBB2_55-.Ltmp40, $3  }
0x18e: {  	_ =	sdelay $0x1  }
0x18f: {  	s2 =	rddreg [dreg:$0x14];
	s3 =	simm.s32 $0x3  }
0x190: {  	[hbm4b:s2+s4] =	stream.linear.scatter [tilespmem:s14], [sflag:$0x3], $0x3C00, $0x38;
	[tilespmem:$0x1B180] =	vst v63  }
.LBB2_56:
0x191: {  	_ =	sfence.sel $0x180000  }
0x192: {  	[bflag:$0x0] =	sbarrier.arrive $0xFFFF  }
0x193: {  	_ =	strace $0x90000047  }
0x194: {  	s0 =	stileid.u32;
	[bflag:$0x2] =	sbarrier.arrive $0xFFFF  }
0x195: {  	p0 =	sne.s32 s0, $0x0;
	s0 =	rddreg [dreg:$0x6]  }
0x196: {  	s0 =	sadd.s32 @!p0 $0x100000, s0  }
0x197: {  	[sflag:s0] =	ssyncadd.tile.s32 @!p0 $0x1;
	_ =	shalt  }
.Lfunc_end2:
_tile_overlayer_lowered:
.L_overlay_start_2:
0x198: {  	(tag) =	ssettag $0x2  }
0x199: {  	s0 =	rddreg [dreg:$0x0];
	s2 =	stileid.u32  }
0x19a: {  	s1 =	rddreg [dreg:$0x1];
	p0 =	sne.s32 s2, $0x0  }
0x19b: {  	s3 =	rddreg [dreg:$0x2];
	[bflag:$0x3] =	sbarrier.arrive $0xFFFF;
	s2 =	simm.s32 @!p0 $0x1C04  }
0x19c: {  	[timem:s3], [sflag:s2] =	dma.local @!p0 [hbm:s0], s1  }
0x19d: {  	s0 =	simm.s32 @!p0 $0x4  }
0x19e: {  	_ =	swait.ge @!p0 [sflag:s0], s1  }
0x19f: {  	s1 =	ssub.s32 @!p0 $0x0, s1;
	[sflag:s0] =	ssyncset.done @!p0 $0x0  }
0x1a0: {  	[sflag:s0] =	ssyncadd.s32 @!p0 s1  }
0x1a1: {  	[bflag:$0x3] =	sbarrier.arrive $0xFFFF  }
0x1a2: {  	_ =	shalt  }

</sc_bundles>
